<compile_context>
chip_gen: v7x
topology: tpu7x:2x2x1
jax: 0.10.2.dev20260603
libtpu: 0.0.44.dev20260713+nightly
codegen_flags: <defaults>
</compile_context>

<pallas_src>
import functools

import jax
import jax.numpy as jnp
from jax import lax
from jax.experimental import pallas as pl
from jax.experimental.pallas import tpu as pltpu
from jax.experimental.pallas import tpu_sc as plsc

_E = 16
_G = 4
_T = 12 * 2048
_CAP = 2048.0
_ROW_TOKENS = 1024
_ROW_WORDS = _ROW_TOKENS * _E
_BLOCKS = _ROW_TOKENS // _E

_info = plsc.get_sparse_core_info()
_NC, _NS = _info.num_cores, _info.num_subcores
_NW = _NC * _NS
_L_SC = 8
_L_TC = 12 - _L_SC
_RPW = 2 * _L_SC // 8
_ACC = _RPW * _E * _E

_LN2 = 0.6931471805599453
_SQRT2 = 1.4142135623730951


def _vlog(s):
    bits = lax.bitcast_convert_type(s, jnp.int32)
    e = jnp.right_shift(bits, 23) - 127
    mant = jnp.bitwise_or(jnp.bitwise_and(bits, 0x007FFFFF), 0x3F800000)
    f = lax.bitcast_convert_type(mant, jnp.float32)
    big = f >= _SQRT2
    f = jnp.where(big, f * 0.5, f)
    e = e + jnp.where(big, 1, 0)
    t = (f - 1.0) / (f + 1.0)
    t2 = t * t
    w = 2.0 * t * (1.0 + t2 * (1.0 / 3.0 + t2 * (0.2 + t2 * (1.0 / 7.0 + t2 / 9.0))))
    return e.astype(jnp.float32) * _LN2 + w


def _tree(f, xs):
    while len(xs) > 1:
        nxt = [f(xs[i], xs[i + 1]) for i in range(0, len(xs) - 1, 2)]
        if len(xs) % 2:
            nxt.append(xs[-1])
        xs = nxt
    return xs[0]


_EOFF = [(e // 8) * 8192 + (e % 8) * 128 for e in range(_E)]


def _block(buf, dynbase, zvec, pregs, off, cacc):
    l = [buf[pl.ds(_EOFF[e] + dynbase, _E)] for e in range(_E)]
    m = _tree(jnp.maximum, l)
    ex = [jnp.exp(le - m) for le in l]
    s = _tree(lambda a, b: a + b, ex)
    r = 1.0 / s
    pregs = [pregs[e] + ex[e] * r for e in range(_E)]
    for e in range(_E):
        plsc.addupdate(cacc.at[pl.ds(off + e * _E, _E)],
                       jnp.where(l[e] == m, 1.0, 0.0))
    logz = m + _vlog(s)
    return zvec + logz * logz, pregs


def _row_body(buf, j, cacc, zvec, pregs):
    off = j * _E * _E

    def body(k, carry):
        dynbase = (k >> 3) * 1024 + (k & 7) * _E
        z, pr = carry
        z, pr = _block(buf, dynbase, z, list(pr), off, cacc)
        return (z, tuple(pr))

    out = lax.fori_loop(0, _BLOCKS, body, (zvec, tuple(pregs)))
    return out[0], list(out[1])


@functools.partial(
    pl.kernel,
    out_type=(
        jax.ShapeDtypeStruct((_NW * _E,), jnp.float32),
        jax.ShapeDtypeStruct((_NW * _E,), jnp.float32),
        jax.ShapeDtypeStruct((_NW * _E,), jnp.float32),
    ),
    mesh=plsc.VectorSubcoreMesh(core_axis_name="c", subcore_axis_name="s"),
    compiler_params=pltpu.CompilerParams(needs_layout_passes=False,
                                         disable_bounds_checks=True,
                                         disable_semaphore_checks=True,
                                         skip_device_barrier=True),
    scratch_types=[
        pltpu.VMEM((_ROW_WORDS,), jnp.float32),
        pltpu.VMEM((_ROW_WORDS,), jnp.float32),
        pltpu.VMEM((_ACC,), jnp.float32),
        pltpu.VMEM((_ACC,), jnp.float32),
        pltpu.VMEM((_E,), jnp.float32),
        pltpu.SemaphoreType.DMA,
        pltpu.SemaphoreType.DMA,
    ],
)
def _router_loss_sc(x_hbm, p_out, c_out, z_out,
                    buf0, buf1, pacc, cacc, zacc, sem0, sem1):
    wid = lax.axis_index("s") * _NC + lax.axis_index("c")
    g = wid // 8
    q = wid % 8
    zero = jnp.zeros((_E,), jnp.float32)
    for i in range(_ACC // _E):
        cacc[pl.ds(i * _E, _E)] = zero

    def half_slab(n):
        m = q * _RPW + n
        i, h = m // 2, m % 2
        slab = (i * _G + g) * (2 * _ROW_WORDS)
        lo = slab + h * 8192
        return lo

    def copy_row(n, buf, sem):
        lo = half_slab(n)
        ch = pltpu.async_copy(x_hbm.at[pl.ds(lo, 8192)],
                              buf.at[pl.ds(0, 8192)], sem)
        cl = pltpu.async_copy(x_hbm.at[pl.ds(lo + 16384, 8192)],
                              buf.at[pl.ds(8192, 8192)], sem)
        return ch, cl

    cp0 = copy_row(0, buf0, sem0)
    cp1 = copy_row(1, buf1, sem1)
    pregs = [zero] * _E
    cp0[0].wait()
    cp0[1].wait()
    z0, pregs = _row_body(buf0, 0, cacc, zero, pregs)
    cp1[0].wait()
    cp1[1].wait()
    z1, pregs = _row_body(buf1, 1, cacc, z0, pregs)
    zacc[...] = z1

    iota = lax.iota(jnp.int32, _E)
    iota16 = iota * _E
    for w in range(_E):
        pacc[pl.ds(w * _E, _E)] = pregs[w]
        for n in range(1, _RPW):
            off = n * _E * _E + w * _E
            cacc[pl.ds(w * _E, _E)] = (cacc[pl.ds(w * _E, _E)]
                                       + cacc[pl.ds(off, _E)])
    pcols = [plsc.load_gather(pacc, [iota16 + t]) for t in range(_E)]
    ccols = [plsc.load_gather(cacc, [iota16 + t]) for t in range(_E)]
    pacc[pl.ds(0, _E)] = _tree(lambda a, b: a + b, pcols)
    cacc[pl.ds(0, _E)] = _tree(lambda a, b: a + b, ccols)
    pltpu.sync_copy(pacc.at[pl.ds(0, _E)], p_out.at[pl.ds(wid * _E, _E)])
    pltpu.sync_copy(cacc.at[pl.ds(0, _E)], c_out.at[pl.ds(wid * _E, _E)])
    pltpu.sync_copy(zacc, z_out.at[pl.ds(wid * _E, _E)])


def _tc_body(x_ref, p_ref, c_ref, z_ref):
    g = pl.program_id(0)
    first = jnp.logical_and(g == 0, pl.program_id(1) == 0)
    x = x_ref[0, 0]
    m = jnp.max(x, axis=0, keepdims=True)
    ex = jnp.exp(x - m)
    s = jnp.sum(ex, axis=0, keepdims=True)
    pvec = jnp.sum(ex / s, axis=1)
    ids = lax.broadcasted_iota(jnp.int32, (_E, 2048), 0)
    cand = jnp.where(x == m, ids, _E)
    idx = jnp.min(cand, axis=0, keepdims=True)
    cnt = jnp.sum(jnp.where(idx == ids, 1.0, 0.0), axis=1)
    logz = m + jnp.log(s)
    zrow = logz * logz

    @pl.when(first)
    def _():
        p_ref[...] = jnp.zeros_like(p_ref)
        c_ref[...] = jnp.zeros_like(c_ref)
        z_ref[...] = jnp.zeros_like(z_ref)

    g16 = lax.broadcasted_iota(jnp.int32, (_G, _E), 0)
    gz = lax.broadcasted_iota(jnp.int32, (_G, 2048), 0)
    p_ref[...] += jnp.where(g16 == g, pvec.reshape(1, _E), 0.0)
    c_ref[...] += jnp.where(g16 == g, cnt.reshape(1, _E), 0.0)
    z_ref[...] += jnp.where(gz == g, zrow, 0.0)


_tc_call = pl.pallas_call(
    _tc_body,
    grid=(_G, _L_TC),
    in_specs=[pl.BlockSpec((1, 1, _E, 2048), lambda g, l: (_L_SC + l, g, 0, 0))],
    out_specs=(
        pl.BlockSpec((_G, _E), lambda g, l: (0, 0)),
        pl.BlockSpec((_G, _E), lambda g, l: (0, 0)),
        pl.BlockSpec((_G, 2048), lambda g, l: (0, 0)),
    ),
    out_shape=(
        jax.ShapeDtypeStruct((_G, _E), jnp.float32),
        jax.ShapeDtypeStruct((_G, _E), jnp.float32),
        jax.ShapeDtypeStruct((_G, 2048), jnp.float32),
    ),
)


def _combine_body(p_sc_ref, c_sc_ref, z_sc_ref, p_tc_ref, c_tc_ref, z_tc_ref,
                  out_ref):
    def fold(ref):
        x = ref[...]
        return _tree(lambda a, b: a + b,
                     [x[:, q * _E:(q + 1) * _E] for q in range(8)])

    probs = fold(p_sc_ref) + p_tc_ref[...]
    counts = fold(c_sc_ref) + c_tc_ref[...]
    z_total = jnp.sum(z_sc_ref[...]) + jnp.sum(z_tc_ref[...])
    z_loss = z_total / (_G * _T)
    clipped = jnp.minimum(counts, _CAP)
    overflow = jnp.sum(counts - clipped, axis=1, keepdims=True)
    lane = lax.broadcasted_iota(jnp.int32, (_G, _E), 1)
    final_c = jnp.where(lane == 0, clipped + overflow, clipped)
    aux = jnp.mean((final_c / _T) * (probs / _T)) * _E ** 2
    out_ref[...] = jnp.full((1, 1), 0.001 * z_loss + 0.001 * aux, jnp.float32)


_combine_call = pl.pallas_call(
    _combine_body,
    out_shape=jax.ShapeDtypeStruct((1, 1), jnp.float32),
)


def kernel(router_outputs, attention_mask):
    del attention_mask
    x_sc = (router_outputs.transpose(0, 1, 3, 2)
            .reshape(12, _G, 2, 8, 16, 128)
            .transpose(0, 1, 2, 4, 3, 5)
            .reshape(-1))
    x_tc = router_outputs.transpose(0, 1, 3, 2)
    p_parts, c_parts, z_parts = _router_loss_sc(x_sc)
    p_tc, c_tc, z_tc = _tc_call(x_tc)
    out = _combine_call(p_parts.reshape(_G, 8 * _E),
                        c_parts.reshape(_G, 8 * _E),
                        z_parts.reshape(_G, 8 * _E),
                        p_tc, c_tc, z_tc)
    return out.reshape(())

# --- scband reference (transcript-rebuilt; emitter-appended) ---
"""Pipeline reference for scband-switch-router-loss-13125420057240 (READ-ONLY COPY).

The authoritative reference and input builder live on the scoring server;
editing this copy changes nothing except your own understanding.
"""

import jax, jax.numpy as jnp
import numpy as np

NUM_EXPERTS = 16
EXPERT_CAPACITY = 2048
Z_COEF = 0.001
AUX_COEF = 0.001


def setup_inputs(seed: int = 0) -> dict:
    key = jax.random.key(seed)
    k1, k2 = jax.random.split(key)
    router_outputs = jax.random.normal(k1, (12, 4, 2048, NUM_EXPERTS), dtype=jnp.float32)
    attention_mask = jnp.ones((4, 2048), dtype=jnp.float32)
    return {"router_outputs": router_outputs, "attention_mask": attention_mask}


def _forward(router_outputs):
    # _switch_unpack_router_logits: concat per-layer logits along token dim
    router_logits = jnp.concatenate([router_outputs[i] for i in range(router_outputs.shape[0])], axis=1)
    num_groups, tokens_per_group, num_experts = router_logits.shape
    # z loss
    log_z = jax.scipy.special.logsumexp(router_logits, axis=-1)
    z_loss = jnp.sum(log_z ** 2) / (num_groups * tokens_per_group)
    # softmax probs
    router_probs = jax.nn.softmax(router_logits, axis=-1)
    # recompute expert indices with capacity constraint
    expert_index = jnp.argmax(router_probs, axis=-1)
    oh = jax.nn.one_hot(expert_index, num_experts, dtype=jnp.int32)
    token_priority = jnp.cumsum(oh, axis=-2)
    expert_capacity_mask = (token_priority <= EXPERT_CAPACITY).astype(jnp.int32)
    oh = oh * expert_capacity_mask
    expert_indexes = jnp.argmax(oh, axis=-1)
    # load balancing aux loss
    ei = expert_indexes[..., None]  # [G, T, 1]
    expert_mask = jax.nn.one_hot(ei, num_experts, dtype=jnp.float32)  # [G, T, 1, E]
    expert_mask = jnp.max(expert_mask, axis=-2)  # [G, T, E]
    tokens_per_group_and_expert = jnp.mean(expert_mask, axis=-2)
    router_prob_per_group_and_expert = jnp.mean(router_probs, axis=-2)
    aux_loss = jnp.mean(tokens_per_group_and_expert * router_prob_per_group_and_expert) * num_experts ** 2
    return Z_COEF * z_loss + AUX_COEF * aux_loss


def reference(router_outputs, attention_mask):
    return _forward(router_outputs)

if __name__ == "__main__":
    import jax
    _d = setup_inputs()
    print(jax.jit(kernel)(*tuple(_d.values())))

</pallas_src>

<mosaic_0001>
#map = affine_map<(d0, d1) -> (0)>
module attributes {stable_mosaic.version = 14 : i64} {
  func.func @_router_loss_sc(%arg0: i32, %arg1: i32, %arg2: memref<1572864xf32, #tpu.memory_space<hbm>>, %arg3: memref<512xf32, #tpu.memory_space<hbm>>, %arg4: memref<512xf32, #tpu.memory_space<hbm>>, %arg5: memref<512xf32, #tpu.memory_space<hbm>>, %arg6: memref<16384xf32, #tpu.memory_space<vmem>>, %arg7: memref<16384xf32, #tpu.memory_space<vmem>>, %arg8: memref<512xf32, #tpu.memory_space<vmem>>, %arg9: memref<512xf32, #tpu.memory_space<vmem>>, %arg10: memref<16xf32, #tpu.memory_space<vmem>>, %arg11: memref<!tpu.dma_semaphore, #tpu.memory_space<semaphore_mem>>, %arg12: memref<!tpu.dma_semaphore, #tpu.memory_space<semaphore_mem>>) attributes {dimension_semantics = [#tpu.dimension_semantics<core_parallel>, #tpu.dimension_semantics<subcore_parallel>], iteration_bounds = array<i64: 2, 16>, scalar_prefetch = 0 : i64, scratch_operands = 7 : i64, tpu.core_type = #tpu.core_type<sc_vector_subcore>, window_params = [{transform_indices = #map}, {transform_indices = #map}, {transform_indices = #map}, {transform_indices = #map}]} {
    %mul3A = arith.constant 2 : i32
    %mul3A_0 = arith.muli %arg1, %mul3A : i32
    %add3A = arith.addi %mul3A_0, %arg0 : i32
    %jit3A = arith.constant 8 : i32
    %div3A = arith.divsi %add3A, %jit3A : i32
    %sign3A = arith.constant 0 : i32
    %sign3A_1 = arith.cmpi sgt, %add3A, %sign3A : i32
    %sign3A_2 = arith.extui %sign3A_1 : i1 to i32
    %sign3A_3 = arith.constant 0 : i32
    %sign3A_4 = arith.cmpi slt, %add3A, %sign3A_3 : i32
    %sign3A_5 = arith.extui %sign3A_4 : i1 to i32
    %sign3A_6 = arith.subi %sign3A_2, %sign3A_5 : i32
    %sign3A_7 = arith.constant 0 : i32
    %sign3A_8 = arith.cmpi sgt, %jit3A, %sign3A_7 : i32
    %sign3A_9 = arith.extui %sign3A_8 : i1 to i32
    %sign3A_10 = arith.constant 0 : i32
    %sign3A_11 = arith.cmpi slt, %jit3A, %sign3A_10 : i32
    %sign3A_12 = arith.extui %sign3A_11 : i1 to i32
    %sign3A_13 = arith.subi %sign3A_9, %sign3A_12 : i32
    %ne3A = arith.cmpi ne, %sign3A_6, %sign3A_13 : i32
    %rem3A = arith.remsi %add3A, %jit3A : i32
    %ne3A_14 = arith.constant 0 : i32
    %ne3A_15 = arith.cmpi ne, %rem3A, %ne3A_14 : i32
    %and3A = arith.andi %ne3A, %ne3A_15 : i1
    %sub3A = arith.constant 1 : i32
    %sub3A_16 = arith.subi %div3A, %sub3A : i32
    %select_n3A = arith.select %and3A, %sub3A_16, %div3A : i32
    %jit3A_17 = arith.constant 8 : i32
    %eq3A = arith.constant 0 : i32
    %eq3A_18 = arith.cmpi eq, %jit3A_17, %eq3A : i32
    %jit3A_19 = arith.constant 1 : i32
    %select_n3A_20 = arith.select %eq3A_18, %jit3A_19, %jit3A_17 : i32
    %rem3A_21 = arith.remsi %add3A, %select_n3A_20 : i32
    %ne3A_22 = arith.constant 0 : i32
    %ne3A_23 = arith.cmpi ne, %rem3A_21, %ne3A_22 : i32
    %lt3A = arith.constant 0 : i32
    %lt3A_24 = arith.cmpi slt, %rem3A_21, %lt3A : i32
    %lt3A_25 = arith.constant 0 : i32
    %lt3A_26 = arith.cmpi slt, %select_n3A_20, %lt3A_25 : i32
    %ne3A_27 = arith.xori %lt3A_24, %lt3A_26 : i1
    %and3A_28 = arith.andi %ne3A_27, %ne3A_23 : i1
    %add3A_29 = arith.addi %rem3A_21, %select_n3A_20 : i32
    %select_n3A_30 = arith.select %and3A_28, %add3A_29, %rem3A_21 : i32
    %broadcast_in_dim3A = arith.constant 0.000000e+00 : f32
    %broadcast_in_dim3A_31 = vector.broadcast %broadcast_in_dim3A : f32 to vector<16xf32>
    %swap3A = arith.constant 0 : index
    %swap3A_32 = tpu.vector_load %arg9[%swap3A] {strides = array<i32>} : memref<512xf32, #tpu.memory_space<vmem>>, vector<16xf32>,
    tpu.vector_store %arg9[%swap3A], %broadcast_in_dim3A_31 {strides = array<i32>} : memref<512xf32, #tpu.memory_space<vmem>>, vector<16xf32>,
    %swap3A_33 = arith.constant 16 : index
    %swap3A_34 = tpu.vector_load %arg9[%swap3A_33] {strides = array<i32>} : memref<512xf32, #tpu.memory_space<vmem>>, vector<16xf32>,
    tpu.vector_store %arg9[%swap3A_33], %broadcast_in_dim3A_31 {strides = array<i32>} : memref<512xf32, #tpu.memory_space<vmem>>, vector<16xf32>,
    %swap3A_35 = arith.constant 32 : index
    %swap3A_36 = tpu.vector_load %arg9[%swap3A_35] {strides = array<i32>} : memref<512xf32, #tpu.memory_space<vmem>>, vector<16xf32>,
    tpu.vector_store %arg9[%swap3A_35], %broadcast_in_dim3A_31 {strides = array<i32>} : memref<512xf32, #tpu.memory_space<vmem>>, vector<16xf32>,
    %swap3A_37 = arith.constant 48 : index
    %swap3A_38 = tpu.vector_load %arg9[%swap3A_37] {strides = array<i32>} : memref<512xf32, #tpu.memory_space<vmem>>, vector<16xf32>,
    tpu.vector_store %arg9[%swap3A_37], %broadcast_in_dim3A_31 {strides = array<i32>} : memref<512xf32, #tpu.memory_space<vmem>>, vector<16xf32>,
    %swap3A_39 = arith.constant 64 : index
    %swap3A_40 = tpu.vector_load %arg9[%swap3A_39] {strides = array<i32>} : memref<512xf32, #tpu.memory_space<vmem>>, vector<16xf32>,
    tpu.vector_store %arg9[%swap3A_39], %broadcast_in_dim3A_31 {strides = array<i32>} : memref<512xf32, #tpu.memory_space<vmem>>, vector<16xf32>,
    %swap3A_41 = arith.constant 80 : index
    %swap3A_42 = tpu.vector_load %arg9[%swap3A_41] {strides = array<i32>} : memref<512xf32, #tpu.memory_space<vmem>>, vector<16xf32>,
    tpu.vector_store %arg9[%swap3A_41], %broadcast_in_dim3A_31 {strides = array<i32>} : memref<512xf32, #tpu.memory_space<vmem>>, vector<16xf32>,
    %swap3A_43 = arith.constant 96 : index
    %swap3A_44 = tpu.vector_load %arg9[%swap3A_43] {strides = array<i32>} : memref<512xf32, #tpu.memory_space<vmem>>, vector<16xf32>,
    tpu.vector_store %arg9[%swap3A_43], %broadcast_in_dim3A_31 {strides = array<i32>} : memref<512xf32, #tpu.memory_space<vmem>>, vector<16xf32>,
    %swap3A_45 = arith.constant 112 : index
    %swap3A_46 = tpu.vector_load %arg9[%swap3A_45] {strides = array<i32>} : memref<512xf32, #tpu.memory_space<vmem>>, vector<16xf32>,
    tpu.vector_store %arg9[%swap3A_45], %broadcast_in_dim3A_31 {strides = array<i32>} : memref<512xf32, #tpu.memory_space<vmem>>, vector<16xf32>,
    %swap3A_47 = arith.constant 128 : index
    %swap3A_48 = tpu.vector_load %arg9[%swap3A_47] {strides = array<i32>} : memref<512xf32, #tpu.memory_space<vmem>>, vector<16xf32>,
    tpu.vector_store %arg9[%swap3A_47], %broadcast_in_dim3A_31 {strides = array<i32>} : memref<512xf32, #tpu.memory_space<vmem>>, vector<16xf32>,
    %swap3A_49 = arith.constant 144 : index
    %swap3A_50 = tpu.vector_load %arg9[%swap3A_49] {strides = array<i32>} : memref<512xf32, #tpu.memory_space<vmem>>, vector<16xf32>,
    tpu.vector_store %arg9[%swap3A_49], %broadcast_in_dim3A_31 {strides = array<i32>} : memref<512xf32, #tpu.memory_space<vmem>>, vector<16xf32>,
    %swap3A_51 = arith.constant 160 : index
    %swap3A_52 = tpu.vector_load %arg9[%swap3A_51] {strides = array<i32>} : memref<512xf32, #tpu.memory_space<vmem>>, vector<16xf32>,
    tpu.vector_store %arg9[%swap3A_51], %broadcast_in_dim3A_31 {strides = array<i32>} : memref<512xf32, #tpu.memory_space<vmem>>, vector<16xf32>,
    %swap3A_53 = arith.constant 176 : index
    %swap3A_54 = tpu.vector_load %arg9[%swap3A_53] {strides = array<i32>} : memref<512xf32, #tpu.memory_space<vmem>>, vector<16xf32>,
    tpu.vector_store %arg9[%swap3A_53], %broadcast_in_dim3A_31 {strides = array<i32>} : memref<512xf32, #tpu.memory_space<vmem>>, vector<16xf32>,
    %swap3A_55 = arith.constant 192 : index
    %swap3A_56 = tpu.vector_load %arg9[%swap3A_55] {strides = array<i32>} : memref<512xf32, #tpu.memory_space<vmem>>, vector<16xf32>,
    tpu.vector_store %arg9[%swap3A_55], %broadcast_in_dim3A_31 {strides = array<i32>} : memref<512xf32, #tpu.memory_space<vmem>>, vector<16xf32>,
    %swap3A_57 = arith.constant 208 : index
    %swap3A_58 = tpu.vector_load %arg9[%swap3A_57] {strides = array<i32>} : memref<512xf32, #tpu.memory_space<vmem>>, vector<16xf32>,
    tpu.vector_store %arg9[%swap3A_57], %broadcast_in_dim3A_31 {strides = array<i32>} : memref<512xf32, #tpu.memory_space<vmem>>, vector<16xf32>,
    %swap3A_59 = arith.constant 224 : index
    %swap3A_60 = tpu.vector_load %arg9[%swap3A_59] {strides = array<i32>} : memref<512xf32, #tpu.memory_space<vmem>>, vector<16xf32>,
    tpu.vector_store %arg9[%swap3A_59], %broadcast_in_dim3A_31 {strides = array<i32>} : memref<512xf32, #tpu.memory_space<vmem>>, vector<16xf32>,
    %swap3A_61 = arith.constant 240 : index
    %swap3A_62 = tpu.vector_load %arg9[%swap3A_61] {strides = array<i32>} : memref<512xf32, #tpu.memory_space<vmem>>, vector<16xf32>,
    tpu.vector_store %arg9[%swap3A_61], %broadcast_in_dim3A_31 {strides = array<i32>} : memref<512xf32, #tpu.memory_space<vmem>>, vector<16xf32>,
    %swap3A_63 = arith.constant 256 : index
    %swap3A_64 = tpu.vector_load %arg9[%swap3A_63] {strides = array<i32>} : memref<512xf32, #tpu.memory_space<vmem>>, vector<16xf32>,
    tpu.vector_store %arg9[%swap3A_63], %broadcast_in_dim3A_31 {strides = array<i32>} : memref<512xf32, #tpu.memory_space<vmem>>, vector<16xf32>,
    %swap3A_65 = arith.constant 272 : index
    %swap3A_66 = tpu.vector_load %arg9[%swap3A_65] {strides = array<i32>} : memref<512xf32, #tpu.memory_space<vmem>>, vector<16xf32>,
    tpu.vector_store %arg9[%swap3A_65], %broadcast_in_dim3A_31 {strides = array<i32>} : memref<512xf32, #tpu.memory_space<vmem>>, vector<16xf32>,
    %swap3A_67 = arith.constant 288 : index
    %swap3A_68 = tpu.vector_load %arg9[%swap3A_67] {strides = array<i32>} : memref<512xf32, #tpu.memory_space<vmem>>, vector<16xf32>,
    tpu.vector_store %arg9[%swap3A_67], %broadcast_in_dim3A_31 {strides = array<i32>} : memref<512xf32, #tpu.memory_space<vmem>>, vector<16xf32>,
    %swap3A_69 = arith.constant 304 : index
    %swap3A_70 = tpu.vector_load %arg9[%swap3A_69] {strides = array<i32>} : memref<512xf32, #tpu.memory_space<vmem>>, vector<16xf32>,
    tpu.vector_store %arg9[%swap3A_69], %broadcast_in_dim3A_31 {strides = array<i32>} : memref<512xf32, #tpu.memory_space<vmem>>, vector<16xf32>,
    %swap3A_71 = arith.constant 320 : index
    %swap3A_72 = tpu.vector_load %arg9[%swap3A_71] {strides = array<i32>} : memref<512xf32, #tpu.memory_space<vmem>>, vector<16xf32>,
    tpu.vector_store %arg9[%swap3A_71], %broadcast_in_dim3A_31 {strides = array<i32>} : memref<512xf32, #tpu.memory_space<vmem>>, vector<16xf32>,
    %swap3A_73 = arith.constant 336 : index
    %swap3A_74 = tpu.vector_load %arg9[%swap3A_73] {strides = array<i32>} : memref<512xf32, #tpu.memory_space<vmem>>, vector<16xf32>,
    tpu.vector_store %arg9[%swap3A_73], %broadcast_in_dim3A_31 {strides = array<i32>} : memref<512xf32, #tpu.memory_space<vmem>>, vector<16xf32>,
    %swap3A_75 = arith.constant 352 : index
    %swap3A_76 = tpu.vector_load %arg9[%swap3A_75] {strides = array<i32>} : memref<512xf32, #tpu.memory_space<vmem>>, vector<16xf32>,
    tpu.vector_store %arg9[%swap3A_75], %broadcast_in_dim3A_31 {strides = array<i32>} : memref<512xf32, #tpu.memory_space<vmem>>, vector<16xf32>,
    %swap3A_77 = arith.constant 368 : index
    %swap3A_78 = tpu.vector_load %arg9[%swap3A_77] {strides = array<i32>} : memref<512xf32, #tpu.memory_space<vmem>>, vector<16xf32>,
    tpu.vector_store %arg9[%swap3A_77], %broadcast_in_dim3A_31 {strides = array<i32>} : memref<512xf32, #tpu.memory_space<vmem>>, vector<16xf32>,
    %swap3A_79 = arith.constant 384 : index
    %swap3A_80 = tpu.vector_load %arg9[%swap3A_79] {strides = array<i32>} : memref<512xf32, #tpu.memory_space<vmem>>, vector<16xf32>,
    tpu.vector_store %arg9[%swap3A_79], %broadcast_in_dim3A_31 {strides = array<i32>} : memref<512xf32, #tpu.memory_space<vmem>>, vector<16xf32>,
    %swap3A_81 = arith.constant 400 : index
    %swap3A_82 = tpu.vector_load %arg9[%swap3A_81] {strides = array<i32>} : memref<512xf32, #tpu.memory_space<vmem>>, vector<16xf32>,
    tpu.vector_store %arg9[%swap3A_81], %broadcast_in_dim3A_31 {strides = array<i32>} : memref<512xf32, #tpu.memory_space<vmem>>, vector<16xf32>,
    %swap3A_83 = arith.constant 416 : index
    %swap3A_84 = tpu.vector_load %arg9[%swap3A_83] {strides = array<i32>} : memref<512xf32, #tpu.memory_space<vmem>>, vector<16xf32>,
    tpu.vector_store %arg9[%swap3A_83], %broadcast_in_dim3A_31 {strides = array<i32>} : memref<512xf32, #tpu.memory_space<vmem>>, vector<16xf32>,
    %swap3A_85 = arith.constant 432 : index
    %swap3A_86 = tpu.vector_load %arg9[%swap3A_85] {strides = array<i32>} : memref<512xf32, #tpu.memory_space<vmem>>, vector<16xf32>,
    tpu.vector_store %arg9[%swap3A_85], %broadcast_in_dim3A_31 {strides = array<i32>} : memref<512xf32, #tpu.memory_space<vmem>>, vector<16xf32>,
    %swap3A_87 = arith.constant 448 : index
    %swap3A_88 = tpu.vector_load %arg9[%swap3A_87] {strides = array<i32>} : memref<512xf32, #tpu.memory_space<vmem>>, vector<16xf32>,
    tpu.vector_store %arg9[%swap3A_87], %broadcast_in_dim3A_31 {strides = array<i32>} : memref<512xf32, #tpu.memory_space<vmem>>, vector<16xf32>,
    %swap3A_89 = arith.constant 464 : index
    %swap3A_90 = tpu.vector_load %arg9[%swap3A_89] {strides = array<i32>} : memref<512xf32, #tpu.memory_space<vmem>>, vector<16xf32>,
    tpu.vector_store %arg9[%swap3A_89], %broadcast_in_dim3A_31 {strides = array<i32>} : memref<512xf32, #tpu.memory_space<vmem>>, vector<16xf32>,
    %swap3A_91 = arith.constant 480 : index
    %swap3A_92 = tpu.vector_load %arg9[%swap3A_91] {strides = array<i32>} : memref<512xf32, #tpu.memory_space<vmem>>, vector<16xf32>,
    tpu.vector_store %arg9[%swap3A_91], %broadcast_in_dim3A_31 {strides = array<i32>} : memref<512xf32, #tpu.memory_space<vmem>>, vector<16xf32>,
    %swap3A_93 = arith.constant 496 : index
    %swap3A_94 = tpu.vector_load %arg9[%swap3A_93] {strides = array<i32>} : memref<512xf32, #tpu.memory_space<vmem>>, vector<16xf32>,
    tpu.vector_store %arg9[%swap3A_93], %broadcast_in_dim3A_31 {strides = array<i32>} : memref<512xf32, #tpu.memory_space<vmem>>, vector<16xf32>,
    %mul3A_95 = arith.constant 2 : i32
    %mul3A_96 = arith.muli %select_n3A_30, %mul3A_95 : i32
    %add3A_97 = arith.constant 0 : i32
    %add3A_98 = arith.addi %mul3A_96, %add3A_97 : i32
    %jit3A_99 = arith.constant 2 : i32
    %div3A_100 = arith.divsi %add3A_98, %jit3A_99 : i32
    %sign3A_101 = arith.constant 0 : i32
    %sign3A_102 = arith.cmpi sgt, %add3A_98, %sign3A_101 : i32
    %sign3A_103 = arith.extui %sign3A_102 : i1 to i32
    %sign3A_104 = arith.constant 0 : i32
    %sign3A_105 = arith.cmpi slt, %add3A_98, %sign3A_104 : i32
    %sign3A_106 = arith.extui %sign3A_105 : i1 to i32
    %sign3A_107 = arith.subi %sign3A_103, %sign3A_106 : i32
    %sign3A_108 = arith.constant 0 : i32
    %sign3A_109 = arith.cmpi sgt, %jit3A_99, %sign3A_108 : i32
    %sign3A_110 = arith.extui %sign3A_109 : i1 to i32
    %sign3A_111 = arith.constant 0 : i32
    %sign3A_112 = arith.cmpi slt, %jit3A_99, %sign3A_111 : i32
    %sign3A_113 = arith.extui %sign3A_112 : i1 to i32
    %sign3A_114 = arith.subi %sign3A_110, %sign3A_113 : i32
    %ne3A_115 = arith.cmpi ne, %sign3A_107, %sign3A_114 : i32
    %rem3A_116 = arith.remsi %add3A_98, %jit3A_99 : i32
    %ne3A_117 = arith.constant 0 : i32
    %ne3A_118 = arith.cmpi ne, %rem3A_116, %ne3A_117 : i32
    %and3A_119 = arith.andi %ne3A_115, %ne3A_118 : i1
    %sub3A_120 = arith.constant 1 : i32
    %sub3A_121 = arith.subi %div3A_100, %sub3A_120 : i32
    %select_n3A_122 = arith.select %and3A_119, %sub3A_121, %div3A_100 : i32
    %jit3A_123 = arith.constant 2 : i32
    %eq3A_124 = arith.constant 0 : i32
    %eq3A_125 = arith.cmpi eq, %jit3A_123, %eq3A_124 : i32
    %jit3A_126 = arith.constant 1 : i32
    %select_n3A_127 = arith.select %eq3A_125, %jit3A_126, %jit3A_123 : i32
    %rem3A_128 = arith.remsi %add3A_98, %select_n3A_127 : i32
    %ne3A_129 = arith.constant 0 : i32
    %ne3A_130 = arith.cmpi ne, %rem3A_128, %ne3A_129 : i32
    %lt3A_131 = arith.constant 0 : i32
    %lt3A_132 = arith.cmpi slt, %rem3A_128, %lt3A_131 : i32
    %lt3A_133 = arith.constant 0 : i32
    %lt3A_134 = arith.cmpi slt, %select_n3A_127, %lt3A_133 : i32
    %ne3A_135 = arith.xori %lt3A_132, %lt3A_134 : i1
    %and3A_136 = arith.andi %ne3A_135, %ne3A_130 : i1
    %add3A_137 = arith.addi %rem3A_128, %select_n3A_127 : i32
    %select_n3A_138 = arith.select %and3A_136, %add3A_137, %rem3A_128 : i32
    %mul3A_139 = arith.constant 4 : i32
    %mul3A_140 = arith.muli %select_n3A_122, %mul3A_139 : i32
    %add3A_141 = arith.addi %mul3A_140, %select_n3A : i32
    %mul3A_142 = arith.constant 32768 : i32
    %mul3A_143 = arith.muli %add3A_141, %mul3A_142 : i32
    %mul3A_144 = arith.constant 8192 : i32
    %mul3A_145 = arith.muli %select_n3A_138, %mul3A_144 : i32
    %add3A_146 = arith.addi %mul3A_143, %mul3A_145 : i32
    %dma_start3A = arith.constant 0 : i32
    %dma_start3A_147 = tpu.memref_slice %arg6[%dma_start3A] : memref<16384xf32, #tpu.memory_space<vmem>> -> memref<8192xf32, #tpu.memory_space<vmem>>
    %dma_start3A_148 = tpu.memref_slice %arg2[%add3A_146] : memref<1572864xf32, #tpu.memory_space<hbm>> -> memref<8192xf32, #tpu.memory_space<hbm>>
    %dma_start3A_149 = arith.constant 0 : i32
    %dma_start3A_150 = tpu.memref_slice %arg6[%dma_start3A_149] : memref<16384xf32, #tpu.memory_space<vmem>> -> memref<8192xf32, #tpu.memory_space<vmem>>
    %dma_start3A_151 = tpu.memref_slice %arg2[%add3A_146] : memref<1572864xf32, #tpu.memory_space<hbm>> -> memref<8192xf32, #tpu.memory_space<hbm>>
    tpu.enqueue_dma source(%dma_start3A_151 : memref<8192xf32, #tpu.memory_space<hbm>>) target(%dma_start3A_150 : memref<8192xf32, #tpu.memory_space<vmem>>) target_semaphore(%arg11 : memref<!tpu.dma_semaphore, #tpu.memory_space<semaphore_mem>>)
    %add3A_152 = arith.constant 16384 : i32
    %add3A_153 = arith.addi %add3A_146, %add3A_152 : i32
    %dma_start3A_154 = arith.constant 8192 : i32
    %dma_start3A_155 = tpu.memref_slice %arg6[%dma_start3A_154] : memref<16384xf32, #tpu.memory_space<vmem>> -> memref<8192xf32, #tpu.memory_space<vmem>>
    %dma_start3A_156 = tpu.memref_slice %arg2[%add3A_153] : memref<1572864xf32, #tpu.memory_space<hbm>> -> memref<8192xf32, #tpu.memory_space<hbm>>
    %dma_start3A_157 = arith.constant 8192 : i32
    %dma_start3A_158 = tpu.memref_slice %arg6[%dma_start3A_157] : memref<16384xf32, #tpu.memory_space<vmem>> -> memref<8192xf32, #tpu.memory_space<vmem>>
    %dma_start3A_159 = tpu.memref_slice %arg2[%add3A_153] : memref<1572864xf32, #tpu.memory_space<hbm>> -> memref<8192xf32, #tpu.memory_space<hbm>>
    tpu.enqueue_dma source(%dma_start3A_159 : memref<8192xf32, #tpu.memory_space<hbm>>) target(%dma_start3A_158 : memref<8192xf32, #tpu.memory_space<vmem>>) target_semaphore(%arg11 : memref<!tpu.dma_semaphore, #tpu.memory_space<semaphore_mem>>)
    %mul3A_160 = arith.constant 2 : i32
    %mul3A_161 = arith.muli %select_n3A_30, %mul3A_160 : i32
    %add3A_162 = arith.constant 1 : i32
    %add3A_163 = arith.addi %mul3A_161, %add3A_162 : i32
    %jit3A_164 = arith.constant 2 : i32
    %div3A_165 = arith.divsi %add3A_163, %jit3A_164 : i32
    %sign3A_166 = arith.constant 0 : i32
    %sign3A_167 = arith.cmpi sgt, %add3A_163, %sign3A_166 : i32
    %sign3A_168 = arith.extui %sign3A_167 : i1 to i32
    %sign3A_169 = arith.constant 0 : i32
    %sign3A_170 = arith.cmpi slt, %add3A_163, %sign3A_169 : i32
    %sign3A_171 = arith.extui %sign3A_170 : i1 to i32
    %sign3A_172 = arith.subi %sign3A_168, %sign3A_171 : i32
    %sign3A_173 = arith.constant 0 : i32
    %sign3A_174 = arith.cmpi sgt, %jit3A_164, %sign3A_173 : i32
    %sign3A_175 = arith.extui %sign3A_174 : i1 to i32
    %sign3A_176 = arith.constant 0 : i32
    %sign3A_177 = arith.cmpi slt, %jit3A_164, %sign3A_176 : i32
    %sign3A_178 = arith.extui %sign3A_177 : i1 to i32
    %sign3A_179 = arith.subi %sign3A_175, %sign3A_178 : i32
    %ne3A_180 = arith.cmpi ne, %sign3A_172, %sign3A_179 : i32
    %rem3A_181 = arith.remsi %add3A_163, %jit3A_164 : i32
    %ne3A_182 = arith.constant 0 : i32
    %ne3A_183 = arith.cmpi ne, %rem3A_181, %ne3A_182 : i32
    %and3A_184 = arith.andi %ne3A_180, %ne3A_183 : i1
    %sub3A_185 = arith.constant 1 : i32
    %sub3A_186 = arith.subi %div3A_165, %sub3A_185 : i32
    %select_n3A_187 = arith.select %and3A_184, %sub3A_186, %div3A_165 : i32
    %jit3A_188 = arith.constant 2 : i32
    %eq3A_189 = arith.constant 0 : i32
    %eq3A_190 = arith.cmpi eq, %jit3A_188, %eq3A_189 : i32
    %jit3A_191 = arith.constant 1 : i32
    %select_n3A_192 = arith.select %eq3A_190, %jit3A_191, %jit3A_188 : i32
    %rem3A_193 = arith.remsi %add3A_163, %select_n3A_192 : i32
    %ne3A_194 = arith.constant 0 : i32
    %ne3A_195 = arith.cmpi ne, %rem3A_193, %ne3A_194 : i32
    %lt3A_196 = arith.constant 0 : i32
    %lt3A_197 = arith.cmpi slt, %rem3A_193, %lt3A_196 : i32
    %lt3A_198 = arith.constant 0 : i32
    %lt3A_199 = arith.cmpi slt, %select_n3A_192, %lt3A_198 : i32
    %ne3A_200 = arith.xori %lt3A_197, %lt3A_199 : i1
    %and3A_201 = arith.andi %ne3A_200, %ne3A_195 : i1
    %add3A_202 = arith.addi %rem3A_193, %select_n3A_192 : i32
    %select_n3A_203 = arith.select %and3A_201, %add3A_202, %rem3A_193 : i32
    %mul3A_204 = arith.constant 4 : i32
    %mul3A_205 = arith.muli %select_n3A_187, %mul3A_204 : i32
    %add3A_206 = arith.addi %mul3A_205, %select_n3A : i32
    %mul3A_207 = arith.constant 32768 : i32
    %mul3A_208 = arith.muli %add3A_206, %mul3A_207 : i32
    %mul3A_209 = arith.constant 8192 : i32
    %mul3A_210 = arith.muli %select_n3A_203, %mul3A_209 : i32
    %add3A_211 = arith.addi %mul3A_208, %mul3A_210 : i32
    %dma_start3A_212 = arith.constant 0 : i32
    %dma_start3A_213 = tpu.memref_slice %arg7[%dma_start3A_212] : memref<16384xf32, #tpu.memory_space<vmem>> -> memref<8192xf32, #tpu.memory_space<vmem>>
    %dma_start3A_214 = tpu.memref_slice %arg2[%add3A_211] : memref<1572864xf32, #tpu.memory_space<hbm>> -> memref<8192xf32, #tpu.memory_space<hbm>>
    %dma_start3A_215 = arith.constant 0 : i32
    %dma_start3A_216 = tpu.memref_slice %arg7[%dma_start3A_215] : memref<16384xf32, #tpu.memory_space<vmem>> -> memref<8192xf32, #tpu.memory_space<vmem>>
    %dma_start3A_217 = tpu.memref_slice %arg2[%add3A_211] : memref<1572864xf32, #tpu.memory_space<hbm>> -> memref<8192xf32, #tpu.memory_space<hbm>>
    tpu.enqueue_dma source(%dma_start3A_217 : memref<8192xf32, #tpu.memory_space<hbm>>) target(%dma_start3A_216 : memref<8192xf32, #tpu.memory_space<vmem>>) target_semaphore(%arg12 : memref<!tpu.dma_semaphore, #tpu.memory_space<semaphore_mem>>)
    %add3A_218 = arith.constant 16384 : i32
    %add3A_219 = arith.addi %add3A_211, %add3A_218 : i32
    %dma_start3A_220 = arith.constant 8192 : i32
    %dma_start3A_221 = tpu.memref_slice %arg7[%dma_start3A_220] : memref<16384xf32, #tpu.memory_space<vmem>> -> memref<8192xf32, #tpu.memory_space<vmem>>
    %dma_start3A_222 = tpu.memref_slice %arg2[%add3A_219] : memref<1572864xf32, #tpu.memory_space<hbm>> -> memref<8192xf32, #tpu.memory_space<hbm>>
    %dma_start3A_223 = arith.constant 8192 : i32
    %dma_start3A_224 = tpu.memref_slice %arg7[%dma_start3A_223] : memref<16384xf32, #tpu.memory_space<vmem>> -> memref<8192xf32, #tpu.memory_space<vmem>>
    %dma_start3A_225 = tpu.memref_slice %arg2[%add3A_219] : memref<1572864xf32, #tpu.memory_space<hbm>> -> memref<8192xf32, #tpu.memory_space<hbm>>
    tpu.enqueue_dma source(%dma_start3A_225 : memref<8192xf32, #tpu.memory_space<hbm>>) target(%dma_start3A_224 : memref<8192xf32, #tpu.memory_space<vmem>>) target_semaphore(%arg12 : memref<!tpu.dma_semaphore, #tpu.memory_space<semaphore_mem>>)
    %dma_wait3A = arith.constant 0 : i32
    %dma_wait3A_226 = tpu.memref_slice %arg6[%dma_wait3A] : memref<16384xf32, #tpu.memory_space<vmem>> -> memref<8192xf32, #tpu.memory_space<vmem>>
    %dma_wait3A_227 = tpu.memref_slice %arg2[%add3A_146] : memref<1572864xf32, #tpu.memory_space<hbm>> -> memref<8192xf32, #tpu.memory_space<hbm>>
    %dma_wait3A_228 = arith.constant 0 : i32
    %dma_wait3A_229 = tpu.memref_slice %arg6[%dma_wait3A_228] : memref<16384xf32, #tpu.memory_space<vmem>> -> memref<8192xf32, #tpu.memory_space<vmem>>
    %dma_wait3A_230 = tpu.memref_slice %arg2[%add3A_146] : memref<1572864xf32, #tpu.memory_space<hbm>> -> memref<8192xf32, #tpu.memory_space<hbm>>
    tpu.wait_dma2 semaphore(%arg11 : memref<!tpu.dma_semaphore, #tpu.memory_space<semaphore_mem>>) src(%dma_wait3A_230 : memref<8192xf32, #tpu.memory_space<hbm>>) dst(%dma_wait3A_229 : memref<8192xf32, #tpu.memory_space<vmem>>)
    %dma_wait3A_231 = arith.constant 8192 : i32
    %dma_wait3A_232 = tpu.memref_slice %arg6[%dma_wait3A_231] : memref<16384xf32, #tpu.memory_space<vmem>> -> memref<8192xf32, #tpu.memory_space<vmem>>
    %dma_wait3A_233 = tpu.memref_slice %arg2[%add3A_153] : memref<1572864xf32, #tpu.memory_space<hbm>> -> memref<8192xf32, #tpu.memory_space<hbm>>
    %dma_wait3A_234 = arith.constant 8192 : i32
    %dma_wait3A_235 = tpu.memref_slice %arg6[%dma_wait3A_234] : memref<16384xf32, #tpu.memory_space<vmem>> -> memref<8192xf32, #tpu.memory_space<vmem>>
    %dma_wait3A_236 = tpu.memref_slice %arg2[%add3A_153] : memref<1572864xf32, #tpu.memory_space<hbm>> -> memref<8192xf32, #tpu.memory_space<hbm>>
    tpu.wait_dma2 semaphore(%arg11 : memref<!tpu.dma_semaphore, #tpu.memory_space<semaphore_mem>>) src(%dma_wait3A_236 : memref<8192xf32, #tpu.memory_space<hbm>>) dst(%dma_wait3A_235 : memref<8192xf32, #tpu.memory_space<vmem>>)
    %scan3A = arith.constant 0 : i32
    %scan3A_237 = arith.constant 64 : i32
    %scan3A_238 = arith.addi %scan3A, %scan3A_237 : i32
    %scan3A_239 = arith.constant 1 : i32
    %scan3A_240:17 = scf.for %scan3A_575 = %scan3A to %scan3A_238 step %scan3A_239 iter_args(%scan3A_576 = %broadcast_in_dim3A_31, %scan3A_577 = %broadcast_in_dim3A_31, %scan3A_578 = %broadcast_in_dim3A_31, %scan3A_579 = %broadcast_in_dim3A_31, %scan3A_580 = %broadcast_in_dim3A_31, %scan3A_581 = %broadcast_in_dim3A_31, %scan3A_582 = %broadcast_in_dim3A_31, %scan3A_583 = %broadcast_in_dim3A_31, %scan3A_584 = %broadcast_in_dim3A_31, %scan3A_585 = %broadcast_in_dim3A_31, %scan3A_586 = %broadcast_in_dim3A_31, %scan3A_587 = %broadcast_in_dim3A_31, %scan3A_588 = %broadcast_in_dim3A_31, %scan3A_589 = %broadcast_in_dim3A_31, %scan3A_590 = %broadcast_in_dim3A_31, %scan3A_591 = %broadcast_in_dim3A_31, %scan3A_592 = %broadcast_in_dim3A_31) -> (vector<16xf32>, vector<16xf32>, vector<16xf32>, vector<16xf32>, vector<16xf32>, vector<16xf32>, vector<16xf32>, vector<16xf32>, vector<16xf32>, vector<16xf32>, vector<16xf32>, vector<16xf32>, vector<16xf32>, vector<16xf32>, vector<16xf32>, vector<16xf32>, vector<16xf32>)  : i32 {
      %shift_right_arithmetic3A = arith.constant 3 : i32
      %shift_right_arithmetic3A_593 = arith.shrsi %scan3A_575, %shift_right_arithmetic3A : i32
      %mul3A_594 = arith.constant 1024 : i32
      %mul3A_595 = arith.muli %shift_right_arithmetic3A_593, %mul3A_594 : i32
      %and3A_596 = arith.constant 7 : i32
      %and3A_597 = arith.andi %scan3A_575, %and3A_596 : i32
      %mul3A_598 = arith.constant 16 : i32
      %mul3A_599 = arith.muli %and3A_597, %mul3A_598 : i32
      %add3A_600 = arith.addi %mul3A_595, %mul3A_599 : i32
      %add3A_601 = arith.constant 0 : i32
      %add3A_602 = arith.addi %add3A_601, %add3A_600 : i32
      %get3A_603 = arith.index_cast %add3A_602 : i32 to index
      %get3A_604 = tpu.vector_load %arg6[%get3A_603] {strides = array<i32>} : memref<16384xf32, #tpu.memory_space<vmem>>, vector<16xf32>,
      %add3A_605 = arith.constant 128 : i32
      %add3A_606 = arith.addi %add3A_605, %add3A_600 : i32
      %get3A_607 = arith.index_cast %add3A_606 : i32 to index
      %get3A_608 = tpu.vector_load %arg6[%get3A_607] {strides = array<i32>} : memref<16384xf32, #tpu.memory_space<vmem>>, vector<16xf32>,
      %add3A_609 = arith.constant 256 : i32
      %add3A_610 = arith.addi %add3A_609, %add3A_600 : i32
      %get3A_611 = arith.index_cast %add3A_610 : i32 to index
      %get3A_612 = tpu.vector_load %arg6[%get3A_611] {strides = array<i32>} : memref<16384xf32, #tpu.memory_space<vmem>>, vector<16xf32>,
      %add3A_613 = arith.constant 384 : i32
      %add3A_614 = arith.addi %add3A_613, %add3A_600 : i32
      %get3A_615 = arith.index_cast %add3A_614 : i32 to index
      %get3A_616 = tpu.vector_load %arg6[%get3A_615] {strides = array<i32>} : memref<16384xf32, #tpu.memory_space<vmem>>, vector<16xf32>,
      %add3A_617 = arith.constant 512 : i32
      %add3A_618 = arith.addi %add3A_617, %add3A_600 : i32
      %get3A_619 = arith.index_cast %add3A_618 : i32 to index
      %get3A_620 = tpu.vector_load %arg6[%get3A_619] {strides = array<i32>} : memref<16384xf32, #tpu.memory_space<vmem>>, vector<16xf32>,
      %add3A_621 = arith.constant 640 : i32
      %add3A_622 = arith.addi %add3A_621, %add3A_600 : i32
      %get3A_623 = arith.index_cast %add3A_622 : i32 to index
      %get3A_624 = tpu.vector_load %arg6[%get3A_623] {strides = array<i32>} : memref<16384xf32, #tpu.memory_space<vmem>>, vector<16xf32>,
      %add3A_625 = arith.constant 768 : i32
      %add3A_626 = arith.addi %add3A_625, %add3A_600 : i32
      %get3A_627 = arith.index_cast %add3A_626 : i32 to index
      %get3A_628 = tpu.vector_load %arg6[%get3A_627] {strides = array<i32>} : memref<16384xf32, #tpu.memory_space<vmem>>, vector<16xf32>,
      %add3A_629 = arith.constant 896 : i32
      %add3A_630 = arith.addi %add3A_629, %add3A_600 : i32
      %get3A_631 = arith.index_cast %add3A_630 : i32 to index
      %get3A_632 = tpu.vector_load %arg6[%get3A_631] {strides = array<i32>} : memref<16384xf32, #tpu.memory_space<vmem>>, vector<16xf32>,
      %add3A_633 = arith.constant 8192 : i32
      %add3A_634 = arith.addi %add3A_633, %add3A_600 : i32
      %get3A_635 = arith.index_cast %add3A_634 : i32 to index
      %get3A_636 = tpu.vector_load %arg6[%get3A_635] {strides = array<i32>} : memref<16384xf32, #tpu.memory_space<vmem>>, vector<16xf32>,
      %add3A_637 = arith.constant 8320 : i32
      %add3A_638 = arith.addi %add3A_637, %add3A_600 : i32
      %get3A_639 = arith.index_cast %add3A_638 : i32 to index
      %get3A_640 = tpu.vector_load %arg6[%get3A_639] {strides = array<i32>} : memref<16384xf32, #tpu.memory_space<vmem>>, vector<16xf32>,
      %add3A_641 = arith.constant 8448 : i32
      %add3A_642 = arith.addi %add3A_641, %add3A_600 : i32
      %get3A_643 = arith.index_cast %add3A_642 : i32 to index
      %get3A_644 = tpu.vector_load %arg6[%get3A_643] {strides = array<i32>} : memref<16384xf32, #tpu.memory_space<vmem>>, vector<16xf32>,
      %add3A_645 = arith.constant 8576 : i32
      %add3A_646 = arith.addi %add3A_645, %add3A_600 : i32
      %get3A_647 = arith.index_cast %add3A_646 : i32 to index
      %get3A_648 = tpu.vector_load %arg6[%get3A_647] {strides = array<i32>} : memref<16384xf32, #tpu.memory_space<vmem>>, vector<16xf32>,
      %add3A_649 = arith.constant 8704 : i32
      %add3A_650 = arith.addi %add3A_649, %add3A_600 : i32
      %get3A_651 = arith.index_cast %add3A_650 : i32 to index
      %get3A_652 = tpu.vector_load %arg6[%get3A_651] {strides = array<i32>} : memref<16384xf32, #tpu.memory_space<vmem>>, vector<16xf32>,
      %add3A_653 = arith.constant 8832 : i32
      %add3A_654 = arith.addi %add3A_653, %add3A_600 : i32
      %get3A_655 = arith.index_cast %add3A_654 : i32 to index
      %get3A_656 = tpu.vector_load %arg6[%get3A_655] {strides = array<i32>} : memref<16384xf32, #tpu.memory_space<vmem>>, vector<16xf32>,
      %add3A_657 = arith.constant 8960 : i32
      %add3A_658 = arith.addi %add3A_657, %add3A_600 : i32
      %get3A_659 = arith.index_cast %add3A_658 : i32 to index
      %get3A_660 = tpu.vector_load %arg6[%get3A_659] {strides = array<i32>} : memref<16384xf32, #tpu.memory_space<vmem>>, vector<16xf32>,
      %add3A_661 = arith.constant 9088 : i32
      %add3A_662 = arith.addi %add3A_661, %add3A_600 : i32
      %get3A_663 = arith.index_cast %add3A_662 : i32 to index
      %get3A_664 = tpu.vector_load %arg6[%get3A_663] {strides = array<i32>} : memref<16384xf32, #tpu.memory_space<vmem>>, vector<16xf32>,
      %max3A = arith.maximumf %get3A_604, %get3A_608 : vector<16xf32>
      %max3A_665 = arith.maximumf %get3A_612, %get3A_616 : vector<16xf32>
      %max3A_666 = arith.maximumf %get3A_620, %get3A_624 : vector<16xf32>
      %max3A_667 = arith.maximumf %get3A_628, %get3A_632 : vector<16xf32>
      %max3A_668 = arith.maximumf %get3A_636, %get3A_640 : vector<16xf32>
      %max3A_669 = arith.maximumf %get3A_644, %get3A_648 : vector<16xf32>
      %max3A_670 = arith.maximumf %get3A_652, %get3A_656 : vector<16xf32>
      %max3A_671 = arith.maximumf %get3A_660, %get3A_664 : vector<16xf32>
      %max3A_672 = arith.maximumf %max3A, %max3A_665 : vector<16xf32>
      %max3A_673 = arith.maximumf %max3A_666, %max3A_667 : vector<16xf32>
      %max3A_674 = arith.maximumf %max3A_668, %max3A_669 : vector<16xf32>
      %max3A_675 = arith.maximumf %max3A_670, %max3A_671 : vector<16xf32>
      %max3A_676 = arith.maximumf %max3A_672, %max3A_673 : vector<16xf32>
      %max3A_677 = arith.maximumf %max3A_674, %max3A_675 : vector<16xf32>
      %max3A_678 = arith.maximumf %max3A_676, %max3A_677 : vector<16xf32>
      %sub3A_679 = arith.subf %get3A_604, %max3A_678 : vector<16xf32>
      %exp3A = math.exp %sub3A_679 : vector<16xf32>
      %sub3A_680 = arith.subf %get3A_608, %max3A_678 : vector<16xf32>
      %exp3A_681 = math.exp %sub3A_680 : vector<16xf32>
      %sub3A_682 = arith.subf %get3A_612, %max3A_678 : vector<16xf32>
      %exp3A_683 = math.exp %sub3A_682 : vector<16xf32>
      %sub3A_684 = arith.subf %get3A_616, %max3A_678 : vector<16xf32>
      %exp3A_685 = math.exp %sub3A_684 : vector<16xf32>
      %sub3A_686 = arith.subf %get3A_620, %max3A_678 : vector<16xf32>
      %exp3A_687 = math.exp %sub3A_686 : vector<16xf32>
      %sub3A_688 = arith.subf %get3A_624, %max3A_678 : vector<16xf32>
      %exp3A_689 = math.exp %sub3A_688 : vector<16xf32>
      %sub3A_690 = arith.subf %get3A_628, %max3A_678 : vector<16xf32>
      %exp3A_691 = math.exp %sub3A_690 : vector<16xf32>
      %sub3A_692 = arith.subf %get3A_632, %max3A_678 : vector<16xf32>
      %exp3A_693 = math.exp %sub3A_692 : vector<16xf32>
      %sub3A_694 = arith.subf %get3A_636, %max3A_678 : vector<16xf32>
      %exp3A_695 = math.exp %sub3A_694 : vector<16xf32>
      %sub3A_696 = arith.subf %get3A_640, %max3A_678 : vector<16xf32>
      %exp3A_697 = math.exp %sub3A_696 : vector<16xf32>
      %sub3A_698 = arith.subf %get3A_644, %max3A_678 : vector<16xf32>
      %exp3A_699 = math.exp %sub3A_698 : vector<16xf32>
      %sub3A_700 = arith.subf %get3A_648, %max3A_678 : vector<16xf32>
      %exp3A_701 = math.exp %sub3A_700 : vector<16xf32>
      %sub3A_702 = arith.subf %get3A_652, %max3A_678 : vector<16xf32>
      %exp3A_703 = math.exp %sub3A_702 : vector<16xf32>
      %sub3A_704 = arith.subf %get3A_656, %max3A_678 : vector<16xf32>
      %exp3A_705 = math.exp %sub3A_704 : vector<16xf32>
      %sub3A_706 = arith.subf %get3A_660, %max3A_678 : vector<16xf32>
      %exp3A_707 = math.exp %sub3A_706 : vector<16xf32>
      %sub3A_708 = arith.subf %get3A_664, %max3A_678 : vector<16xf32>
      %exp3A_709 = math.exp %sub3A_708 : vector<16xf32>
      %add3A_710 = arith.addf %exp3A, %exp3A_681 : vector<16xf32>
      %add3A_711 = arith.addf %exp3A_683, %exp3A_685 : vector<16xf32>
      %add3A_712 = arith.addf %exp3A_687, %exp3A_689 : vector<16xf32>
      %add3A_713 = arith.addf %exp3A_691, %exp3A_693 : vector<16xf32>
      %add3A_714 = arith.addf %exp3A_695, %exp3A_697 : vector<16xf32>
      %add3A_715 = arith.addf %exp3A_699, %exp3A_701 : vector<16xf32>
      %add3A_716 = arith.addf %exp3A_703, %exp3A_705 : vector<16xf32>
      %add3A_717 = arith.addf %exp3A_707, %exp3A_709 : vector<16xf32>
      %add3A_718 = arith.addf %add3A_710, %add3A_711 : vector<16xf32>
      %add3A_719 = arith.addf %add3A_712, %add3A_713 : vector<16xf32>
      %add3A_720 = arith.addf %add3A_714, %add3A_715 : vector<16xf32>
      %add3A_721 = arith.addf %add3A_716, %add3A_717 : vector<16xf32>
      %add3A_722 = arith.addf %add3A_718, %add3A_719 : vector<16xf32>
      %add3A_723 = arith.addf %add3A_720, %add3A_721 : vector<16xf32>
      %add3A_724 = arith.addf %add3A_722, %add3A_723 : vector<16xf32>
      %div3A_725 = arith.constant 1.000000e+00 : f32
      %div3A_726 = vector.broadcast %div3A_725 : f32 to vector<16xf32>
      %div3A_727 = arith.divf %div3A_726, %add3A_724 : vector<16xf32>
      %mul3A_728 = arith.mulf %exp3A, %div3A_727 : vector<16xf32>
      %add3A_729 = arith.addf %scan3A_577, %mul3A_728 : vector<16xf32>
      %mul3A_730 = arith.mulf %exp3A_681, %div3A_727 : vector<16xf32>
      %add3A_731 = arith.addf %scan3A_578, %mul3A_730 : vector<16xf32>
      %mul3A_732 = arith.mulf %exp3A_683, %div3A_727 : vector<16xf32>
      %add3A_733 = arith.addf %scan3A_579, %mul3A_732 : vector<16xf32>
      %mul3A_734 = arith.mulf %exp3A_685, %div3A_727 : vector<16xf32>
      %add3A_735 = arith.addf %scan3A_580, %mul3A_734 : vector<16xf32>
      %mul3A_736 = arith.mulf %exp3A_687, %div3A_727 : vector<16xf32>
      %add3A_737 = arith.addf %scan3A_581, %mul3A_736 : vector<16xf32>
      %mul3A_738 = arith.mulf %exp3A_689, %div3A_727 : vector<16xf32>
      %add3A_739 = arith.addf %scan3A_582, %mul3A_738 : vector<16xf32>
      %mul3A_740 = arith.mulf %exp3A_691, %div3A_727 : vector<16xf32>
      %add3A_741 = arith.addf %scan3A_583, %mul3A_740 : vector<16xf32>
      %mul3A_742 = arith.mulf %exp3A_693, %div3A_727 : vector<16xf32>
      %add3A_743 = arith.addf %scan3A_584, %mul3A_742 : vector<16xf32>
      %mul3A_744 = arith.mulf %exp3A_695, %div3A_727 : vector<16xf32>
      %add3A_745 = arith.addf %scan3A_585, %mul3A_744 : vector<16xf32>
      %mul3A_746 = arith.mulf %exp3A_697, %div3A_727 : vector<16xf32>
      %add3A_747 = arith.addf %scan3A_586, %mul3A_746 : vector<16xf32>
      %mul3A_748 = arith.mulf %exp3A_699, %div3A_727 : vector<16xf32>
      %add3A_749 = arith.addf %scan3A_587, %mul3A_748 : vector<16xf32>
      %mul3A_750 = arith.mulf %exp3A_701, %div3A_727 : vector<16xf32>
      %add3A_751 = arith.addf %scan3A_588, %mul3A_750 : vector<16xf32>
      %mul3A_752 = arith.mulf %exp3A_703, %div3A_727 : vector<16xf32>
      %add3A_753 = arith.addf %scan3A_589, %mul3A_752 : vector<16xf32>
      %mul3A_754 = arith.mulf %exp3A_705, %div3A_727 : vector<16xf32>
      %add3A_755 = arith.addf %scan3A_590, %mul3A_754 : vector<16xf32>
      %mul3A_756 = arith.mulf %exp3A_707, %div3A_727 : vector<16xf32>
      %add3A_757 = arith.addf %scan3A_591, %mul3A_756 : vector<16xf32>
      %mul3A_758 = arith.mulf %exp3A_709, %div3A_727 : vector<16xf32>
      %add3A_759 = arith.addf %scan3A_592, %mul3A_758 : vector<16xf32>
      %eq3A_760 = arith.cmpf oeq, %get3A_604, %max3A_678 : vector<16xf32>
      %jit3A_761 = arith.constant 1.000000e+00 : f32
      %jit3A_762 = arith.constant 0.000000e+00 : f32
      %broadcast_in_dim3A_763 = vector.broadcast %jit3A_761 : f32 to vector<16xf32>
      %broadcast_in_dim3A_764 = vector.broadcast %jit3A_762 : f32 to vector<16xf32>
      %select_n3A_765 = arith.select %eq3A_760, %broadcast_in_dim3A_763, %broadcast_in_dim3A_764 : vector<16xi1>, vector<16xf32>
      %swap3A_766 = arith.constant 0 : index
      %swap3A_767 = tpu.vector_load %arg9[%swap3A_766] {strides = array<i32>} : memref<512xf32, #tpu.memory_space<vmem>>, vector<16xf32>,
      tpu.vector_store %arg9[%swap3A_766], %select_n3A_765 {add = true, strides = array<i32>} : memref<512xf32, #tpu.memory_space<vmem>>, vector<16xf32>,
      %eq3A_768 = arith.cmpf oeq, %get3A_608, %max3A_678 : vector<16xf32>
      %jit3A_769 = arith.constant 1.000000e+00 : f32
      %jit3A_770 = arith.constant 0.000000e+00 : f32
      %broadcast_in_dim3A_771 = vector.broadcast %jit3A_769 : f32 to vector<16xf32>
      %broadcast_in_dim3A_772 = vector.broadcast %jit3A_770 : f32 to vector<16xf32>
      %select_n3A_773 = arith.select %eq3A_768, %broadcast_in_dim3A_771, %broadcast_in_dim3A_772 : vector<16xi1>, vector<16xf32>
      %swap3A_774 = arith.constant 16 : index
      %swap3A_775 = tpu.vector_load %arg9[%swap3A_774] {strides = array<i32>} : memref<512xf32, #tpu.memory_space<vmem>>, vector<16xf32>,
      tpu.vector_store %arg9[%swap3A_774], %select_n3A_773 {add = true, strides = array<i32>} : memref<512xf32, #tpu.memory_space<vmem>>, vector<16xf32>,
      %eq3A_776 = arith.cmpf oeq, %get3A_612, %max3A_678 : vector<16xf32>
      %jit3A_777 = arith.constant 1.000000e+00 : f32
      %jit3A_778 = arith.constant 0.000000e+00 : f32
      %broadcast_in_dim3A_779 = vector.broadcast %jit3A_777 : f32 to vector<16xf32>
      %broadcast_in_dim3A_780 = vector.broadcast %jit3A_778 : f32 to vector<16xf32>
      %select_n3A_781 = arith.select %eq3A_776, %broadcast_in_dim3A_779, %broadcast_in_dim3A_780 : vector<16xi1>, vector<16xf32>
      %swap3A_782 = arith.constant 32 : index
      %swap3A_783 = tpu.vector_load %arg9[%swap3A_782] {strides = array<i32>} : memref<512xf32, #tpu.memory_space<vmem>>, vector<16xf32>,
      tpu.vector_store %arg9[%swap3A_782], %select_n3A_781 {add = true, strides = array<i32>} : memref<512xf32, #tpu.memory_space<vmem>>, vector<16xf32>,
      %eq3A_784 = arith.cmpf oeq, %get3A_616, %max3A_678 : vector<16xf32>
      %jit3A_785 = arith.constant 1.000000e+00 : f32
      %jit3A_786 = arith.constant 0.000000e+00 : f32
      %broadcast_in_dim3A_787 = vector.broadcast %jit3A_785 : f32 to vector<16xf32>
      %broadcast_in_dim3A_788 = vector.broadcast %jit3A_786 : f32 to vector<16xf32>
      %select_n3A_789 = arith.select %eq3A_784, %broadcast_in_dim3A_787, %broadcast_in_dim3A_788 : vector<16xi1>, vector<16xf32>
      %swap3A_790 = arith.constant 48 : index
      %swap3A_791 = tpu.vector_load %arg9[%swap3A_790] {strides = array<i32>} : memref<512xf32, #tpu.memory_space<vmem>>, vector<16xf32>,
      tpu.vector_store %arg9[%swap3A_790], %select_n3A_789 {add = true, strides = array<i32>} : memref<512xf32, #tpu.memory_space<vmem>>, vector<16xf32>,
      %eq3A_792 = arith.cmpf oeq, %get3A_620, %max3A_678 : vector<16xf32>
      %jit3A_793 = arith.constant 1.000000e+00 : f32
      %jit3A_794 = arith.constant 0.000000e+00 : f32
      %broadcast_in_dim3A_795 = vector.broadcast %jit3A_793 : f32 to vector<16xf32>
      %broadcast_in_dim3A_796 = vector.broadcast %jit3A_794 : f32 to vector<16xf32>
      %select_n3A_797 = arith.select %eq3A_792, %broadcast_in_dim3A_795, %broadcast_in_dim3A_796 : vector<16xi1>, vector<16xf32>
      %swap3A_798 = arith.constant 64 : index
      %swap3A_799 = tpu.vector_load %arg9[%swap3A_798] {strides = array<i32>} : memref<512xf32, #tpu.memory_space<vmem>>, vector<16xf32>,
      tpu.vector_store %arg9[%swap3A_798], %select_n3A_797 {add = true, strides = array<i32>} : memref<512xf32, #tpu.memory_space<vmem>>, vector<16xf32>,
      %eq3A_800 = arith.cmpf oeq, %get3A_624, %max3A_678 : vector<16xf32>
      %jit3A_801 = arith.constant 1.000000e+00 : f32
      %jit3A_802 = arith.constant 0.000000e+00 : f32
      %broadcast_in_dim3A_803 = vector.broadcast %jit3A_801 : f32 to vector<16xf32>
      %broadcast_in_dim3A_804 = vector.broadcast %jit3A_802 : f32 to vector<16xf32>
      %select_n3A_805 = arith.select %eq3A_800, %broadcast_in_dim3A_803, %broadcast_in_dim3A_804 : vector<16xi1>, vector<16xf32>
      %swap3A_806 = arith.constant 80 : index
      %swap3A_807 = tpu.vector_load %arg9[%swap3A_806] {strides = array<i32>} : memref<512xf32, #tpu.memory_space<vmem>>, vector<16xf32>,
      tpu.vector_store %arg9[%swap3A_806], %select_n3A_805 {add = true, strides = array<i32>} : memref<512xf32, #tpu.memory_space<vmem>>, vector<16xf32>,
      %eq3A_808 = arith.cmpf oeq, %get3A_628, %max3A_678 : vector<16xf32>
      %jit3A_809 = arith.constant 1.000000e+00 : f32
      %jit3A_810 = arith.constant 0.000000e+00 : f32
      %broadcast_in_dim3A_811 = vector.broadcast %jit3A_809 : f32 to vector<16xf32>
      %broadcast_in_dim3A_812 = vector.broadcast %jit3A_810 : f32 to vector<16xf32>
      %select_n3A_813 = arith.select %eq3A_808, %broadcast_in_dim3A_811, %broadcast_in_dim3A_812 : vector<16xi1>, vector<16xf32>
      %swap3A_814 = arith.constant 96 : index
      %swap3A_815 = tpu.vector_load %arg9[%swap3A_814] {strides = array<i32>} : memref<512xf32, #tpu.memory_space<vmem>>, vector<16xf32>,
      tpu.vector_store %arg9[%swap3A_814], %select_n3A_813 {add = true, strides = array<i32>} : memref<512xf32, #tpu.memory_space<vmem>>, vector<16xf32>,
      %eq3A_816 = arith.cmpf oeq, %get3A_632, %max3A_678 : vector<16xf32>
      %jit3A_817 = arith.constant 1.000000e+00 : f32
      %jit3A_818 = arith.constant 0.000000e+00 : f32
      %broadcast_in_dim3A_819 = vector.broadcast %jit3A_817 : f32 to vector<16xf32>
      %broadcast_in_dim3A_820 = vector.broadcast %jit3A_818 : f32 to vector<16xf32>
      %select_n3A_821 = arith.select %eq3A_816, %broadcast_in_dim3A_819, %broadcast_in_dim3A_820 : vector<16xi1>, vector<16xf32>
      %swap3A_822 = arith.constant 112 : index
      %swap3A_823 = tpu.vector_load %arg9[%swap3A_822] {strides = array<i32>} : memref<512xf32, #tpu.memory_space<vmem>>, vector<16xf32>,
      tpu.vector_store %arg9[%swap3A_822], %select_n3A_821 {add = true, strides = array<i32>} : memref<512xf32, #tpu.memory_space<vmem>>, vector<16xf32>,
      %eq3A_824 = arith.cmpf oeq, %get3A_636, %max3A_678 : vector<16xf32>
      %jit3A_825 = arith.constant 1.000000e+00 : f32
      %jit3A_826 = arith.constant 0.000000e+00 : f32
      %broadcast_in_dim3A_827 = vector.broadcast %jit3A_825 : f32 to vector<16xf32>
      %broadcast_in_dim3A_828 = vector.broadcast %jit3A_826 : f32 to vector<16xf32>
      %select_n3A_829 = arith.select %eq3A_824, %broadcast_in_dim3A_827, %broadcast_in_dim3A_828 : vector<16xi1>, vector<16xf32>
      %swap3A_830 = arith.constant 128 : index
      %swap3A_831 = tpu.vector_load %arg9[%swap3A_830] {strides = array<i32>} : memref<512xf32, #tpu.memory_space<vmem>>, vector<16xf32>,
      tpu.vector_store %arg9[%swap3A_830], %select_n3A_829 {add = true, strides = array<i32>} : memref<512xf32, #tpu.memory_space<vmem>>, vector<16xf32>,
      %eq3A_832 = arith.cmpf oeq, %get3A_640, %max3A_678 : vector<16xf32>
      %jit3A_833 = arith.constant 1.000000e+00 : f32
      %jit3A_834 = arith.constant 0.000000e+00 : f32
      %broadcast_in_dim3A_835 = vector.broadcast %jit3A_833 : f32 to vector<16xf32>
      %broadcast_in_dim3A_836 = vector.broadcast %jit3A_834 : f32 to vector<16xf32>
      %select_n3A_837 = arith.select %eq3A_832, %broadcast_in_dim3A_835, %broadcast_in_dim3A_836 : vector<16xi1>, vector<16xf32>
      %swap3A_838 = arith.constant 144 : index
      %swap3A_839 = tpu.vector_load %arg9[%swap3A_838] {strides = array<i32>} : memref<512xf32, #tpu.memory_space<vmem>>, vector<16xf32>,
      tpu.vector_store %arg9[%swap3A_838], %select_n3A_837 {add = true, strides = array<i32>} : memref<512xf32, #tpu.memory_space<vmem>>, vector<16xf32>,
      %eq3A_840 = arith.cmpf oeq, %get3A_644, %max3A_678 : vector<16xf32>
      %jit3A_841 = arith.constant 1.000000e+00 : f32
      %jit3A_842 = arith.constant 0.000000e+00 : f32
      %broadcast_in_dim3A_843 = vector.broadcast %jit3A_841 : f32 to vector<16xf32>
      %broadcast_in_dim3A_844 = vector.broadcast %jit3A_842 : f32 to vector<16xf32>
      %select_n3A_845 = arith.select %eq3A_840, %broadcast_in_dim3A_843, %broadcast_in_dim3A_844 : vector<16xi1>, vector<16xf32>
      %swap3A_846 = arith.constant 160 : index
      %swap3A_847 = tpu.vector_load %arg9[%swap3A_846] {strides = array<i32>} : memref<512xf32, #tpu.memory_space<vmem>>, vector<16xf32>,
      tpu.vector_store %arg9[%swap3A_846], %select_n3A_845 {add = true, strides = array<i32>} : memref<512xf32, #tpu.memory_space<vmem>>, vector<16xf32>,
      %eq3A_848 = arith.cmpf oeq, %get3A_648, %max3A_678 : vector<16xf32>
      %jit3A_849 = arith.constant 1.000000e+00 : f32
      %jit3A_850 = arith.constant 0.000000e+00 : f32
      %broadcast_in_dim3A_851 = vector.broadcast %jit3A_849 : f32 to vector<16xf32>
      %broadcast_in_dim3A_852 = vector.broadcast %jit3A_850 : f32 to vector<16xf32>
      %select_n3A_853 = arith.select %eq3A_848, %broadcast_in_dim3A_851, %broadcast_in_dim3A_852 : vector<16xi1>, vector<16xf32>
      %swap3A_854 = arith.constant 176 : index
      %swap3A_855 = tpu.vector_load %arg9[%swap3A_854] {strides = array<i32>} : memref<512xf32, #tpu.memory_space<vmem>>, vector<16xf32>,
      tpu.vector_store %arg9[%swap3A_854], %select_n3A_853 {add = true, strides = array<i32>} : memref<512xf32, #tpu.memory_space<vmem>>, vector<16xf32>,
      %eq3A_856 = arith.cmpf oeq, %get3A_652, %max3A_678 : vector<16xf32>
      %jit3A_857 = arith.constant 1.000000e+00 : f32
      %jit3A_858 = arith.constant 0.000000e+00 : f32
      %broadcast_in_dim3A_859 = vector.broadcast %jit3A_857 : f32 to vector<16xf32>
      %broadcast_in_dim3A_860 = vector.broadcast %jit3A_858 : f32 to vector<16xf32>
      %select_n3A_861 = arith.select %eq3A_856, %broadcast_in_dim3A_859, %broadcast_in_dim3A_860 : vector<16xi1>, vector<16xf32>
      %swap3A_862 = arith.constant 192 : index
      %swap3A_863 = tpu.vector_load %arg9[%swap3A_862] {strides = array<i32>} : memref<512xf32, #tpu.memory_space<vmem>>, vector<16xf32>,
      tpu.vector_store %arg9[%swap3A_862], %select_n3A_861 {add = true, strides = array<i32>} : memref<512xf32, #tpu.memory_space<vmem>>, vector<16xf32>,
      %eq3A_864 = arith.cmpf oeq, %get3A_656, %max3A_678 : vector<16xf32>
      %jit3A_865 = arith.constant 1.000000e+00 : f32
      %jit3A_866 = arith.constant 0.000000e+00 : f32
      %broadcast_in_dim3A_867 = vector.broadcast %jit3A_865 : f32 to vector<16xf32>
      %broadcast_in_dim3A_868 = vector.broadcast %jit3A_866 : f32 to vector<16xf32>
      %select_n3A_869 = arith.select %eq3A_864, %broadcast_in_dim3A_867, %broadcast_in_dim3A_868 : vector<16xi1>, vector<16xf32>
      %swap3A_870 = arith.constant 208 : index
      %swap3A_871 = tpu.vector_load %arg9[%swap3A_870] {strides = array<i32>} : memref<512xf32, #tpu.memory_space<vmem>>, vector<16xf32>,
      tpu.vector_store %arg9[%swap3A_870], %select_n3A_869 {add = true, strides = array<i32>} : memref<512xf32, #tpu.memory_space<vmem>>, vector<16xf32>,
      %eq3A_872 = arith.cmpf oeq, %get3A_660, %max3A_678 : vector<16xf32>
      %jit3A_873 = arith.constant 1.000000e+00 : f32
      %jit3A_874 = arith.constant 0.000000e+00 : f32
      %broadcast_in_dim3A_875 = vector.broadcast %jit3A_873 : f32 to vector<16xf32>
      %broadcast_in_dim3A_876 = vector.broadcast %jit3A_874 : f32 to vector<16xf32>
      %select_n3A_877 = arith.select %eq3A_872, %broadcast_in_dim3A_875, %broadcast_in_dim3A_876 : vector<16xi1>, vector<16xf32>
      %swap3A_878 = arith.constant 224 : index
      %swap3A_879 = tpu.vector_load %arg9[%swap3A_878] {strides = array<i32>} : memref<512xf32, #tpu.memory_space<vmem>>, vector<16xf32>,
      tpu.vector_store %arg9[%swap3A_878], %select_n3A_877 {add = true, strides = array<i32>} : memref<512xf32, #tpu.memory_space<vmem>>, vector<16xf32>,
      %eq3A_880 = arith.cmpf oeq, %get3A_664, %max3A_678 : vector<16xf32>
      %jit3A_881 = arith.constant 1.000000e+00 : f32
      %jit3A_882 = arith.constant 0.000000e+00 : f32
      %broadcast_in_dim3A_883 = vector.broadcast %jit3A_881 : f32 to vector<16xf32>
      %broadcast_in_dim3A_884 = vector.broadcast %jit3A_882 : f32 to vector<16xf32>
      %select_n3A_885 = arith.select %eq3A_880, %broadcast_in_dim3A_883, %broadcast_in_dim3A_884 : vector<16xi1>, vector<16xf32>
      %swap3A_886 = arith.constant 240 : index
      %swap3A_887 = tpu.vector_load %arg9[%swap3A_886] {strides = array<i32>} : memref<512xf32, #tpu.memory_space<vmem>>, vector<16xf32>,
      tpu.vector_store %arg9[%swap3A_886], %select_n3A_885 {add = true, strides = array<i32>} : memref<512xf32, #tpu.memory_space<vmem>>, vector<16xf32>,
      %bitcast_convert_type3A = tpu.bitcast %add3A_724 : vector<16xf32> -> vector<16xi32>
      %shift_right_arithmetic3A_888 = arith.constant 23 : i32
      %shift_right_arithmetic3A_889 = vector.broadcast %shift_right_arithmetic3A_888 : i32 to vector<16xi32>
      %shift_right_arithmetic3A_890 = arith.shrsi %bitcast_convert_type3A, %shift_right_arithmetic3A_889 : vector<16xi32>
      %sub3A_891 = arith.constant 127 : i32
      %sub3A_892 = vector.broadcast %sub3A_891 : i32 to vector<16xi32>
      %sub3A_893 = arith.subi %shift_right_arithmetic3A_890, %sub3A_892 : vector<16xi32>
      %and3A_894 = arith.constant 8388607 : i32
      %and3A_895 = vector.broadcast %and3A_894 : i32 to vector<16xi32>
      %and3A_896 = arith.andi %bitcast_convert_type3A, %and3A_895 : vector<16xi32>
      %or3A = arith.constant 1065353216 : i32
      %or3A_897 = vector.broadcast %or3A : i32 to vector<16xi32>
      %or3A_898 = arith.ori %and3A_896, %or3A_897 : vector<16xi32>
      %bitcast_convert_type3A_899 = tpu.bitcast %or3A_898 : vector<16xi32> -> vector<16xf32>
      %ge3A = arith.constant 1.41421354 : f32
      %ge3A_900 = vector.broadcast %ge3A : f32 to vector<16xf32>
      %ge3A_901 = arith.cmpf oge, %bitcast_convert_type3A_899, %ge3A_900 : vector<16xf32>
      %mul3A_902 = arith.constant 5.000000e-01 : f32
      %mul3A_903 = vector.broadcast %mul3A_902 : f32 to vector<16xf32>
      %mul3A_904 = arith.mulf %bitcast_convert_type3A_899, %mul3A_903 : vector<16xf32>
      %select_n3A_905 = arith.select %ge3A_901, %mul3A_904, %bitcast_convert_type3A_899 : vector<16xi1>, vector<16xf32>
      %jit3A_906 = arith.constant 1 : i32
      %jit3A_907 = arith.constant 0 : i32
      %broadcast_in_dim3A_908 = vector.broadcast %jit3A_906 : i32 to vector<16xi32>
      %broadcast_in_dim3A_909 = vector.broadcast %jit3A_907 : i32 to vector<16xi32>
      %select_n3A_910 = arith.select %ge3A_901, %broadcast_in_dim3A_908, %broadcast_in_dim3A_909 : vector<16xi1>, vector<16xi32>
      %add3A_911 = arith.addi %sub3A_893, %select_n3A_910 : vector<16xi32>
      %sub3A_912 = arith.constant 1.000000e+00 : f32
      %sub3A_913 = vector.broadcast %sub3A_912 : f32 to vector<16xf32>
      %sub3A_914 = arith.subf %select_n3A_905, %sub3A_913 : vector<16xf32>
      %add3A_915 = arith.constant 1.000000e+00 : f32
      %add3A_916 = vector.broadcast %add3A_915 : f32 to vector<16xf32>
      %add3A_917 = arith.addf %select_n3A_905, %add3A_916 : vector<16xf32>
      %div3A_918 = arith.divf %sub3A_914, %add3A_917 : vector<16xf32>
      %mul3A_919 = arith.mulf %div3A_918, %div3A_918 : vector<16xf32>
      %mul3A_920 = arith.constant 2.000000e+00 : f32
      %mul3A_921 = vector.broadcast %mul3A_920 : f32 to vector<16xf32>
      %mul3A_922 = arith.mulf %mul3A_921, %div3A_918 : vector<16xf32>
      %div3A_923 = arith.constant 9.000000e+00 : f32
      %div3A_924 = vector.broadcast %div3A_923 : f32 to vector<16xf32>
      %div3A_925 = arith.divf %mul3A_919, %div3A_924 : vector<16xf32>
      %add3A_926 = arith.constant 0.142857149 : f32
      %add3A_927 = vector.broadcast %add3A_926 : f32 to vector<16xf32>
      %add3A_928 = arith.addf %add3A_927, %div3A_925 : vector<16xf32>
      %mul3A_929 = arith.mulf %mul3A_919, %add3A_928 : vector<16xf32>
      %add3A_930 = arith.constant 2.000000e-01 : f32
      %add3A_931 = vector.broadcast %add3A_930 : f32 to vector<16xf32>
      %add3A_932 = arith.addf %add3A_931, %mul3A_929 : vector<16xf32>
      %mul3A_933 = arith.mulf %mul3A_919, %add3A_932 : vector<16xf32>
      %add3A_934 = arith.constant 0.333333343 : f32
      %add3A_935 = vector.broadcast %add3A_934 : f32 to vector<16xf32>
      %add3A_936 = arith.addf %add3A_935, %mul3A_933 : vector<16xf32>
      %mul3A_937 = arith.mulf %mul3A_919, %add3A_936 : vector<16xf32>
      %add3A_938 = arith.constant 1.000000e+00 : f32
      %add3A_939 = vector.broadcast %add3A_938 : f32 to vector<16xf32>
      %add3A_940 = arith.addf %add3A_939, %mul3A_937 : vector<16xf32>
      %mul3A_941 = arith.mulf %mul3A_922, %add3A_940 : vector<16xf32>
      %convert_element_type3A = arith.sitofp %add3A_911 : vector<16xi32> to vector<16xf32>
      %mul3A_942 = arith.constant 0.693147182 : f32
      %mul3A_943 = vector.broadcast %mul3A_942 : f32 to vector<16xf32>
      %mul3A_944 = arith.mulf %convert_element_type3A, %mul3A_943 : vector<16xf32>
      %add3A_945 = arith.addf %mul3A_944, %mul3A_941 : vector<16xf32>
      %add3A_946 = arith.addf %max3A_678, %add3A_945 : vector<16xf32>
      %mul3A_947 = arith.mulf %add3A_946, %add3A_946 : vector<16xf32>
      %add3A_948 = arith.addf %scan3A_576, %mul3A_947 : vector<16xf32>
      scf.yield %add3A_948, %add3A_729, %add3A_731, %add3A_733, %add3A_735, %add3A_737, %add3A_739, %add3A_741, %add3A_743, %add3A_745, %add3A_747, %add3A_749, %add3A_751, %add3A_753, %add3A_755, %add3A_757, %add3A_759 : vector<16xf32>, vector<16xf32>, vector<16xf32>, vector<16xf32>, vector<16xf32>, vector<16xf32>, vector<16xf32>, vector<16xf32>, vector<16xf32>, vector<16xf32>, vector<16xf32>, vector<16xf32>, vector<16xf32>, vector<16xf32>, vector<16xf32>, vector<16xf32>, vector<16xf32>
    }
    %scan3A_241 = arith.constant 64 : i32
    %dma_wait3A_242 = arith.constant 0 : i32
    %dma_wait3A_243 = tpu.memref_slice %arg7[%dma_wait3A_242] : memref<16384xf32, #tpu.memory_space<vmem>> -> memref<8192xf32, #tpu.memory_space<vmem>>
    %dma_wait3A_244 = tpu.memref_slice %arg2[%add3A_211] : memref<1572864xf32, #tpu.memory_space<hbm>> -> memref<8192xf32, #tpu.memory_space<hbm>>
    %dma_wait3A_245 = arith.constant 0 : i32
    %dma_wait3A_246 = tpu.memref_slice %arg7[%dma_wait3A_245] : memref<16384xf32, #tpu.memory_space<vmem>> -> memref<8192xf32, #tpu.memory_space<vmem>>
    %dma_wait3A_247 = tpu.memref_slice %arg2[%add3A_211] : memref<1572864xf32, #tpu.memory_space<hbm>> -> memref<8192xf32, #tpu.memory_space<hbm>>
    tpu.wait_dma2 semaphore(%arg12 : memref<!tpu.dma_semaphore, #tpu.memory_space<semaphore_mem>>) src(%dma_wait3A_247 : memref<8192xf32, #tpu.memory_space<hbm>>) dst(%dma_wait3A_246 : memref<8192xf32, #tpu.memory_space<vmem>>)
    %dma_wait3A_248 = arith.constant 8192 : i32
    %dma_wait3A_249 = tpu.memref_slice %arg7[%dma_wait3A_248] : memref<16384xf32, #tpu.memory_space<vmem>> -> memref<8192xf32, #tpu.memory_space<vmem>>
    %dma_wait3A_250 = tpu.memref_slice %arg2[%add3A_219] : memref<1572864xf32, #tpu.memory_space<hbm>> -> memref<8192xf32, #tpu.memory_space<hbm>>
    %dma_wait3A_251 = arith.constant 8192 : i32
    %dma_wait3A_252 = tpu.memref_slice %arg7[%dma_wait3A_251] : memref<16384xf32, #tpu.memory_space<vmem>> -> memref<8192xf32, #tpu.memory_space<vmem>>
    %dma_wait3A_253 = tpu.memref_slice %arg2[%add3A_219] : memref<1572864xf32, #tpu.memory_space<hbm>> -> memref<8192xf32, #tpu.memory_space<hbm>>
    tpu.wait_dma2 semaphore(%arg12 : memref<!tpu.dma_semaphore, #tpu.memory_space<semaphore_mem>>) src(%dma_wait3A_253 : memref<8192xf32, #tpu.memory_space<hbm>>) dst(%dma_wait3A_252 : memref<8192xf32, #tpu.memory_space<vmem>>)
    %scan3A_254 = arith.constant 0 : i32
    %scan3A_255 = arith.constant 64 : i32
    %scan3A_256 = arith.addi %scan3A_254, %scan3A_255 : i32
    %scan3A_257 = arith.constant 1 : i32
    %scan3A_258:17 = scf.for %scan3A_575 = %scan3A_254 to %scan3A_256 step %scan3A_257 iter_args(%scan3A_576 = %scan3A_240#0, %scan3A_577 = %scan3A_240#1, %scan3A_578 = %scan3A_240#2, %scan3A_579 = %scan3A_240#3, %scan3A_580 = %scan3A_240#4, %scan3A_581 = %scan3A_240#5, %scan3A_582 = %scan3A_240#6, %scan3A_583 = %scan3A_240#7, %scan3A_584 = %scan3A_240#8, %scan3A_585 = %scan3A_240#9, %scan3A_586 = %scan3A_240#10, %scan3A_587 = %scan3A_240#11, %scan3A_588 = %scan3A_240#12, %scan3A_589 = %scan3A_240#13, %scan3A_590 = %scan3A_240#14, %scan3A_591 = %scan3A_240#15, %scan3A_592 = %scan3A_240#16) -> (vector<16xf32>, vector<16xf32>, vector<16xf32>, vector<16xf32>, vector<16xf32>, vector<16xf32>, vector<16xf32>, vector<16xf32>, vector<16xf32>, vector<16xf32>, vector<16xf32>, vector<16xf32>, vector<16xf32>, vector<16xf32>, vector<16xf32>, vector<16xf32>, vector<16xf32>)  : i32 {
      %shift_right_arithmetic3A = arith.constant 3 : i32
      %shift_right_arithmetic3A_593 = arith.shrsi %scan3A_575, %shift_right_arithmetic3A : i32
      %mul3A_594 = arith.constant 1024 : i32
      %mul3A_595 = arith.muli %shift_right_arithmetic3A_593, %mul3A_594 : i32
      %and3A_596 = arith.constant 7 : i32
      %and3A_597 = arith.andi %scan3A_575, %and3A_596 : i32
      %mul3A_598 = arith.constant 16 : i32
      %mul3A_599 = arith.muli %and3A_597, %mul3A_598 : i32
      %add3A_600 = arith.addi %mul3A_595, %mul3A_599 : i32
      %add3A_601 = arith.constant 0 : i32
      %add3A_602 = arith.addi %add3A_601, %add3A_600 : i32
      %get3A_603 = arith.index_cast %add3A_602 : i32 to index
      %get3A_604 = tpu.vector_load %arg7[%get3A_603] {strides = array<i32>} : memref<16384xf32, #tpu.memory_space<vmem>>, vector<16xf32>,
      %add3A_605 = arith.constant 128 : i32
      %add3A_606 = arith.addi %add3A_605, %add3A_600 : i32
      %get3A_607 = arith.index_cast %add3A_606 : i32 to index
      %get3A_608 = tpu.vector_load %arg7[%get3A_607] {strides = array<i32>} : memref<16384xf32, #tpu.memory_space<vmem>>, vector<16xf32>,
      %add3A_609 = arith.constant 256 : i32
      %add3A_610 = arith.addi %add3A_609, %add3A_600 : i32
      %get3A_611 = arith.index_cast %add3A_610 : i32 to index
      %get3A_612 = tpu.vector_load %arg7[%get3A_611] {strides = array<i32>} : memref<16384xf32, #tpu.memory_space<vmem>>, vector<16xf32>,
      %add3A_613 = arith.constant 384 : i32
      %add3A_614 = arith.addi %add3A_613, %add3A_600 : i32
      %get3A_615 = arith.index_cast %add3A_614 : i32 to index
      %get3A_616 = tpu.vector_load %arg7[%get3A_615] {strides = array<i32>} : memref<16384xf32, #tpu.memory_space<vmem>>, vector<16xf32>,
      %add3A_617 = arith.constant 512 : i32
      %add3A_618 = arith.addi %add3A_617, %add3A_600 : i32
      %get3A_619 = arith.index_cast %add3A_618 : i32 to index
      %get3A_620 = tpu.vector_load %arg7[%get3A_619] {strides = array<i32>} : memref<16384xf32, #tpu.memory_space<vmem>>, vector<16xf32>,
      %add3A_621 = arith.constant 640 : i32
      %add3A_622 = arith.addi %add3A_621, %add3A_600 : i32
      %get3A_623 = arith.index_cast %add3A_622 : i32 to index
      %get3A_624 = tpu.vector_load %arg7[%get3A_623] {strides = array<i32>} : memref<16384xf32, #tpu.memory_space<vmem>>, vector<16xf32>,
      %add3A_625 = arith.constant 768 : i32
      %add3A_626 = arith.addi %add3A_625, %add3A_600 : i32
      %get3A_627 = arith.index_cast %add3A_626 : i32 to index
      %get3A_628 = tpu.vector_load %arg7[%get3A_627] {strides = array<i32>} : memref<16384xf32, #tpu.memory_space<vmem>>, vector<16xf32>,
      %add3A_629 = arith.constant 896 : i32
      %add3A_630 = arith.addi %add3A_629, %add3A_600 : i32
      %get3A_631 = arith.index_cast %add3A_630 : i32 to index
      %get3A_632 = tpu.vector_load %arg7[%get3A_631] {strides = array<i32>} : memref<16384xf32, #tpu.memory_space<vmem>>, vector<16xf32>,
      %add3A_633 = arith.constant 8192 : i32
      %add3A_634 = arith.addi %add3A_633, %add3A_600 : i32
      %get3A_635 = arith.index_cast %add3A_634 : i32 to index
      %get3A_636 = tpu.vector_load %arg7[%get3A_635] {strides = array<i32>} : memref<16384xf32, #tpu.memory_space<vmem>>, vector<16xf32>,
      %add3A_637 = arith.constant 8320 : i32
      %add3A_638 = arith.addi %add3A_637, %add3A_600 : i32
      %get3A_639 = arith.index_cast %add3A_638 : i32 to index
      %get3A_640 = tpu.vector_load %arg7[%get3A_639] {strides = array<i32>} : memref<16384xf32, #tpu.memory_space<vmem>>, vector<16xf32>,
      %add3A_641 = arith.constant 8448 : i32
      %add3A_642 = arith.addi %add3A_641, %add3A_600 : i32
      %get3A_643 = arith.index_cast %add3A_642 : i32 to index
      %get3A_644 = tpu.vector_load %arg7[%get3A_643] {strides = array<i32>} : memref<16384xf32, #tpu.memory_space<vmem>>, vector<16xf32>,
      %add3A_645 = arith.constant 8576 : i32
      %add3A_646 = arith.addi %add3A_645, %add3A_600 : i32
      %get3A_647 = arith.index_cast %add3A_646 : i32 to index
      %get3A_648 = tpu.vector_load %arg7[%get3A_647] {strides = array<i32>} : memref<16384xf32, #tpu.memory_space<vmem>>, vector<16xf32>,
      %add3A_649 = arith.constant 8704 : i32
      %add3A_650 = arith.addi %add3A_649, %add3A_600 : i32
      %get3A_651 = arith.index_cast %add3A_650 : i32 to index
      %get3A_652 = tpu.vector_load %arg7[%get3A_651] {strides = array<i32>} : memref<16384xf32, #tpu.memory_space<vmem>>, vector<16xf32>,
      %add3A_653 = arith.constant 8832 : i32
      %add3A_654 = arith.addi %add3A_653, %add3A_600 : i32
      %get3A_655 = arith.index_cast %add3A_654 : i32 to index
      %get3A_656 = tpu.vector_load %arg7[%get3A_655] {strides = array<i32>} : memref<16384xf32, #tpu.memory_space<vmem>>, vector<16xf32>,
      %add3A_657 = arith.constant 8960 : i32
      %add3A_658 = arith.addi %add3A_657, %add3A_600 : i32
      %get3A_659 = arith.index_cast %add3A_658 : i32 to index
      %get3A_660 = tpu.vector_load %arg7[%get3A_659] {strides = array<i32>} : memref<16384xf32, #tpu.memory_space<vmem>>, vector<16xf32>,
      %add3A_661 = arith.constant 9088 : i32
      %add3A_662 = arith.addi %add3A_661, %add3A_600 : i32
      %get3A_663 = arith.index_cast %add3A_662 : i32 to index
      %get3A_664 = tpu.vector_load %arg7[%get3A_663] {strides = array<i32>} : memref<16384xf32, #tpu.memory_space<vmem>>, vector<16xf32>,
      %max3A = arith.maximumf %get3A_604, %get3A_608 : vector<16xf32>
      %max3A_665 = arith.maximumf %get3A_612, %get3A_616 : vector<16xf32>
      %max3A_666 = arith.maximumf %get3A_620, %get3A_624 : vector<16xf32>
      %max3A_667 = arith.maximumf %get3A_628, %get3A_632 : vector<16xf32>
      %max3A_668 = arith.maximumf %get3A_636, %get3A_640 : vector<16xf32>
      %max3A_669 = arith.maximumf %get3A_644, %get3A_648 : vector<16xf32>
      %max3A_670 = arith.maximumf %get3A_652, %get3A_656 : vector<16xf32>
      %max3A_671 = arith.maximumf %get3A_660, %get3A_664 : vector<16xf32>
      %max3A_672 = arith.maximumf %max3A, %max3A_665 : vector<16xf32>
      %max3A_673 = arith.maximumf %max3A_666, %max3A_667 : vector<16xf32>
      %max3A_674 = arith.maximumf %max3A_668, %max3A_669 : vector<16xf32>
      %max3A_675 = arith.maximumf %max3A_670, %max3A_671 : vector<16xf32>
      %max3A_676 = arith.maximumf %max3A_672, %max3A_673 : vector<16xf32>
      %max3A_677 = arith.maximumf %max3A_674, %max3A_675 : vector<16xf32>
      %max3A_678 = arith.maximumf %max3A_676, %max3A_677 : vector<16xf32>
      %sub3A_679 = arith.subf %get3A_604, %max3A_678 : vector<16xf32>
      %exp3A = math.exp %sub3A_679 : vector<16xf32>
      %sub3A_680 = arith.subf %get3A_608, %max3A_678 : vector<16xf32>
      %exp3A_681 = math.exp %sub3A_680 : vector<16xf32>
      %sub3A_682 = arith.subf %get3A_612, %max3A_678 : vector<16xf32>
      %exp3A_683 = math.exp %sub3A_682 : vector<16xf32>
      %sub3A_684 = arith.subf %get3A_616, %max3A_678 : vector<16xf32>
      %exp3A_685 = math.exp %sub3A_684 : vector<16xf32>
      %sub3A_686 = arith.subf %get3A_620, %max3A_678 : vector<16xf32>
      %exp3A_687 = math.exp %sub3A_686 : vector<16xf32>
      %sub3A_688 = arith.subf %get3A_624, %max3A_678 : vector<16xf32>
      %exp3A_689 = math.exp %sub3A_688 : vector<16xf32>
      %sub3A_690 = arith.subf %get3A_628, %max3A_678 : vector<16xf32>
      %exp3A_691 = math.exp %sub3A_690 : vector<16xf32>
      %sub3A_692 = arith.subf %get3A_632, %max3A_678 : vector<16xf32>
      %exp3A_693 = math.exp %sub3A_692 : vector<16xf32>
      %sub3A_694 = arith.subf %get3A_636, %max3A_678 : vector<16xf32>
      %exp3A_695 = math.exp %sub3A_694 : vector<16xf32>
      %sub3A_696 = arith.subf %get3A_640, %max3A_678 : vector<16xf32>
      %exp3A_697 = math.exp %sub3A_696 : vector<16xf32>
      %sub3A_698 = arith.subf %get3A_644, %max3A_678 : vector<16xf32>
      %exp3A_699 = math.exp %sub3A_698 : vector<16xf32>
      %sub3A_700 = arith.subf %get3A_648, %max3A_678 : vector<16xf32>
      %exp3A_701 = math.exp %sub3A_700 : vector<16xf32>
      %sub3A_702 = arith.subf %get3A_652, %max3A_678 : vector<16xf32>
      %exp3A_703 = math.exp %sub3A_702 : vector<16xf32>
      %sub3A_704 = arith.subf %get3A_656, %max3A_678 : vector<16xf32>
      %exp3A_705 = math.exp %sub3A_704 : vector<16xf32>
      %sub3A_706 = arith.subf %get3A_660, %max3A_678 : vector<16xf32>
      %exp3A_707 = math.exp %sub3A_706 : vector<16xf32>
      %sub3A_708 = arith.subf %get3A_664, %max3A_678 : vector<16xf32>
      %exp3A_709 = math.exp %sub3A_708 : vector<16xf32>
      %add3A_710 = arith.addf %exp3A, %exp3A_681 : vector<16xf32>
      %add3A_711 = arith.addf %exp3A_683, %exp3A_685 : vector<16xf32>
      %add3A_712 = arith.addf %exp3A_687, %exp3A_689 : vector<16xf32>
      %add3A_713 = arith.addf %exp3A_691, %exp3A_693 : vector<16xf32>
      %add3A_714 = arith.addf %exp3A_695, %exp3A_697 : vector<16xf32>
      %add3A_715 = arith.addf %exp3A_699, %exp3A_701 : vector<16xf32>
      %add3A_716 = arith.addf %exp3A_703, %exp3A_705 : vector<16xf32>
      %add3A_717 = arith.addf %exp3A_707, %exp3A_709 : vector<16xf32>
      %add3A_718 = arith.addf %add3A_710, %add3A_711 : vector<16xf32>
      %add3A_719 = arith.addf %add3A_712, %add3A_713 : vector<16xf32>
      %add3A_720 = arith.addf %add3A_714, %add3A_715 : vector<16xf32>
      %add3A_721 = arith.addf %add3A_716, %add3A_717 : vector<16xf32>
      %add3A_722 = arith.addf %add3A_718, %add3A_719 : vector<16xf32>
      %add3A_723 = arith.addf %add3A_720, %add3A_721 : vector<16xf32>
      %add3A_724 = arith.addf %add3A_722, %add3A_723 : vector<16xf32>
      %div3A_725 = arith.constant 1.000000e+00 : f32
      %div3A_726 = vector.broadcast %div3A_725 : f32 to vector<16xf32>
      %div3A_727 = arith.divf %div3A_726, %add3A_724 : vector<16xf32>
      %mul3A_728 = arith.mulf %exp3A, %div3A_727 : vector<16xf32>
      %add3A_729 = arith.addf %scan3A_577, %mul3A_728 : vector<16xf32>
      %mul3A_730 = arith.mulf %exp3A_681, %div3A_727 : vector<16xf32>
      %add3A_731 = arith.addf %scan3A_578, %mul3A_730 : vector<16xf32>
      %mul3A_732 = arith.mulf %exp3A_683, %div3A_727 : vector<16xf32>
      %add3A_733 = arith.addf %scan3A_579, %mul3A_732 : vector<16xf32>
      %mul3A_734 = arith.mulf %exp3A_685, %div3A_727 : vector<16xf32>
      %add3A_735 = arith.addf %scan3A_580, %mul3A_734 : vector<16xf32>
      %mul3A_736 = arith.mulf %exp3A_687, %div3A_727 : vector<16xf32>
      %add3A_737 = arith.addf %scan3A_581, %mul3A_736 : vector<16xf32>
      %mul3A_738 = arith.mulf %exp3A_689, %div3A_727 : vector<16xf32>
      %add3A_739 = arith.addf %scan3A_582, %mul3A_738 : vector<16xf32>
      %mul3A_740 = arith.mulf %exp3A_691, %div3A_727 : vector<16xf32>
      %add3A_741 = arith.addf %scan3A_583, %mul3A_740 : vector<16xf32>
      %mul3A_742 = arith.mulf %exp3A_693, %div3A_727 : vector<16xf32>
      %add3A_743 = arith.addf %scan3A_584, %mul3A_742 : vector<16xf32>
      %mul3A_744 = arith.mulf %exp3A_695, %div3A_727 : vector<16xf32>
      %add3A_745 = arith.addf %scan3A_585, %mul3A_744 : vector<16xf32>
      %mul3A_746 = arith.mulf %exp3A_697, %div3A_727 : vector<16xf32>
      %add3A_747 = arith.addf %scan3A_586, %mul3A_746 : vector<16xf32>
      %mul3A_748 = arith.mulf %exp3A_699, %div3A_727 : vector<16xf32>
      %add3A_749 = arith.addf %scan3A_587, %mul3A_748 : vector<16xf32>
      %mul3A_750 = arith.mulf %exp3A_701, %div3A_727 : vector<16xf32>
      %add3A_751 = arith.addf %scan3A_588, %mul3A_750 : vector<16xf32>
      %mul3A_752 = arith.mulf %exp3A_703, %div3A_727 : vector<16xf32>
      %add3A_753 = arith.addf %scan3A_589, %mul3A_752 : vector<16xf32>
      %mul3A_754 = arith.mulf %exp3A_705, %div3A_727 : vector<16xf32>
      %add3A_755 = arith.addf %scan3A_590, %mul3A_754 : vector<16xf32>
      %mul3A_756 = arith.mulf %exp3A_707, %div3A_727 : vector<16xf32>
      %add3A_757 = arith.addf %scan3A_591, %mul3A_756 : vector<16xf32>
      %mul3A_758 = arith.mulf %exp3A_709, %div3A_727 : vector<16xf32>
      %add3A_759 = arith.addf %scan3A_592, %mul3A_758 : vector<16xf32>
      %eq3A_760 = arith.cmpf oeq, %get3A_604, %max3A_678 : vector<16xf32>
      %jit3A_761 = arith.constant 1.000000e+00 : f32
      %jit3A_762 = arith.constant 0.000000e+00 : f32
      %broadcast_in_dim3A_763 = vector.broadcast %jit3A_761 : f32 to vector<16xf32>
      %broadcast_in_dim3A_764 = vector.broadcast %jit3A_762 : f32 to vector<16xf32>
      %select_n3A_765 = arith.select %eq3A_760, %broadcast_in_dim3A_763, %broadcast_in_dim3A_764 : vector<16xi1>, vector<16xf32>
      %swap3A_766 = arith.constant 256 : index
      %swap3A_767 = tpu.vector_load %arg9[%swap3A_766] {strides = array<i32>} : memref<512xf32, #tpu.memory_space<vmem>>, vector<16xf32>,
      tpu.vector_store %arg9[%swap3A_766], %select_n3A_765 {add = true, strides = array<i32>} : memref<512xf32, #tpu.memory_space<vmem>>, vector<16xf32>,
      %eq3A_768 = arith.cmpf oeq, %get3A_608, %max3A_678 : vector<16xf32>
      %jit3A_769 = arith.constant 1.000000e+00 : f32
      %jit3A_770 = arith.constant 0.000000e+00 : f32
      %broadcast_in_dim3A_771 = vector.broadcast %jit3A_769 : f32 to vector<16xf32>
      %broadcast_in_dim3A_772 = vector.broadcast %jit3A_770 : f32 to vector<16xf32>
      %select_n3A_773 = arith.select %eq3A_768, %broadcast_in_dim3A_771, %broadcast_in_dim3A_772 : vector<16xi1>, vector<16xf32>
      %swap3A_774 = arith.constant 272 : index
      %swap3A_775 = tpu.vector_load %arg9[%swap3A_774] {strides = array<i32>} : memref<512xf32, #tpu.memory_space<vmem>>, vector<16xf32>,
      tpu.vector_store %arg9[%swap3A_774], %select_n3A_773 {add = true, strides = array<i32>} : memref<512xf32, #tpu.memory_space<vmem>>, vector<16xf32>,
      %eq3A_776 = arith.cmpf oeq, %get3A_612, %max3A_678 : vector<16xf32>
      %jit3A_777 = arith.constant 1.000000e+00 : f32
      %jit3A_778 = arith.constant 0.000000e+00 : f32
      %broadcast_in_dim3A_779 = vector.broadcast %jit3A_777 : f32 to vector<16xf32>
      %broadcast_in_dim3A_780 = vector.broadcast %jit3A_778 : f32 to vector<16xf32>
      %select_n3A_781 = arith.select %eq3A_776, %broadcast_in_dim3A_779, %broadcast_in_dim3A_780 : vector<16xi1>, vector<16xf32>
      %swap3A_782 = arith.constant 288 : index
      %swap3A_783 = tpu.vector_load %arg9[%swap3A_782] {strides = array<i32>} : memref<512xf32, #tpu.memory_space<vmem>>, vector<16xf32>,
      tpu.vector_store %arg9[%swap3A_782], %select_n3A_781 {add = true, strides = array<i32>} : memref<512xf32, #tpu.memory_space<vmem>>, vector<16xf32>,
      %eq3A_784 = arith.cmpf oeq, %get3A_616, %max3A_678 : vector<16xf32>
      %jit3A_785 = arith.constant 1.000000e+00 : f32
      %jit3A_786 = arith.constant 0.000000e+00 : f32
      %broadcast_in_dim3A_787 = vector.broadcast %jit3A_785 : f32 to vector<16xf32>
      %broadcast_in_dim3A_788 = vector.broadcast %jit3A_786 : f32 to vector<16xf32>
      %select_n3A_789 = arith.select %eq3A_784, %broadcast_in_dim3A_787, %broadcast_in_dim3A_788 : vector<16xi1>, vector<16xf32>
      %swap3A_790 = arith.constant 304 : index
      %swap3A_791 = tpu.vector_load %arg9[%swap3A_790] {strides = array<i32>} : memref<512xf32, #tpu.memory_space<vmem>>, vector<16xf32>,
      tpu.vector_store %arg9[%swap3A_790], %select_n3A_789 {add = true, strides = array<i32>} : memref<512xf32, #tpu.memory_space<vmem>>, vector<16xf32>,
      %eq3A_792 = arith.cmpf oeq, %get3A_620, %max3A_678 : vector<16xf32>
      %jit3A_793 = arith.constant 1.000000e+00 : f32
      %jit3A_794 = arith.constant 0.000000e+00 : f32
      %broadcast_in_dim3A_795 = vector.broadcast %jit3A_793 : f32 to vector<16xf32>
      %broadcast_in_dim3A_796 = vector.broadcast %jit3A_794 : f32 to vector<16xf32>
      %select_n3A_797 = arith.select %eq3A_792, %broadcast_in_dim3A_795, %broadcast_in_dim3A_796 : vector<16xi1>, vector<16xf32>
      %swap3A_798 = arith.constant 320 : index
      %swap3A_799 = tpu.vector_load %arg9[%swap3A_798] {strides = array<i32>} : memref<512xf32, #tpu.memory_space<vmem>>, vector<16xf32>,
      tpu.vector_store %arg9[%swap3A_798], %select_n3A_797 {add = true, strides = array<i32>} : memref<512xf32, #tpu.memory_space<vmem>>, vector<16xf32>,
      %eq3A_800 = arith.cmpf oeq, %get3A_624, %max3A_678 : vector<16xf32>
      %jit3A_801 = arith.constant 1.000000e+00 : f32
      %jit3A_802 = arith.constant 0.000000e+00 : f32
      %broadcast_in_dim3A_803 = vector.broadcast %jit3A_801 : f32 to vector<16xf32>
      %broadcast_in_dim3A_804 = vector.broadcast %jit3A_802 : f32 to vector<16xf32>
      %select_n3A_805 = arith.select %eq3A_800, %broadcast_in_dim3A_803, %broadcast_in_dim3A_804 : vector<16xi1>, vector<16xf32>
      %swap3A_806 = arith.constant 336 : index
      %swap3A_807 = tpu.vector_load %arg9[%swap3A_806] {strides = array<i32>} : memref<512xf32, #tpu.memory_space<vmem>>, vector<16xf32>,
      tpu.vector_store %arg9[%swap3A_806], %select_n3A_805 {add = true, strides = array<i32>} : memref<512xf32, #tpu.memory_space<vmem>>, vector<16xf32>,
      %eq3A_808 = arith.cmpf oeq, %get3A_628, %max3A_678 : vector<16xf32>
      %jit3A_809 = arith.constant 1.000000e+00 : f32
      %jit3A_810 = arith.constant 0.000000e+00 : f32
      %broadcast_in_dim3A_811 = vector.broadcast %jit3A_809 : f32 to vector<16xf32>
      %broadcast_in_dim3A_812 = vector.broadcast %jit3A_810 : f32 to vector<16xf32>
      %select_n3A_813 = arith.select %eq3A_808, %broadcast_in_dim3A_811, %broadcast_in_dim3A_812 : vector<16xi1>, vector<16xf32>
      %swap3A_814 = arith.constant 352 : index
      %swap3A_815 = tpu.vector_load %arg9[%swap3A_814] {strides = array<i32>} : memref<512xf32, #tpu.memory_space<vmem>>, vector<16xf32>,
      tpu.vector_store %arg9[%swap3A_814], %select_n3A_813 {add = true, strides = array<i32>} : memref<512xf32, #tpu.memory_space<vmem>>, vector<16xf32>,
      %eq3A_816 = arith.cmpf oeq, %get3A_632, %max3A_678 : vector<16xf32>
      %jit3A_817 = arith.constant 1.000000e+00 : f32
      %jit3A_818 = arith.constant 0.000000e+00 : f32
      %broadcast_in_dim3A_819 = vector.broadcast %jit3A_817 : f32 to vector<16xf32>
      %broadcast_in_dim3A_820 = vector.broadcast %jit3A_818 : f32 to vector<16xf32>
      %select_n3A_821 = arith.select %eq3A_816, %broadcast_in_dim3A_819, %broadcast_in_dim3A_820 : vector<16xi1>, vector<16xf32>
      %swap3A_822 = arith.constant 368 : index
      %swap3A_823 = tpu.vector_load %arg9[%swap3A_822] {strides = array<i32>} : memref<512xf32, #tpu.memory_space<vmem>>, vector<16xf32>,
      tpu.vector_store %arg9[%swap3A_822], %select_n3A_821 {add = true, strides = array<i32>} : memref<512xf32, #tpu.memory_space<vmem>>, vector<16xf32>,
      %eq3A_824 = arith.cmpf oeq, %get3A_636, %max3A_678 : vector<16xf32>
      %jit3A_825 = arith.constant 1.000000e+00 : f32
      %jit3A_826 = arith.constant 0.000000e+00 : f32
      %broadcast_in_dim3A_827 = vector.broadcast %jit3A_825 : f32 to vector<16xf32>
      %broadcast_in_dim3A_828 = vector.broadcast %jit3A_826 : f32 to vector<16xf32>
      %select_n3A_829 = arith.select %eq3A_824, %broadcast_in_dim3A_827, %broadcast_in_dim3A_828 : vector<16xi1>, vector<16xf32>
      %swap3A_830 = arith.constant 384 : index
      %swap3A_831 = tpu.vector_load %arg9[%swap3A_830] {strides = array<i32>} : memref<512xf32, #tpu.memory_space<vmem>>, vector<16xf32>,
      tpu.vector_store %arg9[%swap3A_830], %select_n3A_829 {add = true, strides = array<i32>} : memref<512xf32, #tpu.memory_space<vmem>>, vector<16xf32>,
      %eq3A_832 = arith.cmpf oeq, %get3A_640, %max3A_678 : vector<16xf32>
      %jit3A_833 = arith.constant 1.000000e+00 : f32
      %jit3A_834 = arith.constant 0.000000e+00 : f32
      %broadcast_in_dim3A_835 = vector.broadcast %jit3A_833 : f32 to vector<16xf32>
      %broadcast_in_dim3A_836 = vector.broadcast %jit3A_834 : f32 to vector<16xf32>
      %select_n3A_837 = arith.select %eq3A_832, %broadcast_in_dim3A_835, %broadcast_in_dim3A_836 : vector<16xi1>, vector<16xf32>
      %swap3A_838 = arith.constant 400 : index
      %swap3A_839 = tpu.vector_load %arg9[%swap3A_838] {strides = array<i32>} : memref<512xf32, #tpu.memory_space<vmem>>, vector<16xf32>,
      tpu.vector_store %arg9[%swap3A_838], %select_n3A_837 {add = true, strides = array<i32>} : memref<512xf32, #tpu.memory_space<vmem>>, vector<16xf32>,
      %eq3A_840 = arith.cmpf oeq, %get3A_644, %max3A_678 : vector<16xf32>
      %jit3A_841 = arith.constant 1.000000e+00 : f32
      %jit3A_842 = arith.constant 0.000000e+00 : f32
      %broadcast_in_dim3A_843 = vector.broadcast %jit3A_841 : f32 to vector<16xf32>
      %broadcast_in_dim3A_844 = vector.broadcast %jit3A_842 : f32 to vector<16xf32>
      %select_n3A_845 = arith.select %eq3A_840, %broadcast_in_dim3A_843, %broadcast_in_dim3A_844 : vector<16xi1>, vector<16xf32>
      %swap3A_846 = arith.constant 416 : index
      %swap3A_847 = tpu.vector_load %arg9[%swap3A_846] {strides = array<i32>} : memref<512xf32, #tpu.memory_space<vmem>>, vector<16xf32>,
      tpu.vector_store %arg9[%swap3A_846], %select_n3A_845 {add = true, strides = array<i32>} : memref<512xf32, #tpu.memory_space<vmem>>, vector<16xf32>,
      %eq3A_848 = arith.cmpf oeq, %get3A_648, %max3A_678 : vector<16xf32>
      %jit3A_849 = arith.constant 1.000000e+00 : f32
      %jit3A_850 = arith.constant 0.000000e+00 : f32
      %broadcast_in_dim3A_851 = vector.broadcast %jit3A_849 : f32 to vector<16xf32>
      %broadcast_in_dim3A_852 = vector.broadcast %jit3A_850 : f32 to vector<16xf32>
      %select_n3A_853 = arith.select %eq3A_848, %broadcast_in_dim3A_851, %broadcast_in_dim3A_852 : vector<16xi1>, vector<16xf32>
      %swap3A_854 = arith.constant 432 : index
      %swap3A_855 = tpu.vector_load %arg9[%swap3A_854] {strides = array<i32>} : memref<512xf32, #tpu.memory_space<vmem>>, vector<16xf32>,
      tpu.vector_store %arg9[%swap3A_854], %select_n3A_853 {add = true, strides = array<i32>} : memref<512xf32, #tpu.memory_space<vmem>>, vector<16xf32>,
      %eq3A_856 = arith.cmpf oeq, %get3A_652, %max3A_678 : vector<16xf32>
      %jit3A_857 = arith.constant 1.000000e+00 : f32
      %jit3A_858 = arith.constant 0.000000e+00 : f32
      %broadcast_in_dim3A_859 = vector.broadcast %jit3A_857 : f32 to vector<16xf32>
      %broadcast_in_dim3A_860 = vector.broadcast %jit3A_858 : f32 to vector<16xf32>
      %select_n3A_861 = arith.select %eq3A_856, %broadcast_in_dim3A_859, %broadcast_in_dim3A_860 : vector<16xi1>, vector<16xf32>
      %swap3A_862 = arith.constant 448 : index
      %swap3A_863 = tpu.vector_load %arg9[%swap3A_862] {strides = array<i32>} : memref<512xf32, #tpu.memory_space<vmem>>, vector<16xf32>,
      tpu.vector_store %arg9[%swap3A_862], %select_n3A_861 {add = true, strides = array<i32>} : memref<512xf32, #tpu.memory_space<vmem>>, vector<16xf32>,
      %eq3A_864 = arith.cmpf oeq, %get3A_656, %max3A_678 : vector<16xf32>
      %jit3A_865 = arith.constant 1.000000e+00 : f32
      %jit3A_866 = arith.constant 0.000000e+00 : f32
      %broadcast_in_dim3A_867 = vector.broadcast %jit3A_865 : f32 to vector<16xf32>
      %broadcast_in_dim3A_868 = vector.broadcast %jit3A_866 : f32 to vector<16xf32>
      %select_n3A_869 = arith.select %eq3A_864, %broadcast_in_dim3A_867, %broadcast_in_dim3A_868 : vector<16xi1>, vector<16xf32>
      %swap3A_870 = arith.constant 464 : index
      %swap3A_871 = tpu.vector_load %arg9[%swap3A_870] {strides = array<i32>} : memref<512xf32, #tpu.memory_space<vmem>>, vector<16xf32>,
      tpu.vector_store %arg9[%swap3A_870], %select_n3A_869 {add = true, strides = array<i32>} : memref<512xf32, #tpu.memory_space<vmem>>, vector<16xf32>,
      %eq3A_872 = arith.cmpf oeq, %get3A_660, %max3A_678 : vector<16xf32>
      %jit3A_873 = arith.constant 1.000000e+00 : f32
      %jit3A_874 = arith.constant 0.000000e+00 : f32
      %broadcast_in_dim3A_875 = vector.broadcast %jit3A_873 : f32 to vector<16xf32>
      %broadcast_in_dim3A_876 = vector.broadcast %jit3A_874 : f32 to vector<16xf32>
      %select_n3A_877 = arith.select %eq3A_872, %broadcast_in_dim3A_875, %broadcast_in_dim3A_876 : vector<16xi1>, vector<16xf32>
      %swap3A_878 = arith.constant 480 : index
      %swap3A_879 = tpu.vector_load %arg9[%swap3A_878] {strides = array<i32>} : memref<512xf32, #tpu.memory_space<vmem>>, vector<16xf32>,
      tpu.vector_store %arg9[%swap3A_878], %select_n3A_877 {add = true, strides = array<i32>} : memref<512xf32, #tpu.memory_space<vmem>>, vector<16xf32>,
      %eq3A_880 = arith.cmpf oeq, %get3A_664, %max3A_678 : vector<16xf32>
      %jit3A_881 = arith.constant 1.000000e+00 : f32
      %jit3A_882 = arith.constant 0.000000e+00 : f32
      %broadcast_in_dim3A_883 = vector.broadcast %jit3A_881 : f32 to vector<16xf32>
      %broadcast_in_dim3A_884 = vector.broadcast %jit3A_882 : f32 to vector<16xf32>
      %select_n3A_885 = arith.select %eq3A_880, %broadcast_in_dim3A_883, %broadcast_in_dim3A_884 : vector<16xi1>, vector<16xf32>
      %swap3A_886 = arith.constant 496 : index
      %swap3A_887 = tpu.vector_load %arg9[%swap3A_886] {strides = array<i32>} : memref<512xf32, #tpu.memory_space<vmem>>, vector<16xf32>,
      tpu.vector_store %arg9[%swap3A_886], %select_n3A_885 {add = true, strides = array<i32>} : memref<512xf32, #tpu.memory_space<vmem>>, vector<16xf32>,
      %bitcast_convert_type3A = tpu.bitcast %add3A_724 : vector<16xf32> -> vector<16xi32>
      %shift_right_arithmetic3A_888 = arith.constant 23 : i32
      %shift_right_arithmetic3A_889 = vector.broadcast %shift_right_arithmetic3A_888 : i32 to vector<16xi32>
      %shift_right_arithmetic3A_890 = arith.shrsi %bitcast_convert_type3A, %shift_right_arithmetic3A_889 : vector<16xi32>
      %sub3A_891 = arith.constant 127 : i32
      %sub3A_892 = vector.broadcast %sub3A_891 : i32 to vector<16xi32>
      %sub3A_893 = arith.subi %shift_right_arithmetic3A_890, %sub3A_892 : vector<16xi32>
      %and3A_894 = arith.constant 8388607 : i32
      %and3A_895 = vector.broadcast %and3A_894 : i32 to vector<16xi32>
      %and3A_896 = arith.andi %bitcast_convert_type3A, %and3A_895 : vector<16xi32>
      %or3A = arith.constant 1065353216 : i32
      %or3A_897 = vector.broadcast %or3A : i32 to vector<16xi32>
      %or3A_898 = arith.ori %and3A_896, %or3A_897 : vector<16xi32>
      %bitcast_convert_type3A_899 = tpu.bitcast %or3A_898 : vector<16xi32> -> vector<16xf32>
      %ge3A = arith.constant 1.41421354 : f32
      %ge3A_900 = vector.broadcast %ge3A : f32 to vector<16xf32>
      %ge3A_901 = arith.cmpf oge, %bitcast_convert_type3A_899, %ge3A_900 : vector<16xf32>
      %mul3A_902 = arith.constant 5.000000e-01 : f32
      %mul3A_903 = vector.broadcast %mul3A_902 : f32 to vector<16xf32>
      %mul3A_904 = arith.mulf %bitcast_convert_type3A_899, %mul3A_903 : vector<16xf32>
      %select_n3A_905 = arith.select %ge3A_901, %mul3A_904, %bitcast_convert_type3A_899 : vector<16xi1>, vector<16xf32>
      %jit3A_906 = arith.constant 1 : i32
      %jit3A_907 = arith.constant 0 : i32
      %broadcast_in_dim3A_908 = vector.broadcast %jit3A_906 : i32 to vector<16xi32>
      %broadcast_in_dim3A_909 = vector.broadcast %jit3A_907 : i32 to vector<16xi32>
      %select_n3A_910 = arith.select %ge3A_901, %broadcast_in_dim3A_908, %broadcast_in_dim3A_909 : vector<16xi1>, vector<16xi32>
      %add3A_911 = arith.addi %sub3A_893, %select_n3A_910 : vector<16xi32>
      %sub3A_912 = arith.constant 1.000000e+00 : f32
      %sub3A_913 = vector.broadcast %sub3A_912 : f32 to vector<16xf32>
      %sub3A_914 = arith.subf %select_n3A_905, %sub3A_913 : vector<16xf32>
      %add3A_915 = arith.constant 1.000000e+00 : f32
      %add3A_916 = vector.broadcast %add3A_915 : f32 to vector<16xf32>
      %add3A_917 = arith.addf %select_n3A_905, %add3A_916 : vector<16xf32>
      %div3A_918 = arith.divf %sub3A_914, %add3A_917 : vector<16xf32>
      %mul3A_919 = arith.mulf %div3A_918, %div3A_918 : vector<16xf32>
      %mul3A_920 = arith.constant 2.000000e+00 : f32
      %mul3A_921 = vector.broadcast %mul3A_920 : f32 to vector<16xf32>
      %mul3A_922 = arith.mulf %mul3A_921, %div3A_918 : vector<16xf32>
      %div3A_923 = arith.constant 9.000000e+00 : f32
      %div3A_924 = vector.broadcast %div3A_923 : f32 to vector<16xf32>
      %div3A_925 = arith.divf %mul3A_919, %div3A_924 : vector<16xf32>
      %add3A_926 = arith.constant 0.142857149 : f32
      %add3A_927 = vector.broadcast %add3A_926 : f32 to vector<16xf32>
      %add3A_928 = arith.addf %add3A_927, %div3A_925 : vector<16xf32>
      %mul3A_929 = arith.mulf %mul3A_919, %add3A_928 : vector<16xf32>
      %add3A_930 = arith.constant 2.000000e-01 : f32
      %add3A_931 = vector.broadcast %add3A_930 : f32 to vector<16xf32>
      %add3A_932 = arith.addf %add3A_931, %mul3A_929 : vector<16xf32>
      %mul3A_933 = arith.mulf %mul3A_919, %add3A_932 : vector<16xf32>
      %add3A_934 = arith.constant 0.333333343 : f32
      %add3A_935 = vector.broadcast %add3A_934 : f32 to vector<16xf32>
      %add3A_936 = arith.addf %add3A_935, %mul3A_933 : vector<16xf32>
      %mul3A_937 = arith.mulf %mul3A_919, %add3A_936 : vector<16xf32>
      %add3A_938 = arith.constant 1.000000e+00 : f32
      %add3A_939 = vector.broadcast %add3A_938 : f32 to vector<16xf32>
      %add3A_940 = arith.addf %add3A_939, %mul3A_937 : vector<16xf32>
      %mul3A_941 = arith.mulf %mul3A_922, %add3A_940 : vector<16xf32>
      %convert_element_type3A = arith.sitofp %add3A_911 : vector<16xi32> to vector<16xf32>
      %mul3A_942 = arith.constant 0.693147182 : f32
      %mul3A_943 = vector.broadcast %mul3A_942 : f32 to vector<16xf32>
      %mul3A_944 = arith.mulf %convert_element_type3A, %mul3A_943 : vector<16xf32>
      %add3A_945 = arith.addf %mul3A_944, %mul3A_941 : vector<16xf32>
      %add3A_946 = arith.addf %max3A_678, %add3A_945 : vector<16xf32>
      %mul3A_947 = arith.mulf %add3A_946, %add3A_946 : vector<16xf32>
      %add3A_948 = arith.addf %scan3A_576, %mul3A_947 : vector<16xf32>
      scf.yield %add3A_948, %add3A_729, %add3A_731, %add3A_733, %add3A_735, %add3A_737, %add3A_739, %add3A_741, %add3A_743, %add3A_745, %add3A_747, %add3A_749, %add3A_751, %add3A_753, %add3A_755, %add3A_757, %add3A_759 : vector<16xf32>, vector<16xf32>, vector<16xf32>, vector<16xf32>, vector<16xf32>, vector<16xf32>, vector<16xf32>, vector<16xf32>, vector<16xf32>, vector<16xf32>, vector<16xf32>, vector<16xf32>, vector<16xf32>, vector<16xf32>, vector<16xf32>, vector<16xf32>, vector<16xf32>
    }
    %scan3A_259 = arith.constant 64 : i32
    %swap3A_260 = arith.constant 0 : index
    %swap3A_261 = tpu.vector_load %arg10[%swap3A_260] {strides = array<i32>} : memref<16xf32, #tpu.memory_space<vmem>>, vector<16xf32>,
    tpu.vector_store %arg10[%swap3A_260], %scan3A_258#0 {strides = array<i32>} : memref<16xf32, #tpu.memory_space<vmem>>, vector<16xf32>,
    %iota3A = tpu.iota {dimensions = array<i32: 0>} : vector<16xi32>
    %mul3A_262 = arith.constant 16 : i32
    %mul3A_263 = vector.broadcast %mul3A_262 : i32 to vector<16xi32>
    %mul3A_264 = arith.muli %iota3A, %mul3A_263 : vector<16xi32>
    %swap3A_265 = arith.constant 0 : index
    %swap3A_266 = tpu.vector_load %arg8[%swap3A_265] {strides = array<i32>} : memref<512xf32, #tpu.memory_space<vmem>>, vector<16xf32>,
    tpu.vector_store %arg8[%swap3A_265], %scan3A_258#1 {strides = array<i32>} : memref<512xf32, #tpu.memory_space<vmem>>, vector<16xf32>,
    %get3A = arith.constant 0 : index
    %get3A_267 = tpu.vector_load %arg9[%get3A] {strides = array<i32>} : memref<512xf32, #tpu.memory_space<vmem>>, vector<16xf32>,
    %get3A_268 = arith.constant 256 : index
    %get3A_269 = tpu.vector_load %arg9[%get3A_268] {strides = array<i32>} : memref<512xf32, #tpu.memory_space<vmem>>, vector<16xf32>,
    %add3A_270 = arith.addf %get3A_267, %get3A_269 : vector<16xf32>
    %swap3A_271 = arith.constant 0 : index
    %swap3A_272 = tpu.vector_load %arg9[%swap3A_271] {strides = array<i32>} : memref<512xf32, #tpu.memory_space<vmem>>, vector<16xf32>,
    tpu.vector_store %arg9[%swap3A_271], %add3A_270 {strides = array<i32>} : memref<512xf32, #tpu.memory_space<vmem>>, vector<16xf32>,
    %swap3A_273 = arith.constant 16 : index
    %swap3A_274 = tpu.vector_load %arg8[%swap3A_273] {strides = array<i32>} : memref<512xf32, #tpu.memory_space<vmem>>, vector<16xf32>,
    tpu.vector_store %arg8[%swap3A_273], %scan3A_258#2 {strides = array<i32>} : memref<512xf32, #tpu.memory_space<vmem>>, vector<16xf32>,
    %get3A_275 = arith.constant 16 : index
    %get3A_276 = tpu.vector_load %arg9[%get3A_275] {strides = array<i32>} : memref<512xf32, #tpu.memory_space<vmem>>, vector<16xf32>,
    %get3A_277 = arith.constant 272 : index
    %get3A_278 = tpu.vector_load %arg9[%get3A_277] {strides = array<i32>} : memref<512xf32, #tpu.memory_space<vmem>>, vector<16xf32>,
    %add3A_279 = arith.addf %get3A_276, %get3A_278 : vector<16xf32>
    %swap3A_280 = arith.constant 16 : index
    %swap3A_281 = tpu.vector_load %arg9[%swap3A_280] {strides = array<i32>} : memref<512xf32, #tpu.memory_space<vmem>>, vector<16xf32>,
    tpu.vector_store %arg9[%swap3A_280], %add3A_279 {strides = array<i32>} : memref<512xf32, #tpu.memory_space<vmem>>, vector<16xf32>,
    %swap3A_282 = arith.constant 32 : index
    %swap3A_283 = tpu.vector_load %arg8[%swap3A_282] {strides = array<i32>} : memref<512xf32, #tpu.memory_space<vmem>>, vector<16xf32>,
    tpu.vector_store %arg8[%swap3A_282], %scan3A_258#3 {strides = array<i32>} : memref<512xf32, #tpu.memory_space<vmem>>, vector<16xf32>,
    %get3A_284 = arith.constant 32 : index
    %get3A_285 = tpu.vector_load %arg9[%get3A_284] {strides = array<i32>} : memref<512xf32, #tpu.memory_space<vmem>>, vector<16xf32>,
    %get3A_286 = arith.constant 288 : index
    %get3A_287 = tpu.vector_load %arg9[%get3A_286] {strides = array<i32>} : memref<512xf32, #tpu.memory_space<vmem>>, vector<16xf32>,
    %add3A_288 = arith.addf %get3A_285, %get3A_287 : vector<16xf32>
    %swap3A_289 = arith.constant 32 : index
    %swap3A_290 = tpu.vector_load %arg9[%swap3A_289] {strides = array<i32>} : memref<512xf32, #tpu.memory_space<vmem>>, vector<16xf32>,
    tpu.vector_store %arg9[%swap3A_289], %add3A_288 {strides = array<i32>} : memref<512xf32, #tpu.memory_space<vmem>>, vector<16xf32>,
    %swap3A_291 = arith.constant 48 : index
    %swap3A_292 = tpu.vector_load %arg8[%swap3A_291] {strides = array<i32>} : memref<512xf32, #tpu.memory_space<vmem>>, vector<16xf32>,
    tpu.vector_store %arg8[%swap3A_291], %scan3A_258#4 {strides = array<i32>} : memref<512xf32, #tpu.memory_space<vmem>>, vector<16xf32>,
    %get3A_293 = arith.constant 48 : index
    %get3A_294 = tpu.vector_load %arg9[%get3A_293] {strides = array<i32>} : memref<512xf32, #tpu.memory_space<vmem>>, vector<16xf32>,
    %get3A_295 = arith.constant 304 : index
    %get3A_296 = tpu.vector_load %arg9[%get3A_295] {strides = array<i32>} : memref<512xf32, #tpu.memory_space<vmem>>, vector<16xf32>,
    %add3A_297 = arith.addf %get3A_294, %get3A_296 : vector<16xf32>
    %swap3A_298 = arith.constant 48 : index
    %swap3A_299 = tpu.vector_load %arg9[%swap3A_298] {strides = array<i32>} : memref<512xf32, #tpu.memory_space<vmem>>, vector<16xf32>,
    tpu.vector_store %arg9[%swap3A_298], %add3A_297 {strides = array<i32>} : memref<512xf32, #tpu.memory_space<vmem>>, vector<16xf32>,
    %swap3A_300 = arith.constant 64 : index
    %swap3A_301 = tpu.vector_load %arg8[%swap3A_300] {strides = array<i32>} : memref<512xf32, #tpu.memory_space<vmem>>, vector<16xf32>,
    tpu.vector_store %arg8[%swap3A_300], %scan3A_258#5 {strides = array<i32>} : memref<512xf32, #tpu.memory_space<vmem>>, vector<16xf32>,
    %get3A_302 = arith.constant 64 : index
    %get3A_303 = tpu.vector_load %arg9[%get3A_302] {strides = array<i32>} : memref<512xf32, #tpu.memory_space<vmem>>, vector<16xf32>,
    %get3A_304 = arith.constant 320 : index
    %get3A_305 = tpu.vector_load %arg9[%get3A_304] {strides = array<i32>} : memref<512xf32, #tpu.memory_space<vmem>>, vector<16xf32>,
    %add3A_306 = arith.addf %get3A_303, %get3A_305 : vector<16xf32>
    %swap3A_307 = arith.constant 64 : index
    %swap3A_308 = tpu.vector_load %arg9[%swap3A_307] {strides = array<i32>} : memref<512xf32, #tpu.memory_space<vmem>>, vector<16xf32>,
    tpu.vector_store %arg9[%swap3A_307], %add3A_306 {strides = array<i32>} : memref<512xf32, #tpu.memory_space<vmem>>, vector<16xf32>,
    %swap3A_309 = arith.constant 80 : index
    %swap3A_310 = tpu.vector_load %arg8[%swap3A_309] {strides = array<i32>} : memref<512xf32, #tpu.memory_space<vmem>>, vector<16xf32>,
    tpu.vector_store %arg8[%swap3A_309], %scan3A_258#6 {strides = array<i32>} : memref<512xf32, #tpu.memory_space<vmem>>, vector<16xf32>,
    %get3A_311 = arith.constant 80 : index
    %get3A_312 = tpu.vector_load %arg9[%get3A_311] {strides = array<i32>} : memref<512xf32, #tpu.memory_space<vmem>>, vector<16xf32>,
    %get3A_313 = arith.constant 336 : index
    %get3A_314 = tpu.vector_load %arg9[%get3A_313] {strides = array<i32>} : memref<512xf32, #tpu.memory_space<vmem>>, vector<16xf32>,
    %add3A_315 = arith.addf %get3A_312, %get3A_314 : vector<16xf32>
    %swap3A_316 = arith.constant 80 : index
    %swap3A_317 = tpu.vector_load %arg9[%swap3A_316] {strides = array<i32>} : memref<512xf32, #tpu.memory_space<vmem>>, vector<16xf32>,
    tpu.vector_store %arg9[%swap3A_316], %add3A_315 {strides = array<i32>} : memref<512xf32, #tpu.memory_space<vmem>>, vector<16xf32>,
    %swap3A_318 = arith.constant 96 : index
    %swap3A_319 = tpu.vector_load %arg8[%swap3A_318] {strides = array<i32>} : memref<512xf32, #tpu.memory_space<vmem>>, vector<16xf32>,
    tpu.vector_store %arg8[%swap3A_318], %scan3A_258#7 {strides = array<i32>} : memref<512xf32, #tpu.memory_space<vmem>>, vector<16xf32>,
    %get3A_320 = arith.constant 96 : index
    %get3A_321 = tpu.vector_load %arg9[%get3A_320] {strides = array<i32>} : memref<512xf32, #tpu.memory_space<vmem>>, vector<16xf32>,
    %get3A_322 = arith.constant 352 : index
    %get3A_323 = tpu.vector_load %arg9[%get3A_322] {strides = array<i32>} : memref<512xf32, #tpu.memory_space<vmem>>, vector<16xf32>,
    %add3A_324 = arith.addf %get3A_321, %get3A_323 : vector<16xf32>
    %swap3A_325 = arith.constant 96 : index
    %swap3A_326 = tpu.vector_load %arg9[%swap3A_325] {strides = array<i32>} : memref<512xf32, #tpu.memory_space<vmem>>, vector<16xf32>,
    tpu.vector_store %arg9[%swap3A_325], %add3A_324 {strides = array<i32>} : memref<512xf32, #tpu.memory_space<vmem>>, vector<16xf32>,
    %swap3A_327 = arith.constant 112 : index
    %swap3A_328 = tpu.vector_load %arg8[%swap3A_327] {strides = array<i32>} : memref<512xf32, #tpu.memory_space<vmem>>, vector<16xf32>,
    tpu.vector_store %arg8[%swap3A_327], %scan3A_258#8 {strides = array<i32>} : memref<512xf32, #tpu.memory_space<vmem>>, vector<16xf32>,
    %get3A_329 = arith.constant 112 : index
    %get3A_330 = tpu.vector_load %arg9[%get3A_329] {strides = array<i32>} : memref<512xf32, #tpu.memory_space<vmem>>, vector<16xf32>,
    %get3A_331 = arith.constant 368 : index
    %get3A_332 = tpu.vector_load %arg9[%get3A_331] {strides = array<i32>} : memref<512xf32, #tpu.memory_space<vmem>>, vector<16xf32>,
    %add3A_333 = arith.addf %get3A_330, %get3A_332 : vector<16xf32>
    %swap3A_334 = arith.constant 112 : index
    %swap3A_335 = tpu.vector_load %arg9[%swap3A_334] {strides = array<i32>} : memref<512xf32, #tpu.memory_space<vmem>>, vector<16xf32>,
    tpu.vector_store %arg9[%swap3A_334], %add3A_333 {strides = array<i32>} : memref<512xf32, #tpu.memory_space<vmem>>, vector<16xf32>,
    %swap3A_336 = arith.constant 128 : index
    %swap3A_337 = tpu.vector_load %arg8[%swap3A_336] {strides = array<i32>} : memref<512xf32, #tpu.memory_space<vmem>>, vector<16xf32>,
    tpu.vector_store %arg8[%swap3A_336], %scan3A_258#9 {strides = array<i32>} : memref<512xf32, #tpu.memory_space<vmem>>, vector<16xf32>,
    %get3A_338 = arith.constant 128 : index
    %get3A_339 = tpu.vector_load %arg9[%get3A_338] {strides = array<i32>} : memref<512xf32, #tpu.memory_space<vmem>>, vector<16xf32>,
    %get3A_340 = arith.constant 384 : index
    %get3A_341 = tpu.vector_load %arg9[%get3A_340] {strides = array<i32>} : memref<512xf32, #tpu.memory_space<vmem>>, vector<16xf32>,
    %add3A_342 = arith.addf %get3A_339, %get3A_341 : vector<16xf32>
    %swap3A_343 = arith.constant 128 : index
    %swap3A_344 = tpu.vector_load %arg9[%swap3A_343] {strides = array<i32>} : memref<512xf32, #tpu.memory_space<vmem>>, vector<16xf32>,
    tpu.vector_store %arg9[%swap3A_343], %add3A_342 {strides = array<i32>} : memref<512xf32, #tpu.memory_space<vmem>>, vector<16xf32>,
    %swap3A_345 = arith.constant 144 : index
    %swap3A_346 = tpu.vector_load %arg8[%swap3A_345] {strides = array<i32>} : memref<512xf32, #tpu.memory_space<vmem>>, vector<16xf32>,
    tpu.vector_store %arg8[%swap3A_345], %scan3A_258#10 {strides = array<i32>} : memref<512xf32, #tpu.memory_space<vmem>>, vector<16xf32>,
    %get3A_347 = arith.constant 144 : index
    %get3A_348 = tpu.vector_load %arg9[%get3A_347] {strides = array<i32>} : memref<512xf32, #tpu.memory_space<vmem>>, vector<16xf32>,
    %get3A_349 = arith.constant 400 : index
    %get3A_350 = tpu.vector_load %arg9[%get3A_349] {strides = array<i32>} : memref<512xf32, #tpu.memory_space<vmem>>, vector<16xf32>,
    %add3A_351 = arith.addf %get3A_348, %get3A_350 : vector<16xf32>
    %swap3A_352 = arith.constant 144 : index
    %swap3A_353 = tpu.vector_load %arg9[%swap3A_352] {strides = array<i32>} : memref<512xf32, #tpu.memory_space<vmem>>, vector<16xf32>,
    tpu.vector_store %arg9[%swap3A_352], %add3A_351 {strides = array<i32>} : memref<512xf32, #tpu.memory_space<vmem>>, vector<16xf32>,
    %swap3A_354 = arith.constant 160 : index
    %swap3A_355 = tpu.vector_load %arg8[%swap3A_354] {strides = array<i32>} : memref<512xf32, #tpu.memory_space<vmem>>, vector<16xf32>,
    tpu.vector_store %arg8[%swap3A_354], %scan3A_258#11 {strides = array<i32>} : memref<512xf32, #tpu.memory_space<vmem>>, vector<16xf32>,
    %get3A_356 = arith.constant 160 : index
    %get3A_357 = tpu.vector_load %arg9[%get3A_356] {strides = array<i32>} : memref<512xf32, #tpu.memory_space<vmem>>, vector<16xf32>,
    %get3A_358 = arith.constant 416 : index
    %get3A_359 = tpu.vector_load %arg9[%get3A_358] {strides = array<i32>} : memref<512xf32, #tpu.memory_space<vmem>>, vector<16xf32>,
    %add3A_360 = arith.addf %get3A_357, %get3A_359 : vector<16xf32>
    %swap3A_361 = arith.constant 160 : index
    %swap3A_362 = tpu.vector_load %arg9[%swap3A_361] {strides = array<i32>} : memref<512xf32, #tpu.memory_space<vmem>>, vector<16xf32>,
    tpu.vector_store %arg9[%swap3A_361], %add3A_360 {strides = array<i32>} : memref<512xf32, #tpu.memory_space<vmem>>, vector<16xf32>,
    %swap3A_363 = arith.constant 176 : index
    %swap3A_364 = tpu.vector_load %arg8[%swap3A_363] {strides = array<i32>} : memref<512xf32, #tpu.memory_space<vmem>>, vector<16xf32>,
    tpu.vector_store %arg8[%swap3A_363], %scan3A_258#12 {strides = array<i32>} : memref<512xf32, #tpu.memory_space<vmem>>, vector<16xf32>,
    %get3A_365 = arith.constant 176 : index
    %get3A_366 = tpu.vector_load %arg9[%get3A_365] {strides = array<i32>} : memref<512xf32, #tpu.memory_space<vmem>>, vector<16xf32>,
    %get3A_367 = arith.constant 432 : index
    %get3A_368 = tpu.vector_load %arg9[%get3A_367] {strides = array<i32>} : memref<512xf32, #tpu.memory_space<vmem>>, vector<16xf32>,
    %add3A_369 = arith.addf %get3A_366, %get3A_368 : vector<16xf32>
    %swap3A_370 = arith.constant 176 : index
    %swap3A_371 = tpu.vector_load %arg9[%swap3A_370] {strides = array<i32>} : memref<512xf32, #tpu.memory_space<vmem>>, vector<16xf32>,
    tpu.vector_store %arg9[%swap3A_370], %add3A_369 {strides = array<i32>} : memref<512xf32, #tpu.memory_space<vmem>>, vector<16xf32>,
    %swap3A_372 = arith.constant 192 : index
    %swap3A_373 = tpu.vector_load %arg8[%swap3A_372] {strides = array<i32>} : memref<512xf32, #tpu.memory_space<vmem>>, vector<16xf32>,
    tpu.vector_store %arg8[%swap3A_372], %scan3A_258#13 {strides = array<i32>} : memref<512xf32, #tpu.memory_space<vmem>>, vector<16xf32>,
    %get3A_374 = arith.constant 192 : index
    %get3A_375 = tpu.vector_load %arg9[%get3A_374] {strides = array<i32>} : memref<512xf32, #tpu.memory_space<vmem>>, vector<16xf32>,
    %get3A_376 = arith.constant 448 : index
    %get3A_377 = tpu.vector_load %arg9[%get3A_376] {strides = array<i32>} : memref<512xf32, #tpu.memory_space<vmem>>, vector<16xf32>,
    %add3A_378 = arith.addf %get3A_375, %get3A_377 : vector<16xf32>
    %swap3A_379 = arith.constant 192 : index
    %swap3A_380 = tpu.vector_load %arg9[%swap3A_379] {strides = array<i32>} : memref<512xf32, #tpu.memory_space<vmem>>, vector<16xf32>,
    tpu.vector_store %arg9[%swap3A_379], %add3A_378 {strides = array<i32>} : memref<512xf32, #tpu.memory_space<vmem>>, vector<16xf32>,
    %swap3A_381 = arith.constant 208 : index
    %swap3A_382 = tpu.vector_load %arg8[%swap3A_381] {strides = array<i32>} : memref<512xf32, #tpu.memory_space<vmem>>, vector<16xf32>,
    tpu.vector_store %arg8[%swap3A_381], %scan3A_258#14 {strides = array<i32>} : memref<512xf32, #tpu.memory_space<vmem>>, vector<16xf32>,
    %get3A_383 = arith.constant 208 : index
    %get3A_384 = tpu.vector_load %arg9[%get3A_383] {strides = array<i32>} : memref<512xf32, #tpu.memory_space<vmem>>, vector<16xf32>,
    %get3A_385 = arith.constant 464 : index
    %get3A_386 = tpu.vector_load %arg9[%get3A_385] {strides = array<i32>} : memref<512xf32, #tpu.memory_space<vmem>>, vector<16xf32>,
    %add3A_387 = arith.addf %get3A_384, %get3A_386 : vector<16xf32>
    %swap3A_388 = arith.constant 208 : index
    %swap3A_389 = tpu.vector_load %arg9[%swap3A_388] {strides = array<i32>} : memref<512xf32, #tpu.memory_space<vmem>>, vector<16xf32>,
    tpu.vector_store %arg9[%swap3A_388], %add3A_387 {strides = array<i32>} : memref<512xf32, #tpu.memory_space<vmem>>, vector<16xf32>,
    %swap3A_390 = arith.constant 224 : index
    %swap3A_391 = tpu.vector_load %arg8[%swap3A_390] {strides = array<i32>} : memref<512xf32, #tpu.memory_space<vmem>>, vector<16xf32>,
    tpu.vector_store %arg8[%swap3A_390], %scan3A_258#15 {strides = array<i32>} : memref<512xf32, #tpu.memory_space<vmem>>, vector<16xf32>,
    %get3A_392 = arith.constant 224 : index
    %get3A_393 = tpu.vector_load %arg9[%get3A_392] {strides = array<i32>} : memref<512xf32, #tpu.memory_space<vmem>>, vector<16xf32>,
    %get3A_394 = arith.constant 480 : index
    %get3A_395 = tpu.vector_load %arg9[%get3A_394] {strides = array<i32>} : memref<512xf32, #tpu.memory_space<vmem>>, vector<16xf32>,
    %add3A_396 = arith.addf %get3A_393, %get3A_395 : vector<16xf32>
    %swap3A_397 = arith.constant 224 : index
    %swap3A_398 = tpu.vector_load %arg9[%swap3A_397] {strides = array<i32>} : memref<512xf32, #tpu.memory_space<vmem>>, vector<16xf32>,
    tpu.vector_store %arg9[%swap3A_397], %add3A_396 {strides = array<i32>} : memref<512xf32, #tpu.memory_space<vmem>>, vector<16xf32>,
    %swap3A_399 = arith.constant 240 : index
    %swap3A_400 = tpu.vector_load %arg8[%swap3A_399] {strides = array<i32>} : memref<512xf32, #tpu.memory_space<vmem>>, vector<16xf32>,
    tpu.vector_store %arg8[%swap3A_399], %scan3A_258#16 {strides = array<i32>} : memref<512xf32, #tpu.memory_space<vmem>>, vector<16xf32>,
    %get3A_401 = arith.constant 240 : index
    %get3A_402 = tpu.vector_load %arg9[%get3A_401] {strides = array<i32>} : memref<512xf32, #tpu.memory_space<vmem>>, vector<16xf32>,
    %get3A_403 = arith.constant 496 : index
    %get3A_404 = tpu.vector_load %arg9[%get3A_403] {strides = array<i32>} : memref<512xf32, #tpu.memory_space<vmem>>, vector<16xf32>,
    %add3A_405 = arith.addf %get3A_402, %get3A_404 : vector<16xf32>
    %swap3A_406 = arith.constant 240 : index
    %swap3A_407 = tpu.vector_load %arg9[%swap3A_406] {strides = array<i32>} : memref<512xf32, #tpu.memory_space<vmem>>, vector<16xf32>,
    tpu.vector_store %arg9[%swap3A_406], %add3A_405 {strides = array<i32>} : memref<512xf32, #tpu.memory_space<vmem>>, vector<16xf32>,
    %add3A_408 = arith.constant 0 : i32
    %add3A_409 = vector.broadcast %add3A_408 : i32 to vector<16xi32>
    %add3A_410 = arith.addi %mul3A_264, %add3A_409 : vector<16xi32>
    %gather3A = tpu.vector_load_idx %arg8[%add3A_410] : memref<512xf32, #tpu.memory_space<vmem>>[vector<16xi32>], vector<16xf32>,
    %add3A_411 = arith.constant 1 : i32
    %add3A_412 = vector.broadcast %add3A_411 : i32 to vector<16xi32>
    %add3A_413 = arith.addi %mul3A_264, %add3A_412 : vector<16xi32>
    %gather3A_414 = tpu.vector_load_idx %arg8[%add3A_413] : memref<512xf32, #tpu.memory_space<vmem>>[vector<16xi32>], vector<16xf32>,
    %add3A_415 = arith.constant 2 : i32
    %add3A_416 = vector.broadcast %add3A_415 : i32 to vector<16xi32>
    %add3A_417 = arith.addi %mul3A_264, %add3A_416 : vector<16xi32>
    %gather3A_418 = tpu.vector_load_idx %arg8[%add3A_417] : memref<512xf32, #tpu.memory_space<vmem>>[vector<16xi32>], vector<16xf32>,
    %add3A_419 = arith.constant 3 : i32
    %add3A_420 = vector.broadcast %add3A_419 : i32 to vector<16xi32>
    %add3A_421 = arith.addi %mul3A_264, %add3A_420 : vector<16xi32>
    %gather3A_422 = tpu.vector_load_idx %arg8[%add3A_421] : memref<512xf32, #tpu.memory_space<vmem>>[vector<16xi32>], vector<16xf32>,
    %add3A_423 = arith.constant 4 : i32
    %add3A_424 = vector.broadcast %add3A_423 : i32 to vector<16xi32>
    %add3A_425 = arith.addi %mul3A_264, %add3A_424 : vector<16xi32>
    %gather3A_426 = tpu.vector_load_idx %arg8[%add3A_425] : memref<512xf32, #tpu.memory_space<vmem>>[vector<16xi32>], vector<16xf32>,
    %add3A_427 = arith.constant 5 : i32
    %add3A_428 = vector.broadcast %add3A_427 : i32 to vector<16xi32>
    %add3A_429 = arith.addi %mul3A_264, %add3A_428 : vector<16xi32>
    %gather3A_430 = tpu.vector_load_idx %arg8[%add3A_429] : memref<512xf32, #tpu.memory_space<vmem>>[vector<16xi32>], vector<16xf32>,
    %add3A_431 = arith.constant 6 : i32
    %add3A_432 = vector.broadcast %add3A_431 : i32 to vector<16xi32>
    %add3A_433 = arith.addi %mul3A_264, %add3A_432 : vector<16xi32>
    %gather3A_434 = tpu.vector_load_idx %arg8[%add3A_433] : memref<512xf32, #tpu.memory_space<vmem>>[vector<16xi32>], vector<16xf32>,
    %add3A_435 = arith.constant 7 : i32
    %add3A_436 = vector.broadcast %add3A_435 : i32 to vector<16xi32>
    %add3A_437 = arith.addi %mul3A_264, %add3A_436 : vector<16xi32>
    %gather3A_438 = tpu.vector_load_idx %arg8[%add3A_437] : memref<512xf32, #tpu.memory_space<vmem>>[vector<16xi32>], vector<16xf32>,
    %add3A_439 = arith.constant 8 : i32
    %add3A_440 = vector.broadcast %add3A_439 : i32 to vector<16xi32>
    %add3A_441 = arith.addi %mul3A_264, %add3A_440 : vector<16xi32>
    %gather3A_442 = tpu.vector_load_idx %arg8[%add3A_441] : memref<512xf32, #tpu.memory_space<vmem>>[vector<16xi32>], vector<16xf32>,
    %add3A_443 = arith.constant 9 : i32
    %add3A_444 = vector.broadcast %add3A_443 : i32 to vector<16xi32>
    %add3A_445 = arith.addi %mul3A_264, %add3A_444 : vector<16xi32>
    %gather3A_446 = tpu.vector_load_idx %arg8[%add3A_445] : memref<512xf32, #tpu.memory_space<vmem>>[vector<16xi32>], vector<16xf32>,
    %add3A_447 = arith.constant 10 : i32
    %add3A_448 = vector.broadcast %add3A_447 : i32 to vector<16xi32>
    %add3A_449 = arith.addi %mul3A_264, %add3A_448 : vector<16xi32>
    %gather3A_450 = tpu.vector_load_idx %arg8[%add3A_449] : memref<512xf32, #tpu.memory_space<vmem>>[vector<16xi32>], vector<16xf32>,
    %add3A_451 = arith.constant 11 : i32
    %add3A_452 = vector.broadcast %add3A_451 : i32 to vector<16xi32>
    %add3A_453 = arith.addi %mul3A_264, %add3A_452 : vector<16xi32>
    %gather3A_454 = tpu.vector_load_idx %arg8[%add3A_453] : memref<512xf32, #tpu.memory_space<vmem>>[vector<16xi32>], vector<16xf32>,
    %add3A_455 = arith.constant 12 : i32
    %add3A_456 = vector.broadcast %add3A_455 : i32 to vector<16xi32>
    %add3A_457 = arith.addi %mul3A_264, %add3A_456 : vector<16xi32>
    %gather3A_458 = tpu.vector_load_idx %arg8[%add3A_457] : memref<512xf32, #tpu.memory_space<vmem>>[vector<16xi32>], vector<16xf32>,
    %add3A_459 = arith.constant 13 : i32
    %add3A_460 = vector.broadcast %add3A_459 : i32 to vector<16xi32>
    %add3A_461 = arith.addi %mul3A_264, %add3A_460 : vector<16xi32>
    %gather3A_462 = tpu.vector_load_idx %arg8[%add3A_461] : memref<512xf32, #tpu.memory_space<vmem>>[vector<16xi32>], vector<16xf32>,
    %add3A_463 = arith.constant 14 : i32
    %add3A_464 = vector.broadcast %add3A_463 : i32 to vector<16xi32>
    %add3A_465 = arith.addi %mul3A_264, %add3A_464 : vector<16xi32>
    %gather3A_466 = tpu.vector_load_idx %arg8[%add3A_465] : memref<512xf32, #tpu.memory_space<vmem>>[vector<16xi32>], vector<16xf32>,
    %add3A_467 = arith.constant 15 : i32
    %add3A_468 = vector.broadcast %add3A_467 : i32 to vector<16xi32>
    %add3A_469 = arith.addi %mul3A_264, %add3A_468 : vector<16xi32>
    %gather3A_470 = tpu.vector_load_idx %arg8[%add3A_469] : memref<512xf32, #tpu.memory_space<vmem>>[vector<16xi32>], vector<16xf32>,
    %add3A_471 = arith.constant 0 : i32
    %add3A_472 = vector.broadcast %add3A_471 : i32 to vector<16xi32>
    %add3A_473 = arith.addi %mul3A_264, %add3A_472 : vector<16xi32>
    %gather3A_474 = tpu.vector_load_idx %arg9[%add3A_473] : memref<512xf32, #tpu.memory_space<vmem>>[vector<16xi32>], vector<16xf32>,
    %add3A_475 = arith.constant 1 : i32
    %add3A_476 = vector.broadcast %add3A_475 : i32 to vector<16xi32>
    %add3A_477 = arith.addi %mul3A_264, %add3A_476 : vector<16xi32>
    %gather3A_478 = tpu.vector_load_idx %arg9[%add3A_477] : memref<512xf32, #tpu.memory_space<vmem>>[vector<16xi32>], vector<16xf32>,
    %add3A_479 = arith.constant 2 : i32
    %add3A_480 = vector.broadcast %add3A_479 : i32 to vector<16xi32>
    %add3A_481 = arith.addi %mul3A_264, %add3A_480 : vector<16xi32>
    %gather3A_482 = tpu.vector_load_idx %arg9[%add3A_481] : memref<512xf32, #tpu.memory_space<vmem>>[vector<16xi32>], vector<16xf32>,
    %add3A_483 = arith.constant 3 : i32
    %add3A_484 = vector.broadcast %add3A_483 : i32 to vector<16xi32>
    %add3A_485 = arith.addi %mul3A_264, %add3A_484 : vector<16xi32>
    %gather3A_486 = tpu.vector_load_idx %arg9[%add3A_485] : memref<512xf32, #tpu.memory_space<vmem>>[vector<16xi32>], vector<16xf32>,
    %add3A_487 = arith.constant 4 : i32
    %add3A_488 = vector.broadcast %add3A_487 : i32 to vector<16xi32>
    %add3A_489 = arith.addi %mul3A_264, %add3A_488 : vector<16xi32>
    %gather3A_490 = tpu.vector_load_idx %arg9[%add3A_489] : memref<512xf32, #tpu.memory_space<vmem>>[vector<16xi32>], vector<16xf32>,
    %add3A_491 = arith.constant 5 : i32
    %add3A_492 = vector.broadcast %add3A_491 : i32 to vector<16xi32>
    %add3A_493 = arith.addi %mul3A_264, %add3A_492 : vector<16xi32>
    %gather3A_494 = tpu.vector_load_idx %arg9[%add3A_493] : memref<512xf32, #tpu.memory_space<vmem>>[vector<16xi32>], vector<16xf32>,
    %add3A_495 = arith.constant 6 : i32
    %add3A_496 = vector.broadcast %add3A_495 : i32 to vector<16xi32>
    %add3A_497 = arith.addi %mul3A_264, %add3A_496 : vector<16xi32>
    %gather3A_498 = tpu.vector_load_idx %arg9[%add3A_497] : memref<512xf32, #tpu.memory_space<vmem>>[vector<16xi32>], vector<16xf32>,
    %add3A_499 = arith.constant 7 : i32
    %add3A_500 = vector.broadcast %add3A_499 : i32 to vector<16xi32>
    %add3A_501 = arith.addi %mul3A_264, %add3A_500 : vector<16xi32>
    %gather3A_502 = tpu.vector_load_idx %arg9[%add3A_501] : memref<512xf32, #tpu.memory_space<vmem>>[vector<16xi32>], vector<16xf32>,
    %add3A_503 = arith.constant 8 : i32
    %add3A_504 = vector.broadcast %add3A_503 : i32 to vector<16xi32>
    %add3A_505 = arith.addi %mul3A_264, %add3A_504 : vector<16xi32>
    %gather3A_506 = tpu.vector_load_idx %arg9[%add3A_505] : memref<512xf32, #tpu.memory_space<vmem>>[vector<16xi32>], vector<16xf32>,
    %add3A_507 = arith.constant 9 : i32
    %add3A_508 = vector.broadcast %add3A_507 : i32 to vector<16xi32>
    %add3A_509 = arith.addi %mul3A_264, %add3A_508 : vector<16xi32>
    %gather3A_510 = tpu.vector_load_idx %arg9[%add3A_509] : memref<512xf32, #tpu.memory_space<vmem>>[vector<16xi32>], vector<16xf32>,
    %add3A_511 = arith.constant 10 : i32
    %add3A_512 = vector.broadcast %add3A_511 : i32 to vector<16xi32>
    %add3A_513 = arith.addi %mul3A_264, %add3A_512 : vector<16xi32>
    %gather3A_514 = tpu.vector_load_idx %arg9[%add3A_513] : memref<512xf32, #tpu.memory_space<vmem>>[vector<16xi32>], vector<16xf32>,
    %add3A_515 = arith.constant 11 : i32
    %add3A_516 = vector.broadcast %add3A_515 : i32 to vector<16xi32>
    %add3A_517 = arith.addi %mul3A_264, %add3A_516 : vector<16xi32>
    %gather3A_518 = tpu.vector_load_idx %arg9[%add3A_517] : memref<512xf32, #tpu.memory_space<vmem>>[vector<16xi32>], vector<16xf32>,
    %add3A_519 = arith.constant 12 : i32
    %add3A_520 = vector.broadcast %add3A_519 : i32 to vector<16xi32>
    %add3A_521 = arith.addi %mul3A_264, %add3A_520 : vector<16xi32>
    %gather3A_522 = tpu.vector_load_idx %arg9[%add3A_521] : memref<512xf32, #tpu.memory_space<vmem>>[vector<16xi32>], vector<16xf32>,
    %add3A_523 = arith.constant 13 : i32
    %add3A_524 = vector.broadcast %add3A_523 : i32 to vector<16xi32>
    %add3A_525 = arith.addi %mul3A_264, %add3A_524 : vector<16xi32>
    %gather3A_526 = tpu.vector_load_idx %arg9[%add3A_525] : memref<512xf32, #tpu.memory_space<vmem>>[vector<16xi32>], vector<16xf32>,
    %add3A_527 = arith.constant 14 : i32
    %add3A_528 = vector.broadcast %add3A_527 : i32 to vector<16xi32>
    %add3A_529 = arith.addi %mul3A_264, %add3A_528 : vector<16xi32>
    %gather3A_530 = tpu.vector_load_idx %arg9[%add3A_529] : memref<512xf32, #tpu.memory_space<vmem>>[vector<16xi32>], vector<16xf32>,
    %add3A_531 = arith.constant 15 : i32
    %add3A_532 = vector.broadcast %add3A_531 : i32 to vector<16xi32>
    %add3A_533 = arith.addi %mul3A_264, %add3A_532 : vector<16xi32>
    %gather3A_534 = tpu.vector_load_idx %arg9[%add3A_533] : memref<512xf32, #tpu.memory_space<vmem>>[vector<16xi32>], vector<16xf32>,
    %add3A_535 = arith.addf %gather3A, %gather3A_414 : vector<16xf32>
    %add3A_536 = arith.addf %gather3A_418, %gather3A_422 : vector<16xf32>
    %add3A_537 = arith.addf %gather3A_426, %gather3A_430 : vector<16xf32>
    %add3A_538 = arith.addf %gather3A_434, %gather3A_438 : vector<16xf32>
    %add3A_539 = arith.addf %gather3A_442, %gather3A_446 : vector<16xf32>
    %add3A_540 = arith.addf %gather3A_450, %gather3A_454 : vector<16xf32>
    %add3A_541 = arith.addf %gather3A_458, %gather3A_462 : vector<16xf32>
    %add3A_542 = arith.addf %gather3A_466, %gather3A_470 : vector<16xf32>
    %add3A_543 = arith.addf %add3A_535, %add3A_536 : vector<16xf32>
    %add3A_544 = arith.addf %add3A_537, %add3A_538 : vector<16xf32>
    %add3A_545 = arith.addf %add3A_539, %add3A_540 : vector<16xf32>
    %add3A_546 = arith.addf %add3A_541, %add3A_542 : vector<16xf32>
    %add3A_547 = arith.addf %add3A_543, %add3A_544 : vector<16xf32>
    %add3A_548 = arith.addf %add3A_545, %add3A_546 : vector<16xf32>
    %add3A_549 = arith.addf %add3A_547, %add3A_548 : vector<16xf32>
    %swap3A_550 = arith.constant 0 : index
    %swap3A_551 = tpu.vector_load %arg8[%swap3A_550] {strides = array<i32>} : memref<512xf32, #tpu.memory_space<vmem>>, vector<16xf32>,
    tpu.vector_store %arg8[%swap3A_550], %add3A_549 {strides = array<i32>} : memref<512xf32, #tpu.memory_space<vmem>>, vector<16xf32>,
    %add3A_552 = arith.addf %gather3A_474, %gather3A_478 : vector<16xf32>
    %add3A_553 = arith.addf %gather3A_482, %gather3A_486 : vector<16xf32>
    %add3A_554 = arith.addf %gather3A_490, %gather3A_494 : vector<16xf32>
    %add3A_555 = arith.addf %gather3A_498, %gather3A_502 : vector<16xf32>
    %add3A_556 = arith.addf %gather3A_506, %gather3A_510 : vector<16xf32>
    %add3A_557 = arith.addf %gather3A_514, %gather3A_518 : vector<16xf32>
    %add3A_558 = arith.addf %gather3A_522, %gather3A_526 : vector<16xf32>
    %add3A_559 = arith.addf %gather3A_530, %gather3A_534 : vector<16xf32>
    %add3A_560 = arith.addf %add3A_552, %add3A_553 : vector<16xf32>
    %add3A_561 = arith.addf %add3A_554, %add3A_555 : vector<16xf32>
    %add3A_562 = arith.addf %add3A_556, %add3A_557 : vector<16xf32>
    %add3A_563 = arith.addf %add3A_558, %add3A_559 : vector<16xf32>
    %add3A_564 = arith.addf %add3A_560, %add3A_561 : vector<16xf32>
    %add3A_565 = arith.addf %add3A_562, %add3A_563 : vector<16xf32>
    %add3A_566 = arith.addf %add3A_564, %add3A_565 : vector<16xf32>
    %swap3A_567 = arith.constant 0 : index
    %swap3A_568 = tpu.vector_load %arg9[%swap3A_567] {strides = array<i32>} : memref<512xf32, #tpu.memory_space<vmem>>, vector<16xf32>,
    tpu.vector_store %arg9[%swap3A_567], %add3A_566 {strides = array<i32>} : memref<512xf32, #tpu.memory_space<vmem>>, vector<16xf32>,
    %mul3A_569 = arith.constant 16 : i32
    %mul3A_570 = arith.muli %add3A, %mul3A_569 : i32
    "tpu.region"() ({
      %run_scoped3A = tpu.sem_alloc : memref<!tpu.dma_semaphore, #tpu.memory_space<semaphore_mem>>
      %dma_start3A_575 = arith.constant 0 : i32
      %dma_start3A_576 = tpu.memref_slice %arg8[%dma_start3A_575] : memref<512xf32, #tpu.memory_space<vmem>> -> memref<16xf32, #tpu.memory_space<vmem>>
      %dma_start3A_577 = tpu.memref_slice %arg3[%mul3A_570] : memref<512xf32, #tpu.memory_space<hbm>> -> memref<16xf32, #tpu.memory_space<hbm>>
      %dma_start3A_578 = tpu.memref_slice %arg3[%mul3A_570] : memref<512xf32, #tpu.memory_space<hbm>> -> memref<16xf32, #tpu.memory_space<hbm>>
      %dma_start3A_579 = arith.constant 0 : i32
      %dma_start3A_580 = tpu.memref_slice %arg8[%dma_start3A_579] : memref<512xf32, #tpu.memory_space<vmem>> -> memref<16xf32, #tpu.memory_space<vmem>>
      tpu.enqueue_dma source(%dma_start3A_580 : memref<16xf32, #tpu.memory_space<vmem>>) target(%dma_start3A_578 : memref<16xf32, #tpu.memory_space<hbm>>) target_semaphore(%run_scoped3A : memref<!tpu.dma_semaphore, #tpu.memory_space<semaphore_mem>>)
      %dma_wait3A_581 = arith.constant 0 : i32
      %dma_wait3A_582 = tpu.memref_slice %arg8[%dma_wait3A_581] : memref<512xf32, #tpu.memory_space<vmem>> -> memref<16xf32, #tpu.memory_space<vmem>>
      %dma_wait3A_583 = tpu.memref_slice %arg3[%mul3A_570] : memref<512xf32, #tpu.memory_space<hbm>> -> memref<16xf32, #tpu.memory_space<hbm>>
      %dma_wait3A_584 = tpu.memref_slice %arg3[%mul3A_570] : memref<512xf32, #tpu.memory_space<hbm>> -> memref<16xf32, #tpu.memory_space<hbm>>
      %dma_wait3A_585 = arith.constant 0 : i32
      %dma_wait3A_586 = tpu.memref_slice %arg8[%dma_wait3A_585] : memref<512xf32, #tpu.memory_space<vmem>> -> memref<16xf32, #tpu.memory_space<vmem>>
      tpu.wait_dma2 semaphore(%run_scoped3A : memref<!tpu.dma_semaphore, #tpu.memory_space<semaphore_mem>>) src(%dma_wait3A_586 : memref<16xf32, #tpu.memory_space<vmem>>) dst(%dma_wait3A_584 : memref<16xf32, #tpu.memory_space<hbm>>)
      tpu.yield
    }) : () -> ()
    %mul3A_571 = arith.constant 16 : i32
    %mul3A_572 = arith.muli %add3A, %mul3A_571 : i32
    "tpu.region"() ({
      %run_scoped3A = tpu.sem_alloc : memref<!tpu.dma_semaphore, #tpu.memory_space<semaphore_mem>>
      %dma_start3A_575 = arith.constant 0 : i32
      %dma_start3A_576 = tpu.memref_slice %arg9[%dma_start3A_575] : memref<512xf32, #tpu.memory_space<vmem>> -> memref<16xf32, #tpu.memory_space<vmem>>
      %dma_start3A_577 = tpu.memref_slice %arg4[%mul3A_572] : memref<512xf32, #tpu.memory_space<hbm>> -> memref<16xf32, #tpu.memory_space<hbm>>
      %dma_start3A_578 = tpu.memref_slice %arg4[%mul3A_572] : memref<512xf32, #tpu.memory_space<hbm>> -> memref<16xf32, #tpu.memory_space<hbm>>
      %dma_start3A_579 = arith.constant 0 : i32
      %dma_start3A_580 = tpu.memref_slice %arg9[%dma_start3A_579] : memref<512xf32, #tpu.memory_space<vmem>> -> memref<16xf32, #tpu.memory_space<vmem>>
      tpu.enqueue_dma source(%dma_start3A_580 : memref<16xf32, #tpu.memory_space<vmem>>) target(%dma_start3A_578 : memref<16xf32, #tpu.memory_space<hbm>>) target_semaphore(%run_scoped3A : memref<!tpu.dma_semaphore, #tpu.memory_space<semaphore_mem>>)
      %dma_wait3A_581 = arith.constant 0 : i32
      %dma_wait3A_582 = tpu.memref_slice %arg9[%dma_wait3A_581] : memref<512xf32, #tpu.memory_space<vmem>> -> memref<16xf32, #tpu.memory_space<vmem>>
      %dma_wait3A_583 = tpu.memref_slice %arg4[%mul3A_572] : memref<512xf32, #tpu.memory_space<hbm>> -> memref<16xf32, #tpu.memory_space<hbm>>
      %dma_wait3A_584 = tpu.memref_slice %arg4[%mul3A_572] : memref<512xf32, #tpu.memory_space<hbm>> -> memref<16xf32, #tpu.memory_space<hbm>>
      %dma_wait3A_585 = arith.constant 0 : i32
      %dma_wait3A_586 = tpu.memref_slice %arg9[%dma_wait3A_585] : memref<512xf32, #tpu.memory_space<vmem>> -> memref<16xf32, #tpu.memory_space<vmem>>
      tpu.wait_dma2 semaphore(%run_scoped3A : memref<!tpu.dma_semaphore, #tpu.memory_space<semaphore_mem>>) src(%dma_wait3A_586 : memref<16xf32, #tpu.memory_space<vmem>>) dst(%dma_wait3A_584 : memref<16xf32, #tpu.memory_space<hbm>>)
      tpu.yield
    }) : () -> ()
    %mul3A_573 = arith.constant 16 : i32
    %mul3A_574 = arith.muli %add3A, %mul3A_573 : i32
    "tpu.region"() ({
      %run_scoped3A = tpu.sem_alloc : memref<!tpu.dma_semaphore, #tpu.memory_space<semaphore_mem>>
      %dma_start3A_575 = tpu.memref_slice %arg5[%mul3A_574] : memref<512xf32, #tpu.memory_space<hbm>> -> memref<16xf32, #tpu.memory_space<hbm>>
      %dma_start3A_576 = tpu.memref_slice %arg5[%mul3A_574] : memref<512xf32, #tpu.memory_space<hbm>> -> memref<16xf32, #tpu.memory_space<hbm>>
      tpu.enqueue_dma source(%arg10 : memref<16xf32, #tpu.memory_space<vmem>>) target(%dma_start3A_576 : memref<16xf32, #tpu.memory_space<hbm>>) target_semaphore(%run_scoped3A : memref<!tpu.dma_semaphore, #tpu.memory_space<semaphore_mem>>)
      %dma_wait3A_577 = tpu.memref_slice %arg5[%mul3A_574] : memref<512xf32, #tpu.memory_space<hbm>> -> memref<16xf32, #tpu.memory_space<hbm>>
      %dma_wait3A_578 = tpu.memref_slice %arg5[%mul3A_574] : memref<512xf32, #tpu.memory_space<hbm>> -> memref<16xf32, #tpu.memory_space<hbm>>
      tpu.wait_dma2 semaphore(%run_scoped3A : memref<!tpu.dma_semaphore, #tpu.memory_space<semaphore_mem>>) src(%arg10 : memref<16xf32, #tpu.memory_space<vmem>>) dst(%dma_wait3A_578 : memref<16xf32, #tpu.memory_space<hbm>>)
      tpu.yield
    }) : () -> ()
    return
  }
}

module attributes {stable_mosaic.version = 14 : i64} {
  func.func @_tc_body(%arg0: i32, %arg1: i32, %arg2: memref<1x1x16x2048xf32, #tpu.memory_space<vmem>>, %arg3: memref<4x16xf32, #tpu.memory_space<vmem>>, %arg4: memref<4x16xf32, #tpu.memory_space<vmem>>, %arg5: memref<4x2048xf32, #tpu.memory_space<vmem>>) attributes {dimension_semantics = [#tpu.dimension_semantics<arbitrary>, #tpu.dimension_semantics<arbitrary>], iteration_bounds = array<i64: 4, 4>, scalar_prefetch = 0 : i64, scratch_operands = 0 : i64, tpu.core_type = #tpu.core_type<tc>, window_params = [{transform_indices = @transform_0, window_bounds = array<i64: 1, 1, 16, 2048>}, {pipeline_mode = #tpu.pipeline_mode<synchronous>, transform_indices = @transform_1, window_bounds = array<i64: 4, 16>}, {pipeline_mode = #tpu.pipeline_mode<synchronous>, transform_indices = @transform_2, window_bounds = array<i64: 4, 16>}, {pipeline_mode = #tpu.pipeline_mode<synchronous>, transform_indices = @transform_3, window_bounds = array<i64: 4, 2048>}]} {
    %eq3A = arith.constant 0 : i32
    %eq3A_0 = arith.cmpi eq, %arg0, %eq3A : i32
    %eq3A_1 = arith.constant 0 : i32
    %eq3A_2 = arith.cmpi eq, %arg1, %eq3A_1 : i32
    %and3A = arith.andi %eq3A_0, %eq3A_2 : i1
    %get3A = arith.constant 0 : index
    %get3A_3 = arith.constant 0 : index
    %get3A_4 = arith.constant 0 : index
    %get3A_5 = arith.constant 0 : index
    %get3A_6 = vector.load %arg2[%get3A, %get3A_3, %get3A_4, %get3A_5] : memref<1x1x16x2048xf32, #tpu.memory_space<vmem>>, vector<1x1x16x2048xf32>
    %get3A_7 = vector.shape_cast %get3A_6 : vector<1x1x16x2048xf32> to vector<16x2048xf32>
    %reduce_max3A = arith.constant dense<0xFF800000> : vector<2048xf32>
    %reduce_max3A_8 = vector.multi_reduction <maximumf>, %get3A_7, %reduce_max3A [0] : vector<16x2048xf32> to vector<2048xf32>
    %broadcast_in_dim3A = vector.shape_cast %reduce_max3A_8 : vector<2048xf32> to vector<1x2048xf32>
    %sub3A = vector.broadcast %broadcast_in_dim3A : vector<1x2048xf32> to vector<16x2048xf32>
    %sub3A_9 = arith.subf %get3A_7, %sub3A : vector<16x2048xf32>
    %exp3A = math.exp %sub3A_9 : vector<16x2048xf32>
    %reduce_sum3A = arith.constant dense<0.000000e+00> : vector<2048xf32>
    %reduce_sum3A_10 = vector.multi_reduction <add>, %exp3A, %reduce_sum3A [0] : vector<16x2048xf32> to vector<2048xf32>
    %broadcast_in_dim3A_11 = vector.shape_cast %reduce_sum3A_10 : vector<2048xf32> to vector<1x2048xf32>
    %div3A = vector.broadcast %broadcast_in_dim3A_11 : vector<1x2048xf32> to vector<16x2048xf32>
    %div3A_12 = arith.divf %exp3A, %div3A : vector<16x2048xf32>
    %reduce_sum3A_13 = arith.constant dense<0.000000e+00> : vector<16xf32>
    %reduce_sum3A_14 = vector.multi_reduction <add>, %div3A_12, %reduce_sum3A_13 [1] : vector<16x2048xf32> to vector<16xf32>
    %iota3A = tpu.iota {dimensions = array<i32: 0>} : vector<16x2048xi32>
    %eq3A_15 = vector.broadcast %broadcast_in_dim3A : vector<1x2048xf32> to vector<16x2048xf32>
    %eq3A_16 = arith.cmpf oeq, %get3A_7, %eq3A_15 : vector<16x2048xf32>
    %jit3A = arith.constant 16 : i32
    %broadcast_in_dim3A_17 = vector.broadcast %jit3A : i32 to vector<16x2048xi32>
    %select_n3A = arith.select %eq3A_16, %iota3A, %broadcast_in_dim3A_17 : vector<16x2048xi1>, vector<16x2048xi32>
    %reduce_min3A = arith.constant dense<2147483647> : vector<2048xi32>
    %reduce_min3A_18 = vector.multi_reduction <minsi>, %select_n3A, %reduce_min3A [0] : vector<16x2048xi32> to vector<2048xi32>
    %broadcast_in_dim3A_19 = vector.shape_cast %reduce_min3A_18 : vector<2048xi32> to vector<1x2048xi32>
    %eq3A_20 = vector.broadcast %broadcast_in_dim3A_19 : vector<1x2048xi32> to vector<16x2048xi32>
    %eq3A_21 = arith.cmpi eq, %eq3A_20, %iota3A : vector<16x2048xi32>
    %jit3A_22 = arith.constant 1.000000e+00 : f32
    %jit3A_23 = arith.constant 0.000000e+00 : f32
    %broadcast_in_dim3A_24 = vector.broadcast %jit3A_22 : f32 to vector<16x2048xf32>
    %broadcast_in_dim3A_25 = vector.broadcast %jit3A_23 : f32 to vector<16x2048xf32>
    %select_n3A_26 = arith.select %eq3A_21, %broadcast_in_dim3A_24, %broadcast_in_dim3A_25 : vector<16x2048xi1>, vector<16x2048xf32>
    %reduce_sum3A_27 = arith.constant dense<0.000000e+00> : vector<16xf32>
    %reduce_sum3A_28 = vector.multi_reduction <add>, %select_n3A_26, %reduce_sum3A_27 [1] : vector<16x2048xf32> to vector<16xf32>
    %log3A = math.log %broadcast_in_dim3A_11 : vector<1x2048xf32>
    %add3A = arith.addf %broadcast_in_dim3A, %log3A : vector<1x2048xf32>
    %mul3A = arith.mulf %add3A, %add3A : vector<1x2048xf32>
    %convert_element_type3A = arith.extui %and3A : i1 to i32
    %cond3A = arith.constant 0 : i32
    %cond3A_29 = arith.cmpi ne, %convert_element_type3A, %cond3A : i32
    scf.if %cond3A_29 {
      %broadcast_in_dim3A_74 = arith.constant 0.000000e+00 : f32
      %broadcast_in_dim3A_75 = vector.broadcast %broadcast_in_dim3A_74 : f32 to vector<4x16xf32>
      %swap3A_76 = arith.constant 0 : index
      %swap3A_77 = arith.constant 0 : index
      %swap3A_78 = vector.load %arg3[%swap3A_76, %swap3A_77] : memref<4x16xf32, #tpu.memory_space<vmem>>, vector<4x16xf32>
      tpu.vector_store %arg3[%swap3A_76, %swap3A_77], %broadcast_in_dim3A_75 {strides = array<i32>} : memref<4x16xf32, #tpu.memory_space<vmem>>, vector<4x16xf32>,
      %broadcast_in_dim3A_79 = arith.constant 0.000000e+00 : f32
      %broadcast_in_dim3A_80 = vector.broadcast %broadcast_in_dim3A_79 : f32 to vector<4x16xf32>
      %swap3A_81 = arith.constant 0 : index
      %swap3A_82 = arith.constant 0 : index
      %swap3A_83 = vector.load %arg4[%swap3A_81, %swap3A_82] : memref<4x16xf32, #tpu.memory_space<vmem>>, vector<4x16xf32>
      tpu.vector_store %arg4[%swap3A_81, %swap3A_82], %broadcast_in_dim3A_80 {strides = array<i32>} : memref<4x16xf32, #tpu.memory_space<vmem>>, vector<4x16xf32>,
      %broadcast_in_dim3A_84 = arith.constant 0.000000e+00 : f32
      %broadcast_in_dim3A_85 = vector.broadcast %broadcast_in_dim3A_84 : f32 to vector<4x2048xf32>
      %swap3A_86 = arith.constant 0 : index
      %swap3A_87 = arith.constant 0 : index
      %swap3A_88 = vector.load %arg5[%swap3A_86, %swap3A_87] : memref<4x2048xf32, #tpu.memory_space<vmem>>, vector<4x2048xf32>
      tpu.vector_store %arg5[%swap3A_86, %swap3A_87], %broadcast_in_dim3A_85 {strides = array<i32>} : memref<4x2048xf32, #tpu.memory_space<vmem>>, vector<4x2048xf32>,
    } else {
    }
    %iota3A_30 = tpu.iota {dimensions = array<i32: 0>} : vector<4x16xi32>
    %iota3A_31 = tpu.iota {dimensions = array<i32: 0>} : vector<4x2048xi32>
    %get3A_32 = arith.constant 0 : index
    %get3A_33 = arith.constant 0 : index
    %get3A_34 = vector.load %arg3[%get3A_32, %get3A_33] : memref<4x16xf32, #tpu.memory_space<vmem>>, vector<4x16xf32>
    %eq3A_35 = vector.broadcast %arg0 : i32 to vector<4x16xi32>
    %eq3A_36 = arith.cmpi eq, %iota3A_30, %eq3A_35 : vector<4x16xi32>
    %reshape3A = vector.shape_cast %reduce_sum3A_14 : vector<16xf32> to vector<1x16xf32>
    %jit3A_37 = arith.constant 0.000000e+00 : f32
    %broadcast_in_dim3A_38 = vector.shape_cast %reshape3A : vector<1x16xf32> to vector<1x16xf32>
    %broadcast_in_dim3A_39 = vector.broadcast %broadcast_in_dim3A_38 : vector<1x16xf32> to vector<4x16xf32>
    %broadcast_in_dim3A_40 = vector.broadcast %jit3A_37 : f32 to vector<4x16xf32>
    %select_n3A_41 = arith.select %eq3A_36, %broadcast_in_dim3A_39, %broadcast_in_dim3A_40 : vector<4x16xi1>, vector<4x16xf32>
    %add3A_42 = arith.addf %get3A_34, %select_n3A_41 : vector<4x16xf32>
    %swap3A = arith.constant 0 : index
    %swap3A_43 = arith.constant 0 : index
    %swap3A_44 = vector.load %arg3[%swap3A, %swap3A_43] : memref<4x16xf32, #tpu.memory_space<vmem>>, vector<4x16xf32>
    tpu.vector_store %arg3[%swap3A, %swap3A_43], %add3A_42 {strides = array<i32>} : memref<4x16xf32, #tpu.memory_space<vmem>>, vector<4x16xf32>,
    %get3A_45 = arith.constant 0 : index
    %get3A_46 = arith.constant 0 : index
    %get3A_47 = vector.load %arg4[%get3A_45, %get3A_46] : memref<4x16xf32, #tpu.memory_space<vmem>>, vector<4x16xf32>
    %eq3A_48 = vector.broadcast %arg0 : i32 to vector<4x16xi32>
    %eq3A_49 = arith.cmpi eq, %iota3A_30, %eq3A_48 : vector<4x16xi32>
    %reshape3A_50 = vector.shape_cast %reduce_sum3A_28 : vector<16xf32> to vector<1x16xf32>
    %jit3A_51 = arith.constant 0.000000e+00 : f32
    %broadcast_in_dim3A_52 = vector.shape_cast %reshape3A_50 : vector<1x16xf32> to vector<1x16xf32>
    %broadcast_in_dim3A_53 = vector.broadcast %broadcast_in_dim3A_52 : vector<1x16xf32> to vector<4x16xf32>
    %broadcast_in_dim3A_54 = vector.broadcast %jit3A_51 : f32 to vector<4x16xf32>
    %select_n3A_55 = arith.select %eq3A_49, %broadcast_in_dim3A_53, %broadcast_in_dim3A_54 : vector<4x16xi1>, vector<4x16xf32>
    %add3A_56 = arith.addf %get3A_47, %select_n3A_55 : vector<4x16xf32>
    %swap3A_57 = arith.constant 0 : index
    %swap3A_58 = arith.constant 0 : index
    %swap3A_59 = vector.load %arg4[%swap3A_57, %swap3A_58] : memref<4x16xf32, #tpu.memory_space<vmem>>, vector<4x16xf32>
    tpu.vector_store %arg4[%swap3A_57, %swap3A_58], %add3A_56 {strides = array<i32>} : memref<4x16xf32, #tpu.memory_space<vmem>>, vector<4x16xf32>,
    %get3A_60 = arith.constant 0 : index
    %get3A_61 = arith.constant 0 : index
    %get3A_62 = vector.load %arg5[%get3A_60, %get3A_61] : memref<4x2048xf32, #tpu.memory_space<vmem>>, vector<4x2048xf32>
    %eq3A_63 = vector.broadcast %arg0 : i32 to vector<4x2048xi32>
    %eq3A_64 = arith.cmpi eq, %iota3A_31, %eq3A_63 : vector<4x2048xi32>
    %jit3A_65 = arith.constant 0.000000e+00 : f32
    %broadcast_in_dim3A_66 = vector.shape_cast %mul3A : vector<1x2048xf32> to vector<1x2048xf32>
    %broadcast_in_dim3A_67 = vector.broadcast %broadcast_in_dim3A_66 : vector<1x2048xf32> to vector<4x2048xf32>
    %broadcast_in_dim3A_68 = vector.broadcast %jit3A_65 : f32 to vector<4x2048xf32>
    %select_n3A_69 = arith.select %eq3A_64, %broadcast_in_dim3A_67, %broadcast_in_dim3A_68 : vector<4x2048xi1>, vector<4x2048xf32>
    %add3A_70 = arith.addf %get3A_62, %select_n3A_69 : vector<4x2048xf32>
    %swap3A_71 = arith.constant 0 : index
    %swap3A_72 = arith.constant 0 : index
    %swap3A_73 = vector.load %arg5[%swap3A_71, %swap3A_72] : memref<4x2048xf32, #tpu.memory_space<vmem>>, vector<4x2048xf32>
    tpu.vector_store %arg5[%swap3A_71, %swap3A_72], %add3A_70 {strides = array<i32>} : memref<4x2048xf32, #tpu.memory_space<vmem>>, vector<4x2048xf32>,
    return
  }
  func.func @transform_0(%arg0: i32, %arg1: i32) -> (i32, i32, i32, i32) {
    %add3A = arith.constant 8 : i32
    %add3A_0 = arith.addi %add3A, %arg1 : i32
    %c0_i32 = arith.constant 0 : i32
    %c0_i32_1 = arith.constant 0 : i32
    %c0_i32_2 = arith.constant 0 : i32
    return %add3A_0, %arg0, %c0_i32, %c0_i32_1 : i32, i32, i32, i32
  }
  func.func @transform_1(%arg0: i32, %arg1: i32) -> (i32, i32) {
    %c0_i32 = arith.constant 0 : i32
    %c0_i32_0 = arith.constant 0 : i32
    %c0_i32_1 = arith.constant 0 : i32
    return %c0_i32, %c0_i32_0 : i32, i32
  }
  func.func @transform_2(%arg0: i32, %arg1: i32) -> (i32, i32) {
    %c0_i32 = arith.constant 0 : i32
    %c0_i32_0 = arith.constant 0 : i32
    %c0_i32_1 = arith.constant 0 : i32
    return %c0_i32, %c0_i32_0 : i32, i32
  }
  func.func @transform_3(%arg0: i32, %arg1: i32) -> (i32, i32) {
    %c0_i32 = arith.constant 0 : i32
    %c0_i32_0 = arith.constant 0 : i32
    %c0_i32_1 = arith.constant 0 : i32
    return %c0_i32, %c0_i32_0 : i32, i32
  }
}

module attributes {stable_mosaic.version = 14 : i64} {
  func.func @_combine_body(%arg0: memref<4x128xf32, #tpu.memory_space<vmem>>, %arg1: memref<4x128xf32, #tpu.memory_space<vmem>>, %arg2: memref<4x128xf32, #tpu.memory_space<vmem>>, %arg3: memref<4x16xf32, #tpu.memory_space<vmem>>, %arg4: memref<4x16xf32, #tpu.memory_space<vmem>>, %arg5: memref<4x2048xf32, #tpu.memory_space<vmem>>, %arg6: memref<1x1xf32, #tpu.memory_space<vmem>>) attributes {dimension_semantics = [], scalar_prefetch = 0 : i64, scratch_operands = 0 : i64, tpu.core_type = #tpu.core_type<tc>} {
    %get3A = arith.constant 0 : index
    %get3A_0 = arith.constant 0 : index
    %get3A_1 = vector.load %arg0[%get3A, %get3A_0] : memref<4x128xf32, #tpu.memory_space<vmem>>, vector<4x128xf32>
    %slice3A = vector.extract_strided_slice %get3A_1 {offsets = [0, 0], sizes = [4, 16], strides = [1, 1]} : vector<4x128xf32> to vector<4x16xf32>
    %slice3A_2 = vector.extract_strided_slice %get3A_1 {offsets = [0, 16], sizes = [4, 16], strides = [1, 1]} : vector<4x128xf32> to vector<4x16xf32>
    %slice3A_3 = vector.extract_strided_slice %get3A_1 {offsets = [0, 32], sizes = [4, 16], strides = [1, 1]} : vector<4x128xf32> to vector<4x16xf32>
    %slice3A_4 = vector.extract_strided_slice %get3A_1 {offsets = [0, 48], sizes = [4, 16], strides = [1, 1]} : vector<4x128xf32> to vector<4x16xf32>
    %slice3A_5 = vector.extract_strided_slice %get3A_1 {offsets = [0, 64], sizes = [4, 16], strides = [1, 1]} : vector<4x128xf32> to vector<4x16xf32>
    %slice3A_6 = vector.extract_strided_slice %get3A_1 {offsets = [0, 80], sizes = [4, 16], strides = [1, 1]} : vector<4x128xf32> to vector<4x16xf32>
    %slice3A_7 = vector.extract_strided_slice %get3A_1 {offsets = [0, 96], sizes = [4, 16], strides = [1, 1]} : vector<4x128xf32> to vector<4x16xf32>
    %slice3A_8 = vector.extract_strided_slice %get3A_1 {offsets = [0, 112], sizes = [4, 16], strides = [1, 1]} : vector<4x128xf32> to vector<4x16xf32>
    %add3A = arith.addf %slice3A, %slice3A_2 : vector<4x16xf32>
    %add3A_9 = arith.addf %slice3A_3, %slice3A_4 : vector<4x16xf32>
    %add3A_10 = arith.addf %slice3A_5, %slice3A_6 : vector<4x16xf32>
    %add3A_11 = arith.addf %slice3A_7, %slice3A_8 : vector<4x16xf32>
    %add3A_12 = arith.addf %add3A, %add3A_9 : vector<4x16xf32>
    %add3A_13 = arith.addf %add3A_10, %add3A_11 : vector<4x16xf32>
    %add3A_14 = arith.addf %add3A_12, %add3A_13 : vector<4x16xf32>
    %get3A_15 = arith.constant 0 : index
    %get3A_16 = arith.constant 0 : index
    %get3A_17 = vector.load %arg3[%get3A_15, %get3A_16] : memref<4x16xf32, #tpu.memory_space<vmem>>, vector<4x16xf32>
    %add3A_18 = arith.addf %add3A_14, %get3A_17 : vector<4x16xf32>
    %get3A_19 = arith.constant 0 : index
    %get3A_20 = arith.constant 0 : index
    %get3A_21 = vector.load %arg1[%get3A_19, %get3A_20] : memref<4x128xf32, #tpu.memory_space<vmem>>, vector<4x128xf32>
    %slice3A_22 = vector.extract_strided_slice %get3A_21 {offsets = [0, 0], sizes = [4, 16], strides = [1, 1]} : vector<4x128xf32> to vector<4x16xf32>
    %slice3A_23 = vector.extract_strided_slice %get3A_21 {offsets = [0, 16], sizes = [4, 16], strides = [1, 1]} : vector<4x128xf32> to vector<4x16xf32>
    %slice3A_24 = vector.extract_strided_slice %get3A_21 {offsets = [0, 32], sizes = [4, 16], strides = [1, 1]} : vector<4x128xf32> to vector<4x16xf32>
    %slice3A_25 = vector.extract_strided_slice %get3A_21 {offsets = [0, 48], sizes = [4, 16], strides = [1, 1]} : vector<4x128xf32> to vector<4x16xf32>
    %slice3A_26 = vector.extract_strided_slice %get3A_21 {offsets = [0, 64], sizes = [4, 16], strides = [1, 1]} : vector<4x128xf32> to vector<4x16xf32>
    %slice3A_27 = vector.extract_strided_slice %get3A_21 {offsets = [0, 80], sizes = [4, 16], strides = [1, 1]} : vector<4x128xf32> to vector<4x16xf32>
    %slice3A_28 = vector.extract_strided_slice %get3A_21 {offsets = [0, 96], sizes = [4, 16], strides = [1, 1]} : vector<4x128xf32> to vector<4x16xf32>
    %slice3A_29 = vector.extract_strided_slice %get3A_21 {offsets = [0, 112], sizes = [4, 16], strides = [1, 1]} : vector<4x128xf32> to vector<4x16xf32>
    %add3A_30 = arith.addf %slice3A_22, %slice3A_23 : vector<4x16xf32>
    %add3A_31 = arith.addf %slice3A_24, %slice3A_25 : vector<4x16xf32>
    %add3A_32 = arith.addf %slice3A_26, %slice3A_27 : vector<4x16xf32>
    %add3A_33 = arith.addf %slice3A_28, %slice3A_29 : vector<4x16xf32>
    %add3A_34 = arith.addf %add3A_30, %add3A_31 : vector<4x16xf32>
    %add3A_35 = arith.addf %add3A_32, %add3A_33 : vector<4x16xf32>
    %add3A_36 = arith.addf %add3A_34, %add3A_35 : vector<4x16xf32>
    %get3A_37 = arith.constant 0 : index
    %get3A_38 = arith.constant 0 : index
    %get3A_39 = vector.load %arg4[%get3A_37, %get3A_38] : memref<4x16xf32, #tpu.memory_space<vmem>>, vector<4x16xf32>
    %add3A_40 = arith.addf %add3A_36, %get3A_39 : vector<4x16xf32>
    %get3A_41 = arith.constant 0 : index
    %get3A_42 = arith.constant 0 : index
    %get3A_43 = vector.load %arg2[%get3A_41, %get3A_42] : memref<4x128xf32, #tpu.memory_space<vmem>>, vector<4x128xf32>
    %reduce_sum3A = vector.shape_cast %get3A_43 : vector<4x128xf32> to vector<1x4x128xf32>
    %reduce_sum3A_44 = arith.constant dense<0.000000e+00> : vector<1xf32>
    %reduce_sum3A_45 = vector.multi_reduction <add>, %reduce_sum3A, %reduce_sum3A_44 [1, 2] : vector<1x4x128xf32> to vector<1xf32>
    %reduce_sum3A_46 = vector.shape_cast %reduce_sum3A_45 : vector<1xf32> to vector<1x1x1xf32>
    %reduce_sum3A_47 = vector.extract %reduce_sum3A_46[0, 0, 0] : f32 from vector<1x1x1xf32>
    %get3A_48 = arith.constant 0 : index
    %get3A_49 = arith.constant 0 : index
    %get3A_50 = vector.load %arg5[%get3A_48, %get3A_49] : memref<4x2048xf32, #tpu.memory_space<vmem>>, vector<4x2048xf32>
    %reduce_sum3A_51 = vector.shape_cast %get3A_50 : vector<4x2048xf32> to vector<1x4x2048xf32>
    %reduce_sum3A_52 = arith.constant dense<0.000000e+00> : vector<1xf32>
    %reduce_sum3A_53 = vector.multi_reduction <add>, %reduce_sum3A_51, %reduce_sum3A_52 [1, 2] : vector<1x4x2048xf32> to vector<1xf32>
    %reduce_sum3A_54 = vector.shape_cast %reduce_sum3A_53 : vector<1xf32> to vector<1x1x1xf32>
    %reduce_sum3A_55 = vector.extract %reduce_sum3A_54[0, 0, 0] : f32 from vector<1x1x1xf32>
    %add3A_56 = arith.addf %reduce_sum3A_47, %reduce_sum3A_55 : f32
    %div3A = arith.constant 9.830400e+04 : f32
    %div3A_57 = arith.divf %add3A_56, %div3A : f32
    %min3A = arith.constant 2.048000e+03 : f32
    %min3A_58 = vector.broadcast %min3A : f32 to vector<4x16xf32>
    %min3A_59 = arith.minimumf %add3A_40, %min3A_58 : vector<4x16xf32>
    %sub3A = arith.subf %add3A_40, %min3A_59 : vector<4x16xf32>
    %reduce_sum3A_60 = arith.constant dense<0.000000e+00> : vector<4xf32>
    %reduce_sum3A_61 = vector.multi_reduction <add>, %sub3A, %reduce_sum3A_60 [1] : vector<4x16xf32> to vector<4xf32>
    %broadcast_in_dim3A = vector.shape_cast %reduce_sum3A_61 : vector<4xf32> to vector<4x1xf32>
    %iota3A = tpu.iota {dimensions = array<i32: 1>} : vector<4x16xi32>
    %eq3A = arith.constant 0 : i32
    %eq3A_62 = vector.broadcast %eq3A : i32 to vector<4x16xi32>
    %eq3A_63 = arith.cmpi eq, %iota3A, %eq3A_62 : vector<4x16xi32>
    %add3A_64 = vector.broadcast %broadcast_in_dim3A : vector<4x1xf32> to vector<4x16xf32>
    %add3A_65 = arith.addf %min3A_59, %add3A_64 : vector<4x16xf32>
    %select_n3A = arith.select %eq3A_63, %add3A_65, %min3A_59 : vector<4x16xi1>, vector<4x16xf32>
    %div3A_66 = arith.constant 2.457600e+04 : f32
    %div3A_67 = vector.broadcast %div3A_66 : f32 to vector<4x16xf32>
    %div3A_68 = arith.divf %select_n3A, %div3A_67 : vector<4x16xf32>
    %div3A_69 = arith.constant 2.457600e+04 : f32
    %div3A_70 = vector.broadcast %div3A_69 : f32 to vector<4x16xf32>
    %div3A_71 = arith.divf %add3A_18, %div3A_70 : vector<4x16xf32>
    %mul3A = arith.mulf %div3A_68, %div3A_71 : vector<4x16xf32>
    %reduce_sum3A_72 = vector.shape_cast %mul3A : vector<4x16xf32> to vector<1x4x16xf32>
    %reduce_sum3A_73 = arith.constant dense<0.000000e+00> : vector<1xf32>
    %reduce_sum3A_74 = vector.multi_reduction <add>, %reduce_sum3A_72, %reduce_sum3A_73 [1, 2] : vector<1x4x16xf32> to vector<1xf32>
    %reduce_sum3A_75 = vector.shape_cast %reduce_sum3A_74 : vector<1xf32> to vector<1x1x1xf32>
    %reduce_sum3A_76 = vector.extract %reduce_sum3A_75[0, 0, 0] : f32 from vector<1x1x1xf32>
    %div3A_77 = arith.constant 6.400000e+01 : f32
    %div3A_78 = arith.divf %reduce_sum3A_76, %div3A_77 : f32
    %mul3A_79 = arith.constant 2.560000e+02 : f32
    %mul3A_80 = arith.mulf %div3A_78, %mul3A_79 : f32
    %mul3A_81 = arith.constant 1.000000e-03 : f32
    %mul3A_82 = arith.mulf %mul3A_81, %div3A_57 : f32
    %mul3A_83 = arith.constant 1.000000e-03 : f32
    %mul3A_84 = arith.mulf %mul3A_83, %mul3A_80 : f32
    %add3A_85 = arith.addf %mul3A_82, %mul3A_84 : f32
    %broadcast_in_dim3A_86 = vector.broadcast %add3A_85 : f32 to vector<1x1xf32>
    %swap3A = arith.constant 0 : index
    %swap3A_87 = arith.constant 0 : index
    %swap3A_88 = vector.load %arg6[%swap3A, %swap3A_87] : memref<1x1xf32, #tpu.memory_space<vmem>>, vector<1x1xf32>
    tpu.vector_store %arg6[%swap3A, %swap3A_87], %broadcast_in_dim3A_86 {strides = array<i32>} : memref<1x1xf32, #tpu.memory_space<vmem>>, vector<1x1xf32>,
    return
  }
}

</mosaic_0001>

<sc_bundles>
// kernel: kernel.5.cloned.1.call-start
scs
__scs_entry_jumppad:
0x0: {  	(pc) =	sbr.rel $0x88, $3  }
0x1: {  	(tag) =	ssettag $0x0;
	lr =	simm.s32 $0x1  }
0x2: {  	[smem:$0x3FA0] =	sst lr;
	_ =	strace $0xD0000000  }
0x3: {  	_ = 	snop  }
0x4: {  	_ = 	snop  }
0x5: {  	_ = 	snop  }
0x6: {  	_ = 	snop  }
0x7: {  	_ = 	snop  }
__scs_overlays_trampoline_lowered:
0x8: {  	[smem:$0x3FAF] =	sst s0  }
0x9: {  	[smem:$0x3FB0] =	sst s1  }
0xa: {  	[smem:$0x3FB1] =	sst s2  }
0xb: {  	[smem:$0x3FB2] =	sst s3  }
0xc: {  	[smem:$0x3FB3] =	sst s4  }
0xd: {  	[smem:$0x3FB4] =	sst s5  }
0xe: {  	[smem:$0x3FB5] =	sst s6  }
0xf: {  	[smem:$0x3FB6] =	sst s7  }
0x10: {  	[smem:$0x3FB7] =	sst s8  }
0x11: {  	[smem:$0x3FB8] =	sst s9;
	s0 =	simm.s32 @!p0 $0x0  }
0x12: {  	s1 =	sld [smem:$0x3F9E];
	s0 =	simm.s32 @p0 $0x1  }
0x13: {  	[smem:$0x3FB9] =	sst s0;
	s0 =	simm.s32 @!p1 $0x0  }
0x14: {  	s2 =	sld [smem:$0x3F9D];
	s0 =	simm.s32 @p1 $0x1  }
0x15: {  	[smem:$0x3FBA] =	sst s0;
	s0 =	simm.s32 @!p2 $0x0  }
0x16: {  	s3 =	sld [smem:$0x3FDB];
	s0 =	simm.s32 @p2 $0x1  }
0x17: {  	s4 =	simm.s32 $0x1BF5;
	[smem:$0x3FBC] =	sst s0  }
0x18: {  	s0 =	sld [smem:$0x3F9F];
	_ =	swait.ge [sflag:s4], $0x0  }
0x19: {  	s7 =	sld [smem:$0x3FA0]  }
0x1a: {  	s8 =	sadd.s32 $0xFFFFE003, lr  }
0x1b: {  	s9 =	sadd.s32 $0xFFFFFEF7, lr;
	s5 =	simm.s32 $0xFFFFFFFF;
	p2 =	slt.u32 s8, $0xFFFFF086  }
0x1c: {  	p1 =	slt.u32 s9, $0xF7A;
	s5 =	simm.s32 @!p2 $0x0  }
0x1d: {  	s5 =	simm.s32 @p1 $0x1;
	p0 =	seq.s32 s7, s2  }
0x1e: {  	s7 =	smul.u32 @!p0 $0xF7A, s2;
	p2 =	seq.s32 @!p0 s5, $0x0  }
0x1f: {  	s9 =	smul.u32 $0xF7A, s1;
	s8 =	simm.s32 @!p0 $0x1BF5;
	p2 =	por !p2, p0  }
0x20: {  	[sflag:s8] =	ssyncset.s32 @!p0 $0xFFFFF086;
	s6 =	sadd.s32 @!p0 s3, s7;
	s7 =	simm.s32 @!p0 $0x108  }
0x21: {  	s3 =	sadd.s32 s3, s9;
	s6 =	sadd.s32 @!p0 $0x88, s6;
	s7 =	simm.s32 @p2 $0x1082  }
0x22: {  	[simem:s7], [sflag:s8] =	dma.local @!p0 [hbm:s6], $0xF7A  }
0x23: {  	s9 =	sor.u32 $0xD0000000, s2;
	s6 =	simm.s32 $0x108;
	_ =	swait.ge @!p0 [sflag:s8], $0x0  }
0x24: {  	s3 =	sadd.s32 $0x88, s3;
	s6 =	simm.s32 @!p1 $0x1082;
	[sflag:s4] =	ssyncset.s32 $0xFFFFF086  }
0x25: {  	[simem:s6], [sflag:s4] =	dma.local [hbm:s3], $0xF7A  }
0x26: {  	[smem:$0x3FA0] =	sst s1;
	(tag) =	ssettag s2;
	_ =	strace s9  }
0x27: {  	s1 =	sld [smem:$0x3FB0]  }
0x28: {  	s2 =	sld [smem:$0x3FB1]  }
0x29: {  	s4 =	sld [smem:$0x3FB3]  }
0x2a: {  	p0 =	seq.s32 s5, $0x0;
	s5 =	sld [smem:$0x3FB4]  }
0x2b: {  	s6 =	sld [smem:$0x3FB5]  }
0x2c: {  	s7 =	sld [smem:$0x3FB6]  }
0x2d: {  	s3 =	simm.s32 $0x108;
	s8 =	sld [smem:$0x3FB7]  }
0x2e: {  	s3 =	simm.s32 @!p0 $0x1082;
	s9 =	sld [smem:$0x3FB8]  }
0x2f: {  	lr =	sadd.s32 s0, s3;
	s0 =	sld [smem:$0x3FAF]  }
0x30: {  	s3 =	sld [smem:$0x3FB2]  }
0x31: {  	[smem:$0x3FBB] =	sst s10  }
0x32: {  	s10 =	sld [smem:$0x3FB9];
	_ =	sdelay $0x3  }
0x33: {  	p0 =	seq.s32 s10, $0x1;
	s10 =	sld [smem:$0x3FBB];
	_ =	sdelay $0x3  }
0x34: {  	[smem:$0x3FBB] =	sst s10  }
0x35: {  	s10 =	sld [smem:$0x3FBA];
	_ =	sdelay $0x3  }
0x36: {  	p1 =	seq.s32 s10, $0x1;
	s10 =	sld [smem:$0x3FBB];
	_ =	sdelay $0x3  }
0x37: {  	[smem:$0x3FBB] =	sst s10  }
0x38: {  	s10 =	sld [smem:$0x3FBC]  }
0x39: {  	_ = 	snop;
	(pc) =	sbr.ind lr, $3  }
0x3a: {  	_ = 	snop  }
0x3b: {  	_ = 	snop  }
0x3c: {  	p2 =	seq.s32 s10, $0x1;
	s10 =	sld [smem:$0x3FBB]  }
0x3d: {  	_ =	shalt  }
0x3e: {  	_ =	shalt  }
0x3f: {  	_ =	shalt  }
0x40: {  	_ =	shalt  }
0x41: {  	_ =	shalt  }
0x42: {  	_ =	shalt  }
0x43: {  	_ =	shalt  }
0x44: {  	_ =	shalt  }
0x45: {  	_ =	shalt  }
0x46: {  	_ =	shalt  }
0x47: {  	_ =	shalt  }
0x48: {  	_ =	shalt  }
0x49: {  	_ =	shalt  }
0x4a: {  	_ =	shalt  }
0x4b: {  	_ =	shalt  }
0x4c: {  	_ =	shalt  }
0x4d: {  	_ =	shalt  }
0x4e: {  	_ =	shalt  }
0x4f: {  	_ =	shalt  }
0x50: {  	_ =	shalt  }
0x51: {  	_ =	shalt  }
0x52: {  	_ =	shalt  }
0x53: {  	_ =	shalt  }
0x54: {  	_ =	shalt  }
0x55: {  	_ =	shalt  }
0x56: {  	_ =	shalt  }
0x57: {  	_ =	shalt  }
0x58: {  	_ =	shalt  }
0x59: {  	_ =	shalt  }
0x5a: {  	_ =	shalt  }
0x5b: {  	_ =	shalt  }
0x5c: {  	_ =	shalt  }
0x5d: {  	_ =	shalt  }
0x5e: {  	_ =	shalt  }
0x5f: {  	_ =	shalt  }
0x60: {  	_ =	shalt  }
0x61: {  	_ =	shalt  }
0x62: {  	_ =	shalt  }
0x63: {  	_ =	shalt  }
0x64: {  	_ =	shalt  }
0x65: {  	_ =	shalt  }
0x66: {  	_ =	shalt  }
0x67: {  	_ =	shalt  }
0x68: {  	_ =	shalt  }
0x69: {  	_ =	shalt  }
0x6a: {  	_ =	shalt  }
0x6b: {  	_ =	shalt  }
0x6c: {  	_ =	shalt  }
0x6d: {  	_ =	shalt  }
0x6e: {  	_ =	shalt  }
0x6f: {  	_ =	shalt  }
0x70: {  	_ =	shalt  }
0x71: {  	_ =	shalt  }
0x72: {  	_ =	shalt  }
0x73: {  	_ =	shalt  }
0x74: {  	_ =	shalt  }
0x75: {  	_ =	shalt  }
0x76: {  	_ =	shalt  }
0x77: {  	_ =	shalt  }
0x78: {  	_ =	shalt  }
0x79: {  	_ =	shalt  }
0x7a: {  	_ =	shalt  }
0x7b: {  	_ =	shalt  }
0x7c: {  	_ =	shalt  }
0x7d: {  	_ =	shalt  }
0x7e: {  	_ =	shalt  }
0x7f: {  	_ =	shalt  }
0x80: {  	_ =	shalt  }
0x81: {  	_ =	shalt  }
0x82: {  	_ =	shalt  }
0x83: {  	_ =	shalt  }
0x84: {  	_ =	shalt  }
0x85: {  	_ =	shalt  }
0x86: {  	_ =	shalt  }
0x87: {  	_ =	shalt  }
.Lfunc_end0:
.L_simem_size_0:
called_computation_lowered:
.L_overlay_start_0:
0x88: {  	s2 =	sld [smem:$0x3FD9]  }
0x89: {  	s3 =	sld [smem:$0x3FFE];
	_ =	sdelay $0x1  }
0x8a: {  	s1 =	srdreg.scid  }
0x8b: {  	s0 =	sand.u32 $0x1, s1  }
0x8c: {  	s17 =	sshll.u32 s0, $0xA;
	s2 =	sadd.s32 s3, s2  }
0x8d: {  	s2 =	sadd.s32 s2, s17  }
0x8e: {  	[smem:$0x3FC7] =	sst s2  }
0x8f: {  	_ = 	snop  }
0x90: {  	s2 =	sld [smem:$0x3FC9];
	(tm) =	ssettm $0x1  }
0x91: {  	s18 =	sld [smem:$0x3FFB];
	_ =	sdelay $0x3  }
0x92: {  	_ =	strace s18  }
0x93: {  	s3 =	sld [smem:$0x3FFC];
	_ =	sdelay $0x3  }
0x94: {  	_ =	strace s3  }
0x95: {  	s3 =	sld [smem:$0x3FFD];
	_ =	sdelay $0x3  }
0x96: {  	_ =	strace s3  }
0x97: {  	_ =	strace $0x8FFFFFFF  }
0x98: {  	s19 =	sld [smem:$0x3FDB];
	_ =	sdelay $0x1  }
0x99: {  	s4 =	simm.s32 $_scs_section_size  }
0x9a: {  	s5 =	simm.s32 $_size__tile_overlayer_lowered;
	s6 =	simm.s32 $_tile_overlayer_lowered  }
0x9b: {  	s22 =	simm.s32 $0x1BFF;
	s21 =	sshll.u32 s6, $0x1;
	s3 =	sadd.s32 s4, s19  }
0x9c: {  	s7 =	simm.s32 $0x0;
	s20 =	sshll.u32 s5, $0x1;
	s5 =	sadd.s32 s21, s3  }
0x9d: {  	[timem:s7], [sflag:s22] =	dma.local [hbm:s5], s20  }
0x9e: {  	_ =	swait.ge [sflag:s22], s20  }
0x9f: {  	s4 =	ssub.s32 $0x0, s20;
	[sflag:s22] =	ssyncset.done $0x0  }
0xa0: {  	[sflag:s22] =	ssyncadd.s32 s4;
	_ =	sdelay $0x1  }
0xa1: {  	s23 =	simm.s32 $0x1B8B  }
0xa2: {  	_ =	swait.ge [sflag:s23], $0x1  }
0xa3: {  	[sflag:s23] =	ssyncset.done $0x0  }
0xa4: {  	s25 =	simm.s32 $0x1B8E;
	s24 =	sld [smem:$0x3FFE];
	[sflag:s23] =	ssyncadd.s32 $0xFFFFFFFF  }
0xa5: {  	s26 =	simm.s32 $execute0_lowered;
	[smem:$0x3FD2] =	sst s25  }
0xa6: {  	s5 =	sshll.u32 s26, $0x1;
	_ =	strace $0x80000046;
	[dreg:$0x1] =	wrdreg $0xFFFFFFFF  }
0xa7: {  	s28 =	simm.s32 $_size_execute0_lowered;
	s3 =	sadd.s32 s3, s5;
	[dreg:$0x0] =	wrdreg $0x0  }
0xa8: {  	s5 =	sshll.u32 s28, $0x1;
	[dreg:$0x2] =	wrdreg s3  }
0xa9: {  	[dreg:$0x3] =	wrdreg s5  }
0xaa: {  	[dreg:$0x4] =	wrdreg $0xC0  }
0xab: {  	_ =	task [dreg:s7], $0x5FFFF  }
0xac: {  	[dreg:$0x1] =	wrdreg $0xFFFFFFFF  }
0xad: {  	[dreg:$0x0] =	wrdreg $0x60  }
0xae: {  	[dreg:$0x2] =	wrdreg s2  }
0xaf: {  	[dreg:$0x3] =	wrdreg s24  }
0xb0: {  	[dreg:$0x4] =	wrdreg $0x9  }
0xb1: {  	_ =	task.clear_ibuf [dreg:s7], $0x5FFFF;
	_ =	strace $0x90000046  }
0xb2: {  	s29 =	simm.s32 $0x9;
	_ =	strace $0x80000048  }
0xb3: {  	_ =	swait.ge [sflag:s29], $0x1  }
0xb4: {  	[sflag:s29] =	ssyncadd.s32 $0xFFFFFFFF  }
0xb5: {  	_ =	strace $0x90000048  }
0xb6: {  	_ =	sfence  }
0xb7: {  	s30 =	sld [smem:$0x0];
	_ =	sdelay $0x2  }
0xb8: {  	s31 =	sshll.u32 s1, $0xD;
	s1 =	sshrl.u32 s1, $0x2  }
0xb9: {  	s3 =	sand.u32 $0x4000, s31;
	s1 =	sadd.s32 s1, s30  }
0xba: {  	s0 =	sor.u32 s3, s0;
	s1 =	sshll.u32 s1, $0x11  }
0xbb: {  	s0 =	sor.u32 s1, s0  }
0xbc: {  	s0 =	sadd.s32 $0x8F2B, s0  }
0xbd: {  	[sflag:s0] =	ssyncadd.remote.s32 $0x1  }
0xbe: {  	_ =	sfence.sel $0xFFFF  }
0xbf: {  	[dreg:$0x0] =	wrdreg $0xFFFFFFFF;
	(pc) =	sbr.abs _section_cstart, $3  }
0xc0: {  	[dreg:$0x1] =	wrdreg $0xFFFFFFFF  }
0xc1: {  	_ =	task.clear_ibuf [dreg:s7], $0x2FFFF;
	_ =	strace $0x9FFFFFFF  }
0xc2: {  	(tm) =	ssettm $0x7FFFFFFF  }
0xc3: {  	_ =	shalt  }
tec
execute0_lowered:
.L_overlay_start_1:
0x0: {  	(tag) =	ssettag $0x1  }
0x1: {  	s0 =	rddreg [dreg:$0x0];
	s6 =	stileid.u32  }
0x2: {  	s3 =	rddreg [dreg:$0x1];
	s2 =	simm.s32 $0x0;
	s4 =	sshll.u32 s6, $0x1  }
0x3: {  	[smem:$0x7FF] =	sst s2;
	s31 =	sshll.u32 s6, $0xA;
	s6 =	simm.s32 $0x8210  }
0x4: {  	s7 =	simm.s32 $0x8220;
	_ =	strace $0x80000047;
	[dreg:$0x3] =	wrdreg s6  }
0x5: {  	s8 =	simm.s32 $0x8230;
	[dreg:$0x4] =	wrdreg s7  }
0x6: {  	s11 =	simm.s32 $0x8240;
	[dreg:$0x5] =	wrdreg s8  }
0x7: {  	s12 =	simm.s32 $0x8250;
	[dreg:$0x6] =	wrdreg s11  }
0x8: {  	s13 =	simm.s32 $0x8260;
	[dreg:$0x7] =	wrdreg s12  }
0x9: {  	s1 =	srdreg.scid;
	s14 =	simm.s32 $0x8270;
	[dreg:$0x8] =	wrdreg s13  }
0xa: {  	s15 =	simm.s32 $0x8280;
	s16 =	simm.s32 $0x8290;
	[dreg:$0x9] =	wrdreg s14  }
0xb: {  	s17 =	simm.s32 $0x82A0;
	s18 =	simm.s32 $0x8300;
	[dreg:$0xa] =	wrdreg s15  }
0xc: {  	s19 =	simm.s32 $0x8310;
	s20 =	simm.s32 $0x8320;
	[dreg:$0xb] =	wrdreg s16  }
0xd: {  	s21 =	simm.s32 $0x8330;
	s22 =	simm.s32 $0x8340;
	[dreg:$0xc] =	wrdreg s17  }
0xe: {  	s23 =	simm.s32 $0x8350;
	s24 =	simm.s32 $0x8360;
	[dreg:$0xd] =	wrdreg s18  }
0xf: {  	s25 =	simm.s32 $0x8370;
	s28 =	simm.s32 $0x83F0;
	[dreg:$0xe] =	wrdreg s19  }
0x10: {  	s29 =	simm.s32 $0x8000;
	s1 =	sand.u32 $0x1, s1;
	[dreg:$0xf] =	wrdreg s20  }
0x11: {  	v0 =	vimm.f32 $9.000000000e+00;
	s30 =	simm.s32 $0x3;
	s4 =	sor.u32 s1, s4;
	[dreg:$0x10] =	wrdreg s21  }
0x12: {  	s1 =	ssub.s32 $0x2, s1;
	s14 =	simm.s32 $0x1;
	[dreg:$0x11] =	wrdreg s22;
	(erf) = vrcp.f32 v0  }
0x13: {  	s15 =	simm.s32 $0x8200;
	s16 =	simm.s32 $0x82B0;
	[dreg:$0x12] =	wrdreg s23  }
0x14: {  	s17 =	simm.s32 $0x82C0;
	s18 =	simm.s32 $0x82D0;
	[dreg:$0x13] =	wrdreg s24  }
0x15: {  	s19 =	simm.s32 $0x82E0;
	[dreg:$0x14] =	wrdreg s25;
	s20 =	simm.s32 $0x82F0  }
0x16: {  	s21 =	simm.s32 $0x2;
	s22 =	simm.s32 $0x83A0;
	s23 =	simm.s32 $0x83B0  }
0x17: {  	s24 =	simm.s32 $0x83C0;
	s25 =	simm.s32 $0x83D0;
	s5 =	sshll.u32 s4, $0x1  }
0x18: {  	s26 =	sshrl.u32 s1, $0x1;
	s4 =	sshll.u32 s4, $0xE;
	s9 =	sadd.s32 s5, s3  }
0x19: {  	s1 =	ssub.s32 s1, s26;
	s5 =	sor.u32 s31, s4;
	s26 =	simm.s32 $0x8380  }
0x1a: {  	s31 =	simm.s32 $0x8390;
	s3 =	sand.u32 $0x1F000, s5;
	s7 =	sadd.s32 $0x1200, s9  }
0x1b: {  	v3 =	vlaneseq.u32;
	s8 =	sadd.s32 $0x1400, s9;
	s9 =	sadd.s32 $0x1600, s9;
	[dreg:$0x15] =	wrdreg s26;
	v0 =	vpop (erf)  }
0x1c: {  	[dreg:$0x16] =	wrdreg s31;
	s26 =	simm.s32 $0x83E0;
	s3 =	sadd.s32 s0, s3;
	[tilespmem:$0x1FFE0] =	vst v0;
	v0 =	vmul.u32 $0x10, v3  }
0x1d: {  	s10 =	sadd.s32 $0x800, s3;
	s5 =	sadd.s32 $0x400, s3;
	s6 =	sadd.s32 $0xC00, s3  }
0x1e: {  	v1 =	vimm.f32 $0.0e+00;
	[dreg:$0x17] =	wrdreg s10;
	s10 =	smax.u32 s1, $0x1;
	s1 =	simm.s32 $0x0;
	[tilespmem:$0x1FFF0] =	vst v0  }
.LBB2_1:
0x1f: {  	[tilespmem:$0x8200] =	vst v1  }
0x20: {  	[tilespmem:$0x8210] =	vst v1  }
0x21: {  	[tilespmem:$0x8220] =	vst v1  }
0x22: {  	[tilespmem:$0x8230] =	vst v1  }
0x23: {  	[tilespmem:$0x8240] =	vst v1  }
0x24: {  	[tilespmem:$0x8250] =	vst v1  }
0x25: {  	[tilespmem:$0x8260] =	vst v1  }
0x26: {  	[tilespmem:$0x8270] =	vst v1  }
0x27: {  	[tilespmem:$0x8280] =	vst v1  }
0x28: {  	[tilespmem:$0x8290] =	vst v1  }
0x29: {  	[tilespmem:$0x82A0] =	vst v1  }
0x2a: {  	[tilespmem:$0x82B0] =	vst v1  }
0x2b: {  	[tilespmem:$0x82C0] =	vst v1  }
0x2c: {  	[tilespmem:$0x82D0] =	vst v1  }
0x2d: {  	[tilespmem:$0x82E0] =	vst v1  }
0x2e: {  	[tilespmem:$0x82F0] =	vst v1  }
0x2f: {  	[tilespmem:$0x8300] =	vst v1  }
0x30: {  	[tilespmem:$0x8310] =	vst v1  }
0x31: {  	[tilespmem:$0x8320] =	vst v1  }
0x32: {  	[tilespmem:$0x8330] =	vst v1  }
0x33: {  	[tilespmem:$0x8340] =	vst v1  }
0x34: {  	[tilespmem:$0x8350] =	vst v1  }
0x35: {  	[tilespmem:$0x8360] =	vst v1  }
0x36: {  	[tilespmem:$0x8370] =	vst v1  }
0x37: {  	[tilespmem:$0x8380] =	vst v1  }
0x38: {  	[tilespmem:$0x8390] =	vst v1  }
0x39: {  	[tilespmem:$0x83A0] =	vst v1  }
0x3a: {  	[tilespmem:$0x83B0] =	vst v1  }
0x3b: {  	[tilespmem:$0x83C0] =	vst v1  }
0x3c: {  	[tilespmem:$0x83D0] =	vst v1  }
0x3d: {  	[tilespmem:$0x83E0] =	vst v1  }
0x3e: {  	[tilespmem:$0x83F0] =	vst v1  }
0x3f: {  	[tilespmem:s2], [sflag:$0x1] =	stream.linear.gather [hbm4b:s3+s2], $0x2000, $0x38;
	[tilespmem:$0x8480] =	vst v63  }
0x40: {  	s0 =	rddreg [dreg:$0x17];
	s4 =	simm.s32 $0x2000  }
0x41: {  	[tilespmem:s4], [sflag:$0x1] =	stream.linear.gather [hbm4b:s0+s2], $0x2000, $0x38;
	[tilespmem:$0x8480] =	vst v63  }
0x42: {  	s13 =	simm.s32 $0x4000  }
0x43: {  	[tilespmem:s13], [sflag:$0x2] =	stream.linear.gather [hbm4b:s5+s2], $0x2000, $0x38;
	[tilespmem:$0x8480] =	vst v63  }
0x44: {  	s31 =	simm.s32 $0x6000  }
0x45: {  	[tilespmem:s31], [sflag:$0x2] =	stream.linear.gather [hbm4b:s6+s2], $0x2000, $0x38;
	[tilespmem:$0x8480] =	vst v63  }
0x46: {  	_ =	swait.ge [sflag:s14], $0x2000  }
0x47: {  	[sflag:s14] =	ssyncset.done $0x0  }
0x48: {  	[sflag:s14] =	ssyncadd.s32 $0xFFFFE000  }
0x49: {  	_ =	swait.ge [sflag:s14], $0x2000  }
0x4a: {  	s11 =	sand.u32 $0x70, s2;
	s4 =	sand.u32 $0x1C00, s2;
	[sflag:s14] =	ssyncset.done $0x0  }
0x4b: {  	s0 =	sor.u32 s11, s4;
	[sflag:s14] =	ssyncadd.s32 $0xFFFFE000  }
0x4c: {  	v6 =	vld [tilespmem:s0+$0x2380]  }
0x4d: {  	v5 =	vld [tilespmem:s0+$0x80]  }
0x4e: {  	v7 =	vld [tilespmem:s0+$0x300]  }
0x4f: {  	v8 =	vld [tilespmem:s0+$0x280]  }
0x50: {  	v9 =	vld [tilespmem:s0+$0x2280]  }
0x51: {  	v10 =	vld [tilespmem:s0+$0x2180]  }
0x52: {  	v11 =	vld [tilespmem:s0+$0x180]  }
0x53: {  	v12 =	vld [tilespmem:s0+$0x2080]  }
0x54: {  	v13 =	vld [tilespmem:s0+$0x0]  }
0x55: {  	s12 =	sor.u32 s2, s2;
	v14 =	vld [tilespmem:s0+$0x100]  }
0x56: {  	s11 =	sor.u32 $0x380, s12;
	v15 =	vld [tilespmem:s0+$0x2300]  }
0x57: {  	v16 =	vld [tilespmem:s11+$0x0]  }
0x58: {  	v17 =	vld [tilespmem:s0+$0x2000]  }
0x59: {  	v18 =	vld [tilespmem:s0+$0x2100]  }
0x5a: {  	v19 =	vld [tilespmem:s0+$0x2200]  }
0x5b: {  	v20 =	vld [tilespmem:s0+$0x200];
	_ =	sdelay $0x2  }
0x5c: {  	v4 =	vmax.f32 v13, v5;
	v21 =	vmax.f32 v14, v11;
	v22 =	vmax.f32 v15, v6  }
0x5d: {  	v23 =	vmax.f32 v7, v16;
	v24 =	vmax.f32 v17, v12;
	v25 =	vmax.f32 v18, v10  }
0x5e: {  	v26 =	vmax.f32 v19, v9;
	v24 =	vmax.f32 v24, v25;
	v25 =	vmax.f32 v20, v8  }
0x5f: {  	v4 =	vmax.f32 v4, v21;
	v21 =	vmax.f32 v26, v22;
	v22 =	vmax.f32 v25, v23  }
0x60: {  	v21 =	vmax.f32 v24, v21;
	v4 =	vmax.f32 v4, v22  }
0x61: {  	v0 =	vmax.f32 v4, v21  }
0x62: {  	v21 =	vsub.f32 v5, v0;
	vm0 =	veq.f32 v13, v0;
	vm1 =	veq.f32 v5, v0  }
0x63: {  	v5 =	vsub.f32 v9, v0;
	v24 =	vsub.f32 v19, v0;
	vm13 =	veq.f32 v11, v0  }
0x64: {  	vm14 =	veq.f32 v20, v0;
	vm15 =	veq.f32 v15, v0;
	vm6 =	veq.f32 v7, v0  }
0x65: {  	vm2 =	veq.f32 v16, v0;
	vm3 =	veq.f32 v17, v0;
	vm8 =	veq.f32 v18, v0  }
0x66: {  	v18 =	vsub.f32 v18, v0;
	vm10 =	veq.f32 v9, v0;
	v9 =	vsub.f32 v12, v0  }
0x67: {  	vm7 =	veq.f32 v12, v0;
	v12 =	vsub.f32 v13, v0;
	v13 =	vsub.f32 v16, v0  }
0x68: {  	vm4 =	veq.f32 v14, v0;
	v14 =	vsub.f32 v14, v0;
	v17 =	vsub.f32 v17, v0  }
0x69: {  	vm9 =	veq.f32 v19, v0;
	v19 =	vsub.f32 v20, v0;
	v11 =	vsub.f32 v11, v0  }
0x6a: {  	vm11 =	veq.f32 v8, v0;
	vm12 =	veq.f32 v10, v0;
	v5 =	vmul.f32 $1.442695020e+00, v5  }
0x6b: {  	v22 =	vsel vm0, $0x3F800000, v1;
	v23 =	vsel vm1, $0x3F800000, v1;
	v16 =	vmul.f32 $1.442695020e+00, v21  }
0x6c: {  	v25 =	vsel vm13, $0x3F800000, v1;
	v9 =	vmul.f32 $1.442695020e+00, v9;
	(erf) = vpow2.f32 v5  }
0x6d: {  	s13 =	rddreg [dreg:$0x3];
	v26 =	vsel vm14, $0x3F800000, v1;
	v13 =	vmul.f32 $1.442695020e+00, v13;
	[tilespmem:s15+$0x0] =	vst.add.f32.msk $0xffff, v22;
	(erf) = vpow2.f32 v16  }
0x6e: {  	s31 =	rddreg [dreg:$0x4];
	[tilespmem:s13+$0x0] =	vst.add.f32.msk $0xffff, v23;
	v16 =	vmul.f32 $1.442695020e+00, v17;
	v17 =	vmul.f32 $1.442695020e+00, v19;
	v19 =	vsel vm4, $0x3F800000, v1  }
0x6f: {  	s12 =	rddreg [dreg:$0x5];
	v27 =	vsel vm6, $0x3F800000, v1;
	v18 =	vmul.f32 $1.442695020e+00, v18;
	(erf) = vpow2.f32 v13;
	[tilespmem:s31+$0x0] =	vst.add.f32.msk $0xffff, v19  }
0x70: {  	s4 =	rddreg [dreg:$0x6];
	v28 =	vsel vm2, $0x3F800000, v1;
	v11 =	vmul.f32 $1.442695020e+00, v11;
	(erf) = vpow2.f32 v16;
	[tilespmem:s12+$0x0] =	vst.add.f32.msk $0xffff, v25  }
0x71: {  	s13 =	rddreg [dreg:$0x7];
	v13 =	vsub.f32 v8, v0;
	v8 =	vsel vm11, $0x3F800000, v1;
	(erf) = vpow2.f32 v17;
	[tilespmem:s4+$0x0] =	vst.add.f32.msk $0xffff, v26  }
0x72: {  	v5 =	vsel vm7, $0x3F800000, v1;
	s31 =	rddreg [dreg:$0x8];
	(erf) = vpow2.f32 v18;
	[tilespmem:s13+$0x0] =	vst.add.f32.msk $0xffff, v8;
	v8 =	vmul.f32 $1.442695020e+00, v12  }
0x73: {  	v16 =	vmul.f32 $1.442695020e+00, v24;
	s4 =	rddreg [dreg:$0x9];
	v12 =	vsub.f32 v15, v0;
	(erf) = vpow2.f32 v11;
	[tilespmem:s31+$0x0] =	vst.add.f32.msk $0xffff, v27  }
0x74: {  	s13 =	rddreg [dreg:$0xa];
	v11 =	vmul.f32 $1.442695020e+00, v14;
	v14 =	vsel vm3, $0x3F800000, v1;
	(erf) = vpow2.f32 v9;
	[tilespmem:s4+$0x0] =	vst.add.f32.msk $0xffff, v28  }
0x75: {  	s31 =	rddreg [dreg:$0xb];
	v9 =	vsub.f32 v6, v0;
	v12 =	vmul.f32 $1.442695020e+00, v12;
	(erf) = vpow2.f32 v8;
	[tilespmem:s13+$0x0] =	vst.add.f32.msk $0xffff, v14  }
0x76: {  	v29 =	vsel vm8, $0x3F800000, v1;
	v15 =	vsub.f32 v10, v0;
	s4 =	rddreg [dreg:$0xc];
	v8 =	vpop (erf);
	(erf) = vpow2.f32 v11;
	[tilespmem:s31+$0x0] =	vst.add.f32.msk $0xffff, v5  }
0x77: {  	v9 =	vmul.f32 $1.442695020e+00, v9;
	v11 =	vsel vm12, $0x3F800000, v1;
	v20 =	vpop (erf);
	(erf) = vpow2.f32 v16;
	[tilespmem:s4+$0x0] =	vst.add.f32.msk $0xffff, v29  }
0x78: {  	v14 =	vsel vm9, $0x3F800000, v1;
	v2 =	vpop (erf);
	(erf) = vpow2.f32 v12;
	[tilespmem:s16+$0x0] =	vst.add.f32.msk $0xffff, v11  }
0x79: {  	v10 =	vmul.f32 $1.442695020e+00, v15;
	v12 =	vpop (erf);
	(erf) = vpow2.f32 v9;
	v9 =	vsel vm10, $0x3F800000, v1;
	[tilespmem:s17+$0x0] =	vst.add.f32.msk $0xffff, v14  }
0x7a: {  	s11 =	simm.s32 $0x80;
	v7 =	vsub.f32 v7, v0;
	vm13 =	veq.f32 v6, v0;
	v6 =	vsel vm15, $0x3F800000, v1;
	s31 =	simm.s32 $0x10;
	[tilespmem:s18+$0x0] =	vst.add.f32.msk $0xffff, v9  }
0x7b: {  	v13 =	vmul.f32 $1.442695020e+00, v13;
	s4 =	sand.u32 $0x1C00, s11;
	s13 =	sand.u32 $0x70, s31;
	(erf) = vpow2.f32 v10;
	v10 =	vsel vm13, $0x3F800000, v1;
	[tilespmem:s19+$0x0] =	vst.add.f32.msk $0xffff, v6  }
0x7c: {  	v7 =	vmul.f32 $1.442695020e+00, v7;
	s12 =	sor.u32 s13, s4;
	v16 =	vpop (erf);
	[tilespmem:s20+$0x0] =	vst.add.f32.msk $0xffff, v10  }
0x7d: {  	(erf) = vpow2.f32 v13;
	v3 =	vpop (erf);
	v18 =	vld [tilespmem:s12+$0x2380]  }
0x7e: {  	v14 =	vpop (erf);
	(erf) = vpow2.f32 v7;
	v19 =	vld [tilespmem:s12+$0x80]  }
0x7f: {  	v23 =	vpop (erf);
	v24 =	vld [tilespmem:s12+$0x300]  }
0x80: {  	v25 =	vld [tilespmem:s12+$0x280];
	v21 =	vpop (erf)  }
0x81: {  	v27 =	vld [tilespmem:s12+$0x2280];
	v13 =	vpop (erf)  }
0x82: {  	v28 =	vld [tilespmem:s12+$0x2180];
	v11 =	vpop (erf)  }
0x83: {  	v31 =	vld [tilespmem:s12+$0x180];
	v26 =	vpop (erf)  }
0x84: {  	v34 =	vld [tilespmem:s12+$0x2080];
	v22 =	vadd.f32 v20, v21;
	v29 =	vadd.f32 v14, v13;
	v10 =	vpop (erf)  }
0x85: {  	[tilespmem:$0x1FFB0] =	vst v0;
	v36 =	vld [tilespmem:s12+$0x0];
	v6 =	vadd.f32 v23, v12;
	v30 =	vadd.f32 v8, v11;
	v0 =	vpop (erf)  }
0x86: {  	v38 =	vld [tilespmem:s12+$0x200];
	v22 =	vadd.f32 v29, v22;
	v32 =	vadd.f32 v10, v26;
	v15 =	vpop (erf)  }
0x87: {  	v29 =	vld [tilespmem:s12+$0x2300];
	v33 =	vadd.f32 v0, v3;
	v17 =	vpop (erf);
	v35 =	vadd.f32 v15, v16  }
0x88: {  	s0 =	sor.u32 s11, s31;
	v30 =	vadd.f32 v32, v30;
	v32 =	vld [tilespmem:s12+$0x100];
	v37 =	vadd.f32 v2, v17  }
0x89: {  	s0 =	sor.u32 $0x380, s0;
	v6 =	vadd.f32 v33, v6;
	v33 =	vld [tilespmem:s12+$0x2100]  }
0x8a: {  	v55 =	vadd.f32 v37, v35;
	v35 =	vld [tilespmem:s0+$0x0]  }
0x8b: {  	v6 =	vadd.f32 v30, v6;
	v30 =	vld [tilespmem:s12+$0x2000]  }
0x8c: {  	v37 =	vld [tilespmem:s12+$0x2200];
	v22 =	vadd.f32 v55, v22;
	_ =	sdelay $0x1  }
0x8d: {  	v58 =	vmax.f32 v38, v25;
	v6 =	vadd.f32 v6, v22  }
0x8e: {  	v40 =	vmax.f32 v29, v18;
	v39 =	vmax.f32 v32, v31;
	v44 =	vmax.f32 v33, v28  }
0x8f: {  	v22 =	vmax.f32 v36, v19;
	v42 =	vmax.f32 v24, v35;
	v41 =	vand.u32 $0x7FFFFF, v6  }
0x90: {  	v43 =	vmax.f32 v30, v34;
	v46 =	vmax.f32 v37, v27;
	v41 =	vor.u32 $0x3F800000, v41  }
0x91: {  	v22 =	vmax.f32 v22, v39;
	v43 =	vmax.f32 v43, v44;
	v45 =	vmul.f32 $5.000000000e-01, v41  }
0x92: {  	v56 =	vmax.f32 v46, v40;
	(erf) = vrcp.f32 v6;
	vm0 =	vge.f32 v41, $1.414213540e+00  }
0x93: {  	v57 =	vsel vm0, v45, v41;
	v41 =	vmax.f32 v58, v42;
	v45 =	vshra.s32 v6, $0x17  }
0x94: {  	v6 =	vmax.f32 v43, v56;
	v59 =	vadd.f32 $1.000000000e+00, v57;
	v22 =	vmax.f32 v22, v41  }
0x95: {  	v6 =	vmax.f32 v22, v6  }
0x96: {  	v60 =	vadd.f32 $-1.000000000e+00, v57;
	(erf) = vrcp.f32 v59;
	v61 =	vsub.f32 v19, v6  }
0x97: {  	vm14 =	veq.f32 v36, v6;
	vm15 =	veq.f32 v19, v6;
	v19 =	vsub.f32 v27, v6  }
0x98: {  	v63 =	vsub.f32 v37, v6;
	vm4 =	veq.f32 v31, v6;
	vm5 =	veq.f32 v38, v6  }
0x99: {  	vm1 =	veq.f32 v29, v6;
	vm6 =	veq.f32 v24, v6;
	vm7 =	veq.f32 v35, v6  }
0x9a: {  	vm2 =	veq.f32 v30, v6;
	vm8 =	veq.f32 v34, v6;
	vm9 =	veq.f32 v33, v6  }
0x9b: {  	vm11 =	veq.f32 v27, v6;
	v27 =	vsub.f32 v34, v6;
	v36 =	vsub.f32 v36, v6  }
0x9c: {  	vm12 =	veq.f32 v32, v6;
	v32 =	vsub.f32 v32, v6;
	v31 =	vsub.f32 v31, v6  }
0x9d: {  	vm10 =	veq.f32 v37, v6;
	v35 =	vsub.f32 v35, v6;
	v58 =	vsub.f32 v38, v6  }
0x9e: {  	vm13 =	veq.f32 v18, v6;
	v30 =	vsub.f32 v30, v6;
	v59 =	vsub.f32 v25, v6  }
0x9f: {  	v24 =	vsub.f32 v24, v6;
	v62 =	vsel vm14, $0x3F800000, v1;
	v43 =	vsel vm15, $0x3F800000, v1  }
0xa0: {  	v46 =	vsel vm4, $0x3F800000, v1;
	v47 =	vsel vm5, $0x3F800000, v1;
	v48 =	vsel vm6, $0x3F800000, v1  }
0xa1: {  	v49 =	vsel vm7, $0x3F800000, v1;
	v50 =	vsel vm8, $0x3F800000, v1;
	v52 =	vsel vm9, $0x3F800000, v1  }
0xa2: {  	v53 =	vsel vm11, $0x3F800000, v1;
	v54 =	vsel vm13, $0x3F800000, v1;
	v19 =	vmul.f32 $1.442695020e+00, v19  }
0xa3: {  	vm14 =	veq.f32 v25, v6;
	v56 =	vmul.f32 $1.442695020e+00, v61;
	v27 =	vmul.f32 $1.442695020e+00, v27  }
0xa4: {  	vm15 =	veq.f32 v28, v6;
	v35 =	vmul.f32 $1.442695020e+00, v35;
	v31 =	vmul.f32 $1.442695020e+00, v31  }
0xa5: {  	v30 =	vmul.f32 $1.442695020e+00, v30;
	v37 =	vmul.f32 $1.442695020e+00, v58;
	v61 =	vsel vm12, $0x3F800000, v1  }
0xa6: {  	s11 =	rddreg [dreg:$0x3];
	v22 =	vpop (erf);
	v34 =	vmul.f32 $1.442695020e+00, v59;
	[tilespmem:s15+$0x0] =	vst.add.f32.msk $0xffff, v62;
	v62 =	vsub.f32 v18, v6;
	v36 =	vmul.f32 $1.442695020e+00, v36  }
0xa7: {  	s12 =	rddreg [dreg:$0x4];
	[tilespmem:s11+$0x0] =	vst.add.f32.msk $0xffff, v43;
	v23 =	vmul.f32 v22, v23;
	v44 =	vmul.f32 v22, v21;
	v21 =	vimm.f32 $0.0e+00  }
0xa8: {  	s13 =	rddreg [dreg:$0x5];
	(erf) = vpow2.f32 v19;
	v19 =	vmul.f32 v22, v26;
	v26 =	vsub.f32 v33, v6;
	[tilespmem:s12+$0x0] =	vst.add.f32.msk $0xffff, v61  }
0xa9: {  	v33 =	vsel vm10, $0x3F800000, v1;
	(erf) = vpow2.f32 v56;
	[tilespmem:s13+$0x0] =	vst.add.f32.msk $0xffff, v46;
	v46 =	vmul.f32 $1.442695020e+00, v24  }
0xaa: {  	(erf) = vpow2.f32 v35;
	v26 =	vmul.f32 $1.442695020e+00, v26;
	v18 =	vadd.f32 v19, v1  }
0xab: {  	s31 =	rddreg [dreg:$0x6];
	[tilespmem:$0x1FFC0] =	vst v0;
	v0 =	vld [tilespmem:$0x1FFE0];
	v19 =	vsub.f32 v29, v6;
	v29 =	vmul.f32 $1.442695020e+00, v62;
	(erf) = vpow2.f32 v30  }
0xac: {  	s4 =	rddreg [dreg:$0x7];
	[tilespmem:s31+$0x0] =	vst.add.f32.msk $0xffff, v47;
	v35 =	vimm.f32 $0.0e+00;
	v30 =	vsel vm14, $0x3F800000, v1;
	(erf) = vpow2.f32 v37  }
0xad: {  	s13 =	rddreg [dreg:$0x8];
	[tilespmem:s4+$0x0] =	vst.add.f32.msk $0xffff, v30;
	v30 =	vmul.f32 $1.442695020e+00, v19;
	v37 =	vimm.f32 $0.0e+00;
	v57 =	vpop (erf);
	(erf) = vpow2.f32 v26  }
0xae: {  	s31 =	rddreg [dreg:$0x9];
	v26 =	vmul.f32 $1.442695020e+00, v32;
	[tilespmem:s13+$0x0] =	vst.add.f32.msk $0xffff, v48;
	v40 =	vmul.f32 v57, v60;
	v60 =	vsub.f32 v28, v6  }
0xaf: {  	s4 =	rddreg [dreg:$0xa];
	v28 =	vmul.f32 $1.442695020e+00, v63;
	v63 =	vsel vm2, $0x3F800000, v1;
	(erf) = vpow2.f32 v31;
	[tilespmem:s31+$0x0] =	vst.add.f32.msk $0xffff, v49  }
0xb0: {  	s13 =	rddreg [dreg:$0xb];
	v32 =	vimm.f32 $0.0e+00;
	(erf) = vpow2.f32 v27;
	[tilespmem:s4+$0x0] =	vst.add.f32.msk $0xffff, v63;
	v42 =	vmul.f32 v40, v40  }
0xb1: {  	v31 =	vsel vm15, $0x3F800000, v1;
	s31 =	rddreg [dreg:$0xc];
	v25 =	vmul.f32 $1.442695020e+00, v60;
	(erf) = vpow2.f32 v36;
	[tilespmem:s13+$0x0] =	vst.add.f32.msk $0xffff, v50  }
0xb2: {  	v36 =	vimm.f32 $0.0e+00;
	(erf) = vpow2.f32 v26;
	[tilespmem:s31+$0x0] =	vst.add.f32.msk $0xffff, v52;
	v52 =	vmul.f32 v22, v20  }
0xb3: {  	v20 =	vadd.f32 v23, v1;
	v27 =	vmul.f32 v42, v0;
	v0 =	vimm.s32 $0x0  }
0xb4: {  	v9 =	vmovc v2;
	v23 =	vimm.f32 $0.0e+00;
	(erf) = vpow2.f32 v28;
	v24 =	vsel vm0, $0x1, v0  }
0xb5: {  	v19 =	vpop (erf);
	[tilespmem:s16+$0x0] =	vst.add.f32.msk $0xffff, v31;
	v31 =	vimm.f32 $0.0e+00;
	v28 =	vimm.f32 $0.0e+00;
	(erf) = vpow2.f32 v30  }
0xb6: {  	v49 =	vpop (erf);
	[tilespmem:s17+$0x0] =	vst.add.f32.msk $0xffff, v33;
	v33 =	vimm.f32 $0.0e+00;
	v30 =	vimm.f32 $0.0e+00;
	v26 =	vadd.f32 $1.428571490e-01, v27  }
0xb7: {  	[tilespmem:$0x1FFD0] =	vst v3;
	v27 =	vsel vm1, $0x3F800000, v1;
	(erf) = vpow2.f32 v29;
	v51 =	vadd.s32 v24, v45;
	v24 =	vpop (erf)  }
0xb8: {  	[tilespmem:s18+$0x0] =	vst.add.f32.msk $0xffff, v53;
	v29 =	vimm.f32 $0.0e+00;
	(erf) = vpow2.f32 v25;
	v26 =	vmul.f32 v26, v42;
	v39 =	vpop (erf)  }
0xb9: {  	[tilespmem:s19+$0x0] =	vst.add.f32.msk $0xffff, v27;
	v25 =	vimm.f32 $0.0e+00;
	v27 =	vimm.f32 $0.0e+00;
	(erf) = vpow2.f32 v34;
	v48 =	vpop (erf)  }
0xba: {  	s0 =	simm.s32 $0x20;
	s13 =	simm.s32 $0x100;
	v34 =	vimm.f32 $0.0e+00;
	[tilespmem:s20+$0x0] =	vst.add.f32.msk $0xffff, v54;
	v50 =	vadd.f32 $2.000000030e-01, v26;
	v26 =	vimm.f32 $0.0e+00;
	v38 =	vpop (erf)  }
.LBB2_2:
0xbb: {  	v56 =	vpop (erf);
	v57 =	vmul.f32 v22, v13;
	v14 =	vmul.f32 v22, v14  }
0xbc: {  	s12 =	sand.u32 $0x1C00, s13;
	s31 =	sand.u32 $0x70, s0;
	v58 =	vadd.s32 $0xFFFFFF81, v51;
	v41 =	vmovc v49;
	v16 =	vmul.f32 v22, v16;
	v60 =	vmul.f32 v22, v15;
	v0 =	vld [tilespmem:$0x1FFD0]  }
0xbd: {  	v12 =	vmul.f32 v22, v12;
	v7 =	vld [tilespmem:$0x1FFC0];
	(erf) = vpow2.f32 v46;
	s12 =	sor.u32 s31, s12;
	v43 =	vpop (erf);
	v37 =	vadd.f32 v52, v37  }
0xbe: {  	v15 =	vmul.f32 v22, v17;
	v46 =	vld [tilespmem:s12+$0x2380];
	v59 =	vadd.f32 v43, v39;
	v45 =	vpop (erf);
	v36 =	vadd.f32 v16, v36  }
0xbf: {  	v61 =	vld [tilespmem:s12+$0x80];
	v35 =	vadd.f32 v14, v35;
	v14 =	vmul.f32 v22, v11;
	v34 =	vadd.f32 v12, v34;
	v13 =	vpop (erf)  }
0xc0: {  	v51 =	vld [tilespmem:s12+$0x300];
	v33 =	vadd.f32 v15, v33;
	v12 =	vmul.f32 v22, v10;
	v62 =	vadd.f32 v41, v45;
	v11 =	vpop (erf)  }
0xc1: {  	v8 =	vmul.f32 v22, v8;
	v52 =	vld [tilespmem:s12+$0x2280];
	v16 =	vadd.f32 v56, v13;
	v32 =	vadd.f32 v14, v32;
	v54 =	vpop (erf)  }
0xc2: {  	v3 =	vmul.f32 v22, v9;
	v47 =	vld [tilespmem:s12+$0x2180];
	v29 =	vadd.f32 v12, v29;
	v17 =	vadd.f32 v19, v11;
	v10 =	vpop (erf)  }
0xc3: {  	v53 =	vld [tilespmem:s12+$0x180];
	v2 =	vmul.f32 v22, v0;
	v22 =	vmul.f32 v22, v7;
	v14 =	vadd.f32 v10, v54;
	v63 =	vpop (erf)  }
0xc4: {  	v55 =	vld [tilespmem:s12+$0x2080];
	v5 =	vadd.f32 v63, v38;
	v15 =	vpop (erf);
	v7 =	vmov v63;
	v63 =	vadd.f32 v40, v40  }
0xc5: {  	v50 =	vmul.f32 v50, v42;
	v0 =	vld [tilespmem:s12+$0x0];
	v9 =	vadd.f32 v15, v48;
	v12 =	vadd.f32 v14, v17  }
0xc6: {  	v40 =	vld [tilespmem:s12+$0x2200];
	v17 =	vpop (erf);
	v5 =	vadd.f32 v5, v59;
	v59 =	vadd.f32 v16, v62  }
0xc7: {  	s4 =	smov.u32 s13;
	v62 =	vadd.f32 $3.333333430e-01, v50;
	v50 =	vld [tilespmem:s12+$0x2300];
	v4 =	vadd.f32 v24, v17  }
0xc8: {  	s4 =	sor.u32 s4, s0;
	v31 =	vadd.f32 v8, v31;
	v28 =	vadd.f32 v57, v28;
	v14 =	vmov v56;
	v56 =	vld [tilespmem:s12+$0x100]  }
0xc9: {  	s4 =	sor.u32 $0x380, s4;
	v30 =	vadd.f32 v60, v30;
	v62 =	vmul.f32 v62, v42;
	v42 =	vld [tilespmem:s12+$0x2000];
	v4 =	vadd.f32 v4, v9  }
0xca: {  	v58 =	vcvt.s32.f32 v58;
	v25 =	vadd.f32 v3, v25;
	v26 =	vadd.f32 v2, v26;
	v9 =	vmovc v24;
	v24 =	vld [tilespmem:s4+$0x0]  }
0xcb: {  	v8 =	vmovc v19;
	v16 =	vmov v48;
	v48 =	vld [tilespmem:s12+$0x2100];
	v19 =	vadd.f32 v12, v5;
	v4 =	vadd.f32 v4, v59  }
0xcc: {  	v49 =	vld [tilespmem:s12+$0x280];
	v2 =	vmul.f32 $6.931471820e-01, v58;
	v27 =	vadd.f32 v22, v27;
	v12 =	vmovc v39;
	v5 =	vmovc v38;
	v39 =	vadd.f32 $1.000000000e+00, v62  }
0xcd: {  	v57 =	vmax.f32 v0, v61;
	[tilespmem:$0x1FFD0] =	vst v5;
	v5 =	vld [tilespmem:$0x1FFB0];
	v58 =	vmax.f32 v56, v53;
	v4 =	vadd.f32 v19, v4  }
0xce: {  	v3 =	vld [tilespmem:s12+$0x200];
	v22 =	vmul.f32 v39, v63;
	v63 =	vmax.f32 v40, v52;
	v19 =	vmax.f32 v50, v46  }
0xcf: {  	v60 =	vmax.f32 v42, v55;
	v39 =	vmax.f32 v51, v24;
	v59 =	vand.u32 $0x7FFFFF, v4  }
0xd0: {  	v2 =	vadd.f32 v22, v2;
	v22 =	vmax.f32 v48, v47;
	v59 =	vor.u32 $0x3F800000, v59  }
0xd1: {  	v19 =	vmax.f32 v63, v19;
	v38 =	vshra.s32 v4, $0x17;
	v62 =	vmul.f32 $5.000000000e-01, v59  }
0xd2: {  	v22 =	vmax.f32 v60, v22;
	v2 =	vadd.f32 v2, v5;
	vm0 =	vge.f32 v59, $1.414213540e+00  }
0xd3: {  	(erf) = vrcp.f32 v4;
	v60 =	vsel vm0, v62, v59;
	v62 =	vmax.f32 v3, v49  }
0xd4: {  	v5 =	vmovc v6;
	v6 =	vmax.f32 v57, v58;
	v2 =	vmul.f32 v2, v2;
	v39 =	vmax.f32 v62, v39  }
0xd5: {  	v19 =	vmax.f32 v22, v19;
	v22 =	vadd.f32 $1.000000000e+00, v60;
	v4 =	vmax.f32 v6, v39  }
0xd6: {  	v23 =	vadd.f32 v44, v23;
	v21 =	vadd.f32 v2, v21;
	v6 =	vmax.f32 v4, v19  }
0xd7: {  	(erf) = vrcp.f32 v22;
	v4 =	vadd.f32 $-1.000000000e+00, v60;
	v2 =	vsub.f32 v61, v6  }
0xd8: {  	vm1 =	veq.f32 v0, v6;
	vm2 =	veq.f32 v61, v6;
	v19 =	vsub.f32 v52, v6  }
0xd9: {  	v44 =	vsub.f32 v40, v6;
	vm5 =	veq.f32 v53, v6;
	vm6 =	veq.f32 v3, v6  }
0xda: {  	vm7 =	veq.f32 v51, v6;
	vm3 =	veq.f32 v24, v6;
	vm8 =	veq.f32 v42, v6  }
0xdb: {  	vm9 =	veq.f32 v55, v6;
	vm4 =	veq.f32 v48, v6;
	v19 =	vmul.f32 $1.442695020e+00, v19  }
0xdc: {  	v48 =	vsub.f32 v48, v6;
	vm10 =	veq.f32 v40, v6;
	vm11 =	veq.f32 v52, v6  }
0xdd: {  	v0 =	vsub.f32 v0, v6;
	vm12 =	veq.f32 v56, v6;
	(erf) = vpow2.f32 v19  }
0xde: {  	v56 =	vsub.f32 v56, v6;
	v40 =	vsub.f32 v53, v6;
	v22 =	vsel vm1, $0x3F800000, v1  }
0xdf: {  	vm13 =	veq.f32 v46, v6;
	v3 =	vsub.f32 v3, v6;
	v51 =	vsub.f32 v51, v6  }
0xe0: {  	v24 =	vsub.f32 v24, v6;
	v42 =	vsub.f32 v42, v6;
	v2 =	vmul.f32 $1.442695020e+00, v2  }
0xe1: {  	vm14 =	veq.f32 v49, v6;
	vm15 =	veq.f32 v47, v6;
	v63 =	vsel vm2, $0x3F800000, v1;
	[tilespmem:s15+$0x0] =	vst.add.f32.msk $0xffff, v22;
	v22 =	vpop (erf)  }
0xe2: {  	v39 =	vsel vm5, $0x3F800000, v1;
	v19 =	vsub.f32 v55, v6;
	v62 =	vpop (erf);
	(erf) = vpow2.f32 v2  }
0xe3: {  	[tilespmem:$0x1FFC0] =	vst v7;
	v57 =	vsel vm6, $0x3F800000, v1;
	vm1 =	veq.f32 v50, v6;
	v7 =	vmul.f32 $1.442695020e+00, v40  }
0xe4: {  	s31 =	rddreg [dreg:$0x3];
	[tilespmem:$0x1FFB0] =	vst v5;
	v58 =	vsel vm7, $0x3F800000, v1;
	v40 =	vmul.f32 v62, v4;
	v4 =	vmul.f32 $1.442695020e+00, v24  }
0xe5: {  	s12 =	rddreg [dreg:$0x4];
	[tilespmem:s31+$0x0] =	vst.add.f32.msk $0xffff, v63;
	v2 =	vmul.f32 $1.442695020e+00, v3;
	v3 =	vsel vm12, $0x3F800000, v1;
	v24 =	vmul.f32 $1.442695020e+00, v42  }
0xe6: {  	s11 =	sadd.s32 $0x80, s13;
	p0 =	sne.s32 s13, $0x1F80;
	s13 =	rddreg [dreg:$0x5];
	v59 =	vsel vm3, $0x3F800000, v1;
	v5 =	vmul.f32 $1.442695020e+00, v19;
	[tilespmem:s12+$0x0] =	vst.add.f32.msk $0xffff, v3;
	v19 =	vpop (erf);
	(erf) = vpow2.f32 v4  }
0xe7: {  	v60 =	vsel vm9, $0x3F800000, v1;
	s31 =	rddreg [dreg:$0x6];
	v3 =	vmul.f32 $1.442695020e+00, v48;
	[tilespmem:s13+$0x0] =	vst.add.f32.msk $0xffff, v39;
	(erf) = vpow2.f32 v24  }
0xe8: {  	s4 =	rddreg [dreg:$0x7];
	v63 =	vsub.f32 v49, v6;
	v49 =	vsel vm14, $0x3F800000, v1;
	[tilespmem:s31+$0x0] =	vst.add.f32.msk $0xffff, v57;
	(erf) = vpow2.f32 v2  }
0xe9: {  	v61 =	vsel vm4, $0x3F800000, v1;
	v0 =	vmul.f32 $1.442695020e+00, v0;
	s12 =	rddreg [dreg:$0x8];
	[tilespmem:s4+$0x0] =	vst.add.f32.msk $0xffff, v49;
	(erf) = vpow2.f32 v3  }
0xea: {  	v54 =	vmul.f32 v22, v54;
	v62 =	vsub.f32 v47, v6;
	[tilespmem:s12+$0x0] =	vst.add.f32.msk $0xffff, v58;
	(erf) = vpow2.f32 v7  }
0xeb: {  	v52 =	vsel vm10, $0x3F800000, v1;
	v42 =	vmul.f32 v40, v40;
	s31 =	rddreg [dreg:$0x9];
	v49 =	vpop (erf);
	(erf) = vpow2.f32 v5;
	v5 =	vld [tilespmem:$0x1FFE0]  }
0xec: {  	v62 =	vmul.f32 $1.442695020e+00, v62;
	v57 =	vsub.f32 v46, v6;
	s4 =	rddreg [dreg:$0xa];
	[tilespmem:s31+$0x0] =	vst.add.f32.msk $0xffff, v59;
	v2 =	vsel vm8, $0x3F800000, v1  }
0xed: {  	v46 =	vmul.f32 $1.442695020e+00, v51;
	v4 =	vmul.f32 $1.442695020e+00, v63;
	[tilespmem:s4+$0x0] =	vst.add.f32.msk $0xffff, v2;
	v2 =	vsub.f32 v50, v6  }
0xee: {  	v53 =	vsel vm13, $0x3F800000, v1;
	v24 =	vmul.f32 $1.442695020e+00, v44;
	v3 =	vmul.f32 $1.442695020e+00, v56  }
0xef: {  	v55 =	vsel vm11, $0x3F800000, v1;
	s12 =	rddreg [dreg:$0xb];
	(erf) = vpow2.f32 v0;
	v0 =	vmul.f32 $1.442695020e+00, v2  }
0xf0: {  	v18 =	vadd.f32 v54, v18;
	s31 =	rddreg [dreg:$0xc];
	[tilespmem:s12+$0x0] =	vst.add.f32.msk $0xffff, v60;
	(erf) = vpow2.f32 v3;
	v5 =	vmul.f32 v42, v5  }
0xf1: {  	v63 =	vsel vm15, $0x3F800000, v1;
	v7 =	vmul.f32 $1.442695020e+00, v57;
	[tilespmem:s31+$0x0] =	vst.add.f32.msk $0xffff, v61;
	(erf) = vpow2.f32 v24  }
.Ltmp0:
0xf2: {  	[tilespmem:s16+$0x0] =	vst.add.f32.msk $0xffff, v63;
	v3 =	vimm.s32 $0x0;
	v24 =	vpop (erf);
	(erf) = vpow2.f32 v0;
	v2 =	vadd.f32 $1.428571490e-01, v5;
	(pc) =	sbr.rel @p0 .LBB2_2-.Ltmp0, $4  }
0xf3: {  	v44 =	vmul.f32 v22, v45;
	[tilespmem:s17+$0x0] =	vst.add.f32.msk $0xffff, v52;
	v3 =	vsel vm0, $0x1, v3;
	v39 =	vpop (erf);
	(erf) = vpow2.f32 v7  }
0xf4: {  	[tilespmem:s18+$0x0] =	vst.add.f32.msk $0xffff, v55;
	v5 =	vsel vm1, $0x3F800000, v1;
	v0 =	vmul.f32 v2, v42;
	v2 =	vmul.f32 v22, v43  }
0xf5: {  	v52 =	vmul.f32 v22, v41;
	v51 =	vadd.s32 v3, v38;
	v48 =	vpop (erf);
	(erf) = vpow2.f32 v62;
	[tilespmem:s19+$0x0] =	vst.add.f32.msk $0xffff, v5  }
0xf6: {  	s0 =	sadd.s32 $0x10, s0;
	s13 =	smov.u32 s11;
	(erf) = vpow2.f32 v4;
	v38 =	vpop (erf);
	[tilespmem:s20+$0x0] =	vst.add.f32.msk $0xffff, v53;
	v50 =	vadd.f32 $2.000000030e-01, v0;
	v20 =	vadd.f32 v2, v20  }
0xf7: {  	v53 =	vpop (erf);
	(erf) = vpow2.f32 v46  }
0xf8: {  	v0 =	vpop (erf)  }
0xf9: {  	v41 =	vpop (erf)  }
0xfa: {  	v2 =	vpop (erf)  }
0xfb: {  	v47 =	vpop (erf)  }
0xfc: {  	v3 =	vpop (erf)  }
0xfd: {  	v46 =	vpop (erf)  }
0xfe: {  	v4 =	vadd.f32 v0, v39;
	v5 =	vadd.f32 v49, v41;
	v43 =	vpop (erf)  }
0xff: {  	v7 =	vadd.f32 v53, v2;
	v45 =	vadd.f32 v19, v47;
	v55 =	vpop (erf)  }
0x100: {  	v54 =	vadd.f32 v46, v3;
	v56 =	vadd.f32 v43, v38;
	v57 =	vpop (erf)  }
0x101: {  	v58 =	vadd.f32 v55, v48;
	v59 =	vadd.f32 v24, v57  }
0x102: {  	v5 =	vadd.f32 v7, v5;
	v45 =	vadd.f32 v54, v45  }
0x103: {  	v4 =	vadd.f32 v56, v4;
	v7 =	vadd.f32 v59, v58;
	_ =	sdelay $0x1  }
0x104: {  	v4 =	vadd.f32 v45, v4;
	v5 =	vadd.f32 v7, v5;
	_ =	sdelay $0x1  }
0x105: {  	v4 =	vadd.f32 v4, v5;
	_ =	sdelay $0x1  }
0x106: {  	v5 =	vand.u32 $0x7FFFFF, v4  }
0x107: {  	v5 =	vor.u32 $0x3F800000, v5  }
0x108: {  	v7 =	vmul.f32 $5.000000000e-01, v5  }
0x109: {  	vm0 =	vge.f32 v5, $1.414213540e+00  }
0x10a: {  	v5 =	vsel vm0, v7, v5  }
0x10b: {  	v7 =	vadd.f32 $1.000000000e+00, v5  }
0x10c: {  	(erf) = vrcp.f32 v4  }
0x10d: {  	(erf) = vrcp.f32 v7;
	_ =	sdelay $0x4  }
0x10e: {  	v56 =	vmul.f32 v22, v13;
	v13 =	vmul.f32 v50, v42;
	_ =	sdelay $0x1  }
0x10f: {  	v16 =	vmul.f32 v22, v16;
	v60 =	vmul.f32 v22, v15;
	v15 =	vadd.f32 $3.333333430e-01, v13  }
0x110: {  	v12 =	vmul.f32 v22, v12;
	v8 =	vmul.f32 v22, v8;
	v63 =	vadd.f32 v40, v40;
	v45 =	vpop (erf)  }
0x111: {  	v59 =	vadd.f32 v52, v37;
	v37 =	vmul.f32 v22, v14;
	v42 =	vmul.f32 v15, v42;
	v7 =	vpop (erf)  }
0x112: {  	v58 =	vadd.s32 $0xFFFFFF81, v51;
	v14 =	vadd.f32 v16, v36;
	v5 =	vadd.f32 $-1.000000000e+00, v5;
	_ =	swait.ge [sflag:s21], $0x2000  }
0x113: {  	v62 =	vcvt.s32.f32 v58;
	v13 =	vadd.f32 v37, v35;
	v35 =	vadd.f32 $1.000000000e+00, v42;
	[sflag:s21] =	ssyncset.done $0x0  }
0x114: {  	v16 =	vmul.f32 v22, v11;
	v11 =	vadd.f32 v12, v34;
	v12 =	vmul.f32 v7, v5;
	[sflag:s21] =	ssyncadd.s32 $0xFFFFE000  }
0x115: {  	v5 =	vmul.f32 $6.931471820e-01, v62;
	v7 =	vmul.f32 v35, v63;
	_ =	swait.ge [sflag:s21], $0x2000  }
0x116: {  	s4 =	simm.s32 $0x0;
	v31 =	vadd.f32 v8, v31;
	v42 =	vmul.f32 v22, v10;
	v8 =	vld [tilespmem:$0x1FFD0]  }
0x117: {  	s0 =	sand.u32 $0x1C00, s4;
	s11 =	sand.u32 $0x70, s4;
	v5 =	vadd.f32 v7, v5;
	[sflag:s21] =	ssyncset.done $0x0;
	v7 =	vld [tilespmem:$0x1FFE0]  }
0x118: {  	s0 =	sor.u32 s11, s0;
	v34 =	vmul.f32 v22, v9;
	v9 =	vadd.f32 v42, v29;
	v29 =	vld [tilespmem:$0x1FFC0];
	[sflag:s21] =	ssyncadd.s32 $0xFFFFE000  }
0x119: {  	v50 =	vld [tilespmem:s0+$0x6380]  }
0x11a: {  	v51 =	vld [tilespmem:s0+$0x4080]  }
0x11b: {  	v54 =	vld [tilespmem:s0+$0x4180]  }
0x11c: {  	v61 =	vld [tilespmem:s0+$0x4300]  }
0x11d: {  	v15 =	vld [tilespmem:s0+$0x6280]  }
0x11e: {  	v52 =	vld [tilespmem:s0+$0x6080]  }
0x11f: {  	v40 =	vld [tilespmem:s0+$0x4280]  }
0x120: {  	v17 =	vmul.f32 v22, v17;
	v58 =	vld [tilespmem:s0+$0x4000]  }
0x121: {  	v10 =	vadd.f32 v16, v32;
	v32 =	vld [tilespmem:s0+$0x6180]  }
0x122: {  	v17 =	vadd.f32 v17, v33;
	v62 =	vld [tilespmem:s0+$0x4200]  }
0x123: {  	v42 =	vadd.f32 v56, v28;
	v16 =	vmul.f32 v12, v12;
	v28 =	vld [tilespmem:s0+$0x6300];
	v8 =	vmul.f32 v22, v8  }
0x124: {  	s4 =	sor.u32 s4, s4;
	v36 =	vadd.f32 v60, v30;
	v3 =	vmul.f32 v45, v3;
	v0 =	vmul.f32 v45, v0;
	v56 =	vld [tilespmem:s0+$0x6200]  }
0x125: {  	s4 =	sor.u32 $0x380, s4;
	v7 =	vmul.f32 v16, v7;
	v30 =	vmul.f32 v22, v29;
	v22 =	vadd.f32 v8, v26;
	v8 =	vld [tilespmem:$0x1FFB0]  }
0x126: {  	v3 =	vadd.f32 v3, v18;
	v0 =	vadd.f32 v0, v20;
	v33 =	vld [tilespmem:s4+$0x4000]  }
0x127: {  	v29 =	vadd.f32 v34, v25;
	v25 =	vld [tilespmem:s0+$0x6100];
	v7 =	vadd.f32 $1.428571490e-01, v7  }
0x128: {  	[tilespmem:$0x1FF50] =	vst v3;
	v3 =	vmul.f32 v45, v49;
	v34 =	vadd.f32 v44, v23;
	v44 =	vshra.s32 v4, $0x17;
	v26 =	vld [tilespmem:s0+$0x4100]  }
0x129: {  	[tilespmem:$0x1FF60] =	vst v0;
	v35 =	vadd.f32 v30, v27;
	v27 =	vld [tilespmem:s0+$0x6000];
	v0 =	vmax.f32 v58, v51;
	v7 =	vmul.f32 v7, v16  }
0x12a: {  	v18 =	vmax.f32 v28, v50;
	v23 =	vmax.f32 v56, v15;
	v5 =	vadd.f32 v5, v8  }
0x12b: {  	v18 =	vmax.f32 v23, v18;
	v23 =	vmul.f32 v45, v55;
	v30 =	vadd.f32 $2.000000030e-01, v7  }
0x12c: {  	v7 =	vmax.f32 v62, v40;
	v8 =	vmax.f32 v61, v33;
	v5 =	vmul.f32 v5, v5  }
0x12d: {  	v20 =	vmax.f32 v25, v32;
	v7 =	vmax.f32 v7, v8;
	v8 =	vmax.f32 v26, v54  }
0x12e: {  	v0 =	vmax.f32 v0, v8;
	v37 =	vadd.f32 v5, v21;
	v21 =	vmax.f32 v27, v52  }
0x12f: {  	v23 =	vadd.f32 v23, v36;
	v0 =	vmax.f32 v0, v7;
	v8 =	vmax.f32 v21, v20  }
0x130: {  	v7 =	vadd.f32 v3, v59;
	v20 =	vmul.f32 v45, v2;
	v2 =	vmax.f32 v8, v18  }
0x131: {  	v3 =	vmul.f32 v45, v53;
	v8 =	vmax.f32 v0, v2;
	v0 =	vmul.f32 v45, v48  }
0x132: {  	v2 =	vmul.f32 v45, v57;
	vm1 =	veq.f32 v58, v8;
	vm2 =	veq.f32 v51, v8  }
0x133: {  	vm7 =	veq.f32 v54, v8;
	vm8 =	veq.f32 v62, v8;
	vm9 =	veq.f32 v61, v8  }
0x134: {  	vm3 =	veq.f32 v33, v8;
	v57 =	vsub.f32 v40, v8;
	vm10 =	veq.f32 v52, v8  }
0x135: {  	v58 =	vsub.f32 v58, v8;
	vm11 =	veq.f32 v25, v8;
	vm12 =	veq.f32 v26, v8  }
0x136: {  	vm13 =	veq.f32 v27, v8;
	v26 =	vsub.f32 v26, v8;
	v27 =	vsub.f32 v27, v8  }
0x137: {  	vm14 =	veq.f32 v32, v8;
	v61 =	vsub.f32 v61, v8;
	v33 =	vsub.f32 v33, v8  }
0x138: {  	v32 =	vsub.f32 v32, v8;
	vm15 =	veq.f32 v50, v8;
	v54 =	vsub.f32 v54, v8  }
0x139: {  	vm4 =	veq.f32 v28, v8;
	v28 =	vsub.f32 v28, v8;
	vm5 =	veq.f32 v15, v8  }
0x13a: {  	v25 =	vsub.f32 v25, v8;
	v18 =	vsel vm1, $0x3F800000, v1;
	v21 =	vsel vm2, $0x3F800000, v1  }
0x13b: {  	v48 =	vsel vm7, $0x3F800000, v1;
	v49 =	vsel vm8, $0x3F800000, v1;
	v53 =	vsel vm9, $0x3F800000, v1  }
0x13c: {  	v55 =	vsel vm3, $0x3F800000, v1;
	v59 =	vsel vm10, $0x3F800000, v1;
	v60 =	vsel vm11, $0x3F800000, v1  }
0x13d: {  	s11 =	rddreg [dreg:$0xd];
	v17 =	vadd.f32 v2, v17;
	v2 =	vmul.f32 v45, v46;
	v58 =	vmul.f32 $1.442695020e+00, v58  }
0x13e: {  	s12 =	rddreg [dreg:$0xe];
	v63 =	vsel vm12, $0x3F800000, v1;
	v26 =	vmul.f32 $1.442695020e+00, v26;
	v27 =	vmul.f32 $1.442695020e+00, v27;
	[tilespmem:s11+$0x0] =	vst.add.f32.msk $0xffff, v18  }
0x13f: {  	s13 =	rddreg [dreg:$0xf];
	vm7 =	veq.f32 v40, v8;
	v18 =	vmul.f32 $1.442695020e+00, v33;
	v33 =	vmul.f32 $1.442695020e+00, v61;
	[tilespmem:s12+$0x0] =	vst.add.f32.msk $0xffff, v21  }
0x140: {  	s31 =	rddreg [dreg:$0x10];
	vm8 =	veq.f32 v56, v8;
	v57 =	vmul.f32 $1.442695020e+00, v57;
	(erf) = vpow2.f32 v58;
	[tilespmem:s13+$0x0] =	vst.add.f32.msk $0xffff, v63  }
0x141: {  	v32 =	vmul.f32 $1.442695020e+00, v32;
	s12 =	rddreg [dreg:$0x11];
	v63 =	vsub.f32 v15, v8;
	(erf) = vpow2.f32 v33;
	[tilespmem:s31+$0x0] =	vst.add.f32.msk $0xffff, v48  }
0x142: {  	v40 =	vsel vm7, $0x3F800000, v1;
	v58 =	vsub.f32 v62, v8;
	s13 =	rddreg [dreg:$0x12];
	(erf) = vpow2.f32 v57;
	[tilespmem:s12+$0x0] =	vst.add.f32.msk $0xffff, v49  }
0x143: {  	v21 =	vsub.f32 v56, v8;
	s31 =	rddreg [dreg:$0x13];
	v33 =	vmul.f32 $1.442695020e+00, v63;
	(erf) = vpow2.f32 v27;
	[tilespmem:s13+$0x0] =	vst.add.f32.msk $0xffff, v40  }
0x144: {  	v9 =	vadd.f32 v2, v9;
	s12 =	rddreg [dreg:$0x14];
	v63 =	vmul.f32 $1.442695020e+00, v58;
	(erf) = vpow2.f32 v26;
	[tilespmem:s31+$0x0] =	vst.add.f32.msk $0xffff, v53  }
0x145: {  	v62 =	vsel vm13, $0x3F800000, v1;
	v21 =	vmul.f32 $1.442695020e+00, v21;
	s13 =	rddreg [dreg:$0x15];
	(erf) = vpow2.f32 v18;
	[tilespmem:s12+$0x0] =	vst.add.f32.msk $0xffff, v55  }
0x146: {  	v57 =	vmul.f32 $1.442695020e+00, v54;
	v26 =	vsub.f32 v52, v8;
	s31 =	rddreg [dreg:$0x16];
	(erf) = vpow2.f32 v63;
	[tilespmem:s13+$0x0] =	vst.add.f32.msk $0xffff, v62  }
0x147: {  	v15 =	vsel vm14, $0x3F800000, v1;
	v27 =	vsub.f32 v51, v8;
	(erf) = vpow2.f32 v21;
	[tilespmem:s31+$0x0] =	vst.add.f32.msk $0xffff, v59  }
0x148: {  	v18 =	vsub.f32 v50, v8;
	v21 =	vmul.f32 $1.442695020e+00, v26;
	(erf) = vpow2.f32 v57;
	[tilespmem:s22+$0x0] =	vst.add.f32.msk $0xffff, v60  }
0x149: {  	v26 =	vmul.f32 $1.442695020e+00, v28;
	v40 =	vpop (erf);
	(erf) = vpow2.f32 v33;
	[tilespmem:s23+$0x0] =	vst.add.f32.msk $0xffff, v15;
	v15 =	vsel vm8, $0x3F800000, v1  }
0x14a: {  	v18 =	vmul.f32 $1.442695020e+00, v18;
	v28 =	vpop (erf);
	(erf) = vpow2.f32 v32;
	[tilespmem:s24+$0x0] =	vst.add.f32.msk $0xffff, v15;
	v15 =	vsel vm5, $0x3F800000, v1  }
0x14b: {  	v58 =	vmul.f32 $1.442695020e+00, v27;
	v33 =	vpop (erf);
	(erf) = vpow2.f32 v26;
	[tilespmem:s25+$0x0] =	vst.add.f32.msk $0xffff, v15;
	v15 =	vsel vm4, $0x3F800000, v1  }
0x14c: {  	s11 =	simm.s32 $0x80;
	s13 =	simm.s32 $0x10;
	v59 =	vmul.f32 $1.442695020e+00, v25;
	v27 =	vpop (erf);
	(erf) = vpow2.f32 v18;
	[tilespmem:s26+$0x0] =	vst.add.f32.msk $0xffff, v15;
	v15 =	vsel vm15, $0x3F800000, v1  }
0x14d: {  	s31 =	sand.u32 $0x1C00, s11;
	s12 =	sand.u32 $0x70, s13;
	v18 =	vadd.f32 v0, v14;
	v0 =	vmul.f32 v45, v39;
	v26 =	vpop (erf);
	(erf) = vpow2.f32 v21  }
0x14e: {  	s0 =	sor.u32 s12, s31;
	[tilespmem:s28+$0x0] =	vst.add.f32.msk $0xffff, v15;
	v21 =	vadd.f32 v3, v13;
	v13 =	vmul.f32 v45, v47;
	(erf) = vpow2.f32 v58;
	v62 =	vpop (erf)  }
0x14f: {  	v61 =	vmov v8;
	v3 =	vmul.f32 v30, v16;
	v39 =	vld [tilespmem:s0+$0x6380];
	v32 =	vpop (erf);
	(erf) = vpow2.f32 v59  }
0x150: {  	v52 =	vmul.f32 v45, v24;
	v15 =	vadd.f32 v0, v11;
	v0 =	vmul.f32 v45, v19;
	v47 =	vld [tilespmem:s0+$0x4080];
	v14 =	vpop (erf)  }
0x151: {  	v8 =	vimm.s32 $0x0;
	v46 =	vld [tilespmem:s0+$0x4180];
	v3 =	vadd.f32 $3.333333430e-01, v3;
	v11 =	vadd.f32 v13, v10;
	v30 =	vpop (erf)  }
0x152: {  	v50 =	vld [tilespmem:s0+$0x4300];
	v49 =	vadd.f32 v62, v28;
	v10 =	vadd.f32 v0, v31;
	v0 =	vmul.f32 v45, v38;
	v13 =	vpop (erf)  }
0x153: {  	v51 =	vld [tilespmem:s0+$0x4000];
	v31 =	vadd.f32 v20, v42;
	v2 =	vmul.f32 v3, v16;
	v3 =	vsel vm0, $0x1, v8;
	v19 =	vpop (erf)  }
0x154: {  	v55 =	vld [tilespmem:s0+$0x6180];
	v20 =	vadd.f32 v33, v32;
	v16 =	vadd.f32 v0, v22;
	v0 =	vadd.s32 v3, v44;
	v38 =	vpop (erf)  }
0x155: {  	v58 =	vld [tilespmem:s0+$0x4200];
	v3 =	vadd.f32 v12, v12;
	v2 =	vadd.f32 $1.000000000e+00, v2;
	v0 =	vadd.s32 $0xFFFFFF81, v0;
	v4 =	vpop (erf)  }
0x156: {  	v29 =	vadd.f32 v52, v29;
	s4 =	sor.u32 s11, s13;
	v52 =	vld [tilespmem:s0+$0x6000];
	v56 =	vadd.f32 v30, v26;
	v0 =	vcvt.s32.f32 v0;
	v22 =	vpop (erf)  }
0x157: {  	s4 =	sor.u32 $0x380, s4;
	v44 =	vld [tilespmem:s0+$0x4280];
	v20 =	vadd.f32 v49, v20;
	v53 =	vadd.f32 v13, v14;
	v2 =	vmul.f32 v2, v3;
	v36 =	vpop (erf)  }
0x158: {  	v3 =	vld [tilespmem:s4+$0x4000];
	v54 =	vadd.f32 v4, v38;
	v0 =	vmul.f32 $6.931471820e-01, v0;
	v57 =	vadd.f32 v22, v27;
	v24 =	vpop (erf)  }
0x159: {  	v49 =	vld [tilespmem:s0+$0x6300];
	v59 =	vadd.f32 v36, v40;
	v60 =	vadd.f32 v19, v24  }
0x15a: {  	v53 =	vadd.f32 v54, v53;
	v54 =	vld [tilespmem:s0+$0x4100];
	v0 =	vadd.f32 v2, v0  }
0x15b: {  	v2 =	vld [tilespmem:s0+$0x6100];
	v56 =	vadd.f32 v56, v59;
	v57 =	vadd.f32 v60, v57  }
0x15c: {  	v43 =	vmul.f32 v45, v43;
	v42 =	vld [tilespmem:s0+$0x6080];
	v0 =	vadd.f32 v0, v6;
	v6 =	vmax.f32 v58, v44  }
0x15d: {  	v48 =	vld [tilespmem:s0+$0x6280];
	v60 =	vmax.f32 v50, v3;
	v56 =	vadd.f32 v20, v56;
	v53 =	vadd.f32 v53, v57  }
0x15e: {  	v41 =	vmul.f32 v45, v41;
	v20 =	vadd.f32 v43, v35;
	v43 =	vld [tilespmem:s0+$0x6200];
	v6 =	vmax.f32 v6, v60  }
0x15f: {  	v0 =	vmul.f32 v0, v0;
	v63 =	vmax.f32 v54, v46;
	v45 =	vadd.f32 v53, v56  }
0x160: {  	v57 =	vmax.f32 v2, v55;
	v53 =	vmax.f32 v51, v47;
	v56 =	vmax.f32 v49, v39  }
0x161: {  	v35 =	vmax.f32 v53, v63;
	v53 =	vmax.f32 v52, v42;
	v60 =	vand.u32 $0x7FFFFF, v45  }
0x162: {  	v53 =	vmax.f32 v53, v57;
	v6 =	vmax.f32 v35, v6;
	v59 =	vor.u32 $0x3F800000, v60  }
0x163: {  	(erf) = vrcp.f32 v45;
	v60 =	vmax.f32 v43, v48;
	v57 =	vmul.f32 $5.000000000e-01, v59  }
0x164: {  	v45 =	vshra.s32 v45, $0x17;
	v56 =	vmax.f32 v60, v56;
	vm0 =	vge.f32 v59, $1.414213540e+00  }
0x165: {  	v63 =	vmax.f32 v53, v56;
	v56 =	vadd.f32 v41, v34;
	v53 =	vsel vm0, v57, v59  }
0x166: {  	v34 =	vadd.f32 v0, v37;
	v35 =	vmax.f32 v6, v63;
	v6 =	vadd.f32 $1.000000000e+00, v53  }
0x167: {  	vm9 =	veq.f32 v51, v35;
	vm10 =	veq.f32 v47, v35;
	v0 =	vsub.f32 v51, v35  }
0x168: {  	vm11 =	veq.f32 v46, v35;
	vm12 =	veq.f32 v58, v35;
	vm13 =	veq.f32 v50, v35  }
0x169: {  	vm14 =	veq.f32 v52, v35;
	v59 =	vsub.f32 v52, v35;
	vm2 =	veq.f32 v44, v35  }
0x16a: {  	vm15 =	veq.f32 v3, v35;
	v63 =	vsub.f32 v54, v35;
	v3 =	vsub.f32 v3, v35  }
0x16b: {  	vm8 =	veq.f32 v54, v35;
	v57 =	vsub.f32 v58, v35;
	v47 =	vsub.f32 v47, v35  }
0x16c: {  	v46 =	vsub.f32 v46, v35;
	v37 =	vsel vm9, $0x3F800000, v1;
	v41 =	vsel vm10, $0x3F800000, v1  }
0x16d: {  	v51 =	vsel vm11, $0x3F800000, v1;
	v52 =	vsel vm12, $0x3F800000, v1;
	vm9 =	veq.f32 v42, v35  }
0x16e: {  	vm10 =	veq.f32 v2, v35;
	vm11 =	veq.f32 v43, v35;
	v43 =	vsub.f32 v43, v35  }
0x16f: {  	vm12 =	veq.f32 v55, v35;
	v42 =	vsub.f32 v42, v35;
	(erf) = vrcp.f32 v6  }
0x170: {  	v2 =	vsub.f32 v2, v35;
	v0 =	vmul.f32 $1.442695020e+00, v0;
	v60 =	vmul.f32 $1.442695020e+00, v59  }
0x171: {  	s11 =	rddreg [dreg:$0xd];
	[tilespmem:$0x1FF80] =	vst v14;
	v6 =	vsub.f32 v50, v35;
	v50 =	vmul.f32 $1.442695020e+00, v63;
	v3 =	vmul.f32 $1.442695020e+00, v3  }
0x172: {  	s12 =	rddreg [dreg:$0xe];
	[tilespmem:s11+$0x0] =	vst.add.f32.msk $0xffff, v37;
	v59 =	vsel vm8, $0x3F800000, v1;
	(erf) = vpow2.f32 v0;
	v0 =	vsub.f32 v44, v35  }
0x173: {  	s13 =	rddreg [dreg:$0xf];
	v63 =	vsub.f32 v55, v35;
	v55 =	vmul.f32 $1.442695020e+00, v46;
	[tilespmem:s12+$0x0] =	vst.add.f32.msk $0xffff, v41;
	v6 =	vmul.f32 $1.442695020e+00, v6  }
0x174: {  	s31 =	rddreg [dreg:$0x10];
	v58 =	vsel vm9, $0x3F800000, v1;
	v46 =	vmul.f32 $1.442695020e+00, v47;
	[tilespmem:s13+$0x0] =	vst.add.f32.msk $0xffff, v59;
	v0 =	vmul.f32 $1.442695020e+00, v0  }
0x175: {  	s12 =	rddreg [dreg:$0x11];
	v43 =	vmul.f32 $1.442695020e+00, v43;
	[tilespmem:s31+$0x0] =	vst.add.f32.msk $0xffff, v51;
	v51 =	vsel vm2, $0x3F800000, v1;
	(erf) = vpow2.f32 v6  }
0x176: {  	[tilespmem:s12+$0x0] =	vst.add.f32.msk $0xffff, v52;
	v52 =	vmul.f32 $1.442695020e+00, v63;
	(erf) = vpow2.f32 v0;
	v0 =	vadd.f32 $-1.000000000e+00, v53  }
0x177: {  	[tilespmem:$0x1FF70] =	vst v13;
	v6 =	vpop (erf);
	v53 =	vsel vm13, $0x3F800000, v1;
	vm13 =	veq.f32 v39, v35;
	(erf) = vpow2.f32 v60  }
0x178: {  	[tilespmem:$0x1FF90] =	vst v4;
	v4 =	vld [tilespmem:$0x1FFE0];
	s13 =	rddreg [dreg:$0x12];
	v60 =	vsel vm14, $0x3F800000, v1;
	vm14 =	veq.f32 v48, v35;
	v37 =	vmul.f32 v6, v38  }
0x179: {  	s31 =	rddreg [dreg:$0x13];
	[tilespmem:s13+$0x0] =	vst.add.f32.msk $0xffff, v51;
	v48 =	vsub.f32 v48, v35;
	v63 =	vmul.f32 v6, v40;
	v54 =	vpop (erf);
	(erf) = vpow2.f32 v50  }
0x17a: {  	s12 =	rddreg [dreg:$0x14];
	[tilespmem:s31+$0x0] =	vst.add.f32.msk $0xffff, v53;
	v44 =	vmul.f32 v54, v0;
	v0 =	vsel vm15, $0x3F800000, v1;
	v54 =	vmul.f32 $1.442695020e+00, v57  }
0x17b: {  	(erf) = vpow2.f32 v3;
	[tilespmem:s12+$0x0] =	vst.add.f32.msk $0xffff, v0;
	v0 =	vsub.f32 v39, v35;
	v39 =	vmul.f32 $1.442695020e+00, v42  }
0x17c: {  	[tilespmem:$0x1FFA0] =	vst v19;
	s13 =	rddreg [dreg:$0x15];
	v57 =	vsub.f32 v49, v35;
	(erf) = vpow2.f32 v54;
	v54 =	vmul.f32 $1.442695020e+00, v48  }
0x17d: {  	s31 =	rddreg [dreg:$0x16];
	v3 =	vsel vm10, $0x3F800000, v1;
	[tilespmem:s13+$0x0] =	vst.add.f32.msk $0xffff, v60;
	v47 =	vmul.f32 v44, v44;
	(erf) = vpow2.f32 v43  }
0x17e: {  	vm15 =	veq.f32 v49, v35;
	v49 =	vmul.f32 $1.442695020e+00, v57;
	[tilespmem:s31+$0x0] =	vst.add.f32.msk $0xffff, v58;
	(erf) = vpow2.f32 v55  }
0x17f: {  	v58 =	vsel vm12, $0x3F800000, v1;
	v0 =	vmul.f32 $1.442695020e+00, v0;
	[tilespmem:s22+$0x0] =	vst.add.f32.msk $0xffff, v3;
	(erf) = vpow2.f32 v54  }
0x180: {  	v38 =	vpop (erf);
	v3 =	vsel vm11, $0x3F800000, v1;
	v59 =	vmul.f32 v47, v4;
	[tilespmem:s23+$0x0] =	vst.add.f32.msk $0xffff, v58;
	(erf) = vpow2.f32 v52  }
0x181: {  	v60 =	vsel vm14, $0x3F800000, v1;
	v41 =	vpop (erf);
	[tilespmem:s24+$0x0] =	vst.add.f32.msk $0xffff, v3;
	v3 =	vsel vm15, $0x3F800000, v1;
	(erf) = vpow2.f32 v49  }
0x182: {  	v42 =	vpop (erf);
	v48 =	vadd.f32 $1.428571490e-01, v59;
	[tilespmem:s25+$0x0] =	vst.add.f32.msk $0xffff, v60;
	(erf) = vpow2.f32 v0;
	v0 =	vsel vm0, $0x1, v8  }
0x183: {  	v43 =	vmul.f32 $1.442695020e+00, v2;
	v40 =	vpop (erf);
	[tilespmem:s26+$0x0] =	vst.add.f32.msk $0xffff, v3;
	v55 =	vadd.s32 v0, v45;
	v0 =	vsel vm13, $0x3F800000, v1  }
0x184: {  	s0 =	simm.s32 $0x20;
	s13 =	simm.s32 $0x100;
	v54 =	vpop (erf);
	(erf) = vpow2.f32 v39;
	v39 =	vadd.f32 v63, v56;
	v56 =	vmul.f32 v48, v47;
	[tilespmem:s28+$0x0] =	vst.add.f32.msk $0xffff, v0  }
.LBB2_4:
0x185: {  	s4 =	sand.u32 $0x1C00, s13;
	s12 =	sand.u32 $0x70, s0;
	v13 =	vld [tilespmem:$0x1FFA0]  }
0x186: {  	v0 =	vpop (erf);
	v2 =	vmul.f32 v6, v36;
	v3 =	vadd.s32 $0xFFFFFF81, v55;
	v19 =	vld [tilespmem:$0x1FF80];
	(erf) = vpow2.f32 v46;
	s12 =	sor.u32 s12, s4  }
0x187: {  	v53 =	vmul.f32 v6, v30;
	v55 =	vadd.f32 v44, v44;
	v49 =	vpop (erf);
	(erf) = vpow2.f32 v43;
	v43 =	vld [tilespmem:s12+$0x6380]  }
0x188: {  	v59 =	vmul.f32 v6, v33;
	v28 =	vmul.f32 v6, v28;
	v58 =	vadd.f32 $2.000000030e-01, v56;
	v46 =	vld [tilespmem:s12+$0x4080]  }
0x189: {  	v25 =	vmul.f32 v6, v62;
	v60 =	vmul.f32 v6, v22;
	v4 =	vmov v61;
	v51 =	vpop (erf);
	v44 =	vld [tilespmem:s12+$0x4180]  }
0x18a: {  	v7 =	vadd.f32 v2, v7;
	v56 =	vadd.f32 v42, v49;
	v52 =	vld [tilespmem:s12+$0x4300];
	v30 =	vpop (erf);
	v36 =	vmul.f32 v58, v47  }
0x18b: {  	v2 =	vmul.f32 v6, v26;
	v45 =	vld [tilespmem:s12+$0x6280];
	v23 =	vadd.f32 v59, v23;
	v17 =	vadd.f32 v28, v17;
	v57 =	vpop (erf)  }
0x18c: {  	v26 =	vmov v54;
	v50 =	vld [tilespmem:s12+$0x6080];
	v29 =	vadd.f32 v25, v29;
	v33 =	vpop (erf);
	v36 =	vadd.f32 $3.333333430e-01, v36  }
0x18d: {  	v8 =	vld [tilespmem:s12+$0x4000];
	v31 =	vadd.f32 v2, v31;
	v2 =	vmul.f32 v6, v27;
	v27 =	vadd.f32 v0, v41;
	v48 =	vpop (erf)  }
0x18e: {  	v58 =	vmul.f32 v6, v32;
	v25 =	vmov v51;
	v61 =	vadd.f32 v57, v51;
	v51 =	vld [tilespmem:$0x1FF60];
	v59 =	vpop (erf)  }
0x18f: {  	v54 =	vld [tilespmem:s12+$0x6180];
	v12 =	vadd.f32 v30, v26;
	v27 =	vadd.f32 v27, v56;
	v32 =	vmul.f32 v36, v47;
	v22 =	vpop (erf)  }
0x190: {  	v63 =	vmul.f32 v6, v24;
	v14 =	vld [tilespmem:s12+$0x4200];
	v15 =	vadd.f32 v2, v15;
	v62 =	vadd.f32 v59, v48;
	v36 =	vpop (erf)  }
0x191: {  	v5 =	vmul.f32 v6, v19;
	v2 =	vld [tilespmem:$0x1FF70];
	v28 =	vadd.f32 v22, v40;
	v19 =	vadd.f32 $1.000000000e+00, v32;
	v24 =	vpop (erf)  }
0x192: {  	[tilespmem:$0x1FF80] =	vst v25;
	v47 =	vld [tilespmem:s12+$0x4280];
	v56 =	vadd.f32 v36, v38;
	v25 =	vadd.f32 v33, v24  }
0x193: {  	s31 =	smov.u32 s13;
	v61 =	vadd.f32 v62, v61;
	v60 =	vadd.f32 v60, v51;
	v51 =	vld [tilespmem:s12+$0x6100]  }
0x194: {  	s31 =	sor.u32 s31, s0;
	v32 =	vmov v49;
	v49 =	vld [tilespmem:s12+$0x6300];
	v12 =	vadd.f32 v12, v56;
	v25 =	vadd.f32 v25, v28  }
0x195: {  	s4 =	sor.u32 $0x380, s31;
	v21 =	vadd.f32 v53, v21;
	v28 =	vld [tilespmem:$0x1FF90]  }
0x196: {  	v3 =	vcvt.s32.f32 v3;
	v62 =	vmovc v0;
	v0 =	vld [tilespmem:s4+$0x4000];
	v12 =	vadd.f32 v27, v12;
	v25 =	vadd.f32 v61, v25  }
0x197: {  	v16 =	vadd.f32 v63, v16;
	v13 =	vmul.f32 v6, v13;
	v55 =	vmul.f32 v19, v55;
	v19 =	vmovc v57;
	v57 =	vld [tilespmem:s12+$0x4100]  }
0x198: {  	v3 =	vmul.f32 $6.931471820e-01, v3;
	v18 =	vadd.f32 v58, v18;
	v12 =	vadd.f32 v25, v12;
	v25 =	vld [tilespmem:$0x1FF50]  }
0x199: {  	v20 =	vadd.f32 v13, v20;
	v11 =	vadd.f32 v5, v11;
	v2 =	vmul.f32 v6, v2;
	[tilespmem:$0x1FF60] =	vst v60;
	v56 =	vld [tilespmem:s12+$0x6000]  }
0x19a: {  	v3 =	vadd.f32 v55, v3;
	[tilespmem:$0x1FF70] =	vst v19;
	v60 =	vmovc v33;
	v6 =	vmul.f32 v6, v28;
	v28 =	vmov v41;
	v41 =	vld [tilespmem:s12+$0x6200]  }
0x19b: {  	v10 =	vadd.f32 v2, v10;
	v19 =	vmax.f32 v8, v46;
	[tilespmem:$0x1FFA0] =	vst v60;
	v60 =	vmax.f32 v14, v47  }
0x19c: {  	v3 =	vadd.f32 v3, v4;
	v58 =	vmax.f32 v49, v43;
	v13 =	vmax.f32 v52, v0  }
0x19d: {  	v9 =	vadd.f32 v6, v9;
	v6 =	vmax.f32 v57, v44;
	v25 =	vadd.f32 v37, v25  }
0x19e: {  	v3 =	vmul.f32 v3, v3;
	v13 =	vmax.f32 v60, v13;
	v6 =	vmax.f32 v19, v6  }
0x19f: {  	v19 =	vmax.f32 v56, v50;
	v2 =	vmax.f32 v41, v45;
	[tilespmem:$0x1FF50] =	vst v25;
	v25 =	vmax.f32 v51, v54  }
0x1a0: {  	v59 =	vmovc v59;
	v34 =	vadd.f32 v3, v34;
	v2 =	vmax.f32 v2, v58;
	v19 =	vmax.f32 v19, v25  }
0x1a1: {  	[tilespmem:$0x1FF90] =	vst v59;
	v59 =	vand.u32 $0x7FFFFF, v12;
	v6 =	vmax.f32 v6, v13;
	v2 =	vmax.f32 v19, v2  }
0x1a2: {  	v61 =	vmovc v35;
	v53 =	vshra.s32 v12, $0x17;
	(erf) = vrcp.f32 v12;
	v35 =	vmax.f32 v6, v2  }
0x1a3: {  	v2 =	vor.u32 $0x3F800000, v59;
	vm0 =	veq.f32 v8, v35;
	vm1 =	veq.f32 v46, v35  }
0x1a4: {  	v13 =	vmul.f32 $5.000000000e-01, v2;
	vm6 =	veq.f32 v44, v35;
	vm2 =	veq.f32 v14, v35  }
0x1a5: {  	vm7 =	veq.f32 v52, v35;
	vm8 =	veq.f32 v0, v35;
	v3 =	vsub.f32 v47, v35  }
0x1a6: {  	vm9 =	veq.f32 v50, v35;
	vm10 =	veq.f32 v51, v35;
	vm3 =	veq.f32 v57, v35  }
0x1a7: {  	v8 =	vsub.f32 v8, v35;
	vm11 =	veq.f32 v56, v35;
	v57 =	vsub.f32 v57, v35  }
0x1a8: {  	v56 =	vsub.f32 v56, v35;
	v6 =	vsel vm0, $0x3F800000, v1;
	vm0 =	vge.f32 v2, $1.414213540e+00  }
0x1a9: {  	v14 =	vsub.f32 v14, v35;
	v0 =	vsub.f32 v0, v35;
	v2 =	vsel vm0, v13, v2  }
0x1aa: {  	vm12 =	veq.f32 v54, v35;
	v60 =	vsub.f32 v41, v35;
	v13 =	vadd.f32 $1.000000000e+00, v2  }
0x1ab: {  	s11 =	sadd.s32 $0x80, s13;
	p0 =	sne.s32 s13, $0x1F80;
	s13 =	rddreg [dreg:$0xd];
	vm13 =	veq.f32 v43, v35;
	v54 =	vsub.f32 v54, v35;
	v46 =	vsub.f32 v46, v35  }
0x1ac: {  	v50 =	vsub.f32 v50, v35;
	vm14 =	veq.f32 v47, v35;
	[tilespmem:s13+$0x0] =	vst.add.f32.msk $0xffff, v6;
	v6 =	vpop (erf);
	(erf) = vrcp.f32 v13  }
0x1ad: {  	s31 =	rddreg [dreg:$0xe];
	vm4 =	veq.f32 v41, v35;
	v12 =	vsel vm1, $0x3F800000, v1;
	v8 =	vmul.f32 $1.442695020e+00, v8  }
0x1ae: {  	s12 =	rddreg [dreg:$0xf];
	vm15 =	veq.f32 v49, v35;
	v19 =	vsel vm2, $0x3F800000, v1;
	v63 =	vsel vm3, $0x3F800000, v1;
	[tilespmem:s31+$0x0] =	vst.add.f32.msk $0xffff, v12  }
0x1af: {  	s13 =	rddreg [dreg:$0x10];
	v12 =	vsel vm6, $0x3F800000, v1;
	[tilespmem:s12+$0x0] =	vst.add.f32.msk $0xffff, v63;
	v13 =	vsub.f32 v52, v35;
	(erf) = vpow2.f32 v8  }
0x1b0: {  	v0 =	vmul.f32 $1.442695020e+00, v0;
	v4 =	vmul.f32 $1.442695020e+00, v3;
	s31 =	rddreg [dreg:$0x11];
	v63 =	vsub.f32 v45, v35;
	[tilespmem:s13+$0x0] =	vst.add.f32.msk $0xffff, v12  }
0x1b1: {  	vm5 =	veq.f32 v45, v35;
	[tilespmem:s31+$0x0] =	vst.add.f32.msk $0xffff, v19;
	v19 =	vmul.f32 $1.442695020e+00, v57;
	v13 =	vmul.f32 $1.442695020e+00, v13  }
0x1b2: {  	s12 =	rddreg [dreg:$0x12];
	v57 =	vmul.f32 $1.442695020e+00, v60;
	v60 =	vmul.f32 $1.442695020e+00, v63;
	v63 =	vsel vm14, $0x3F800000, v1  }
0x1b3: {  	v25 =	vsel vm7, $0x3F800000, v1;
	v52 =	vmul.f32 $1.442695020e+00, v56;
	s31 =	rddreg [dreg:$0x13];
	[tilespmem:s12+$0x0] =	vst.add.f32.msk $0xffff, v63;
	(erf) = vpow2.f32 v13  }
0x1b4: {  	v27 =	vmovc v40;
	v40 =	vsel vm8, $0x3F800000, v1;
	v54 =	vmul.f32 $1.442695020e+00, v54;
	s13 =	rddreg [dreg:$0x14];
	[tilespmem:s31+$0x0] =	vst.add.f32.msk $0xffff, v25;
	(erf) = vpow2.f32 v4  }
0x1b5: {  	s4 =	rddreg [dreg:$0x15];
	v46 =	vmul.f32 $1.442695020e+00, v46;
	v12 =	vsel vm11, $0x3F800000, v1;
	[tilespmem:s13+$0x0] =	vst.add.f32.msk $0xffff, v40;
	v3 =	vpop (erf);
	(erf) = vpow2.f32 v52  }
0x1b6: {  	v33 =	vmovc v42;
	v42 =	vsel vm9, $0x3F800000, v1;
	s31 =	rddreg [dreg:$0x16];
	v13 =	vmul.f32 $1.442695020e+00, v14;
	[tilespmem:s4+$0x0] =	vst.add.f32.msk $0xffff, v12;
	(erf) = vpow2.f32 v19  }
0x1b7: {  	v2 =	vadd.f32 $-1.000000000e+00, v2;
	v8 =	vsub.f32 v44, v35;
	[tilespmem:s31+$0x0] =	vst.add.f32.msk $0xffff, v42;
	(erf) = vpow2.f32 v0  }
0x1b8: {  	v55 =	vsel vm10, $0x3F800000, v1;
	v37 =	vmul.f32 v6, v48;
	v19 =	vpop (erf);
	(erf) = vpow2.f32 v13;
	v13 =	vld [tilespmem:$0x1FFE0]  }
0x1b9: {  	v8 =	vmul.f32 $1.442695020e+00, v8;
	v12 =	vsel vm12, $0x3F800000, v1;
	[tilespmem:s22+$0x0] =	vst.add.f32.msk $0xffff, v55;
	v44 =	vmul.f32 v3, v2  }
0x1ba: {  	v14 =	vsub.f32 v43, v35;
	[tilespmem:s23+$0x0] =	vst.add.f32.msk $0xffff, v12;
	v12 =	vsel vm4, $0x3F800000, v1;
	v2 =	vmul.f32 $1.442695020e+00, v50  }
0x1bb: {  	[tilespmem:s24+$0x0] =	vst.add.f32.msk $0xffff, v12;
	v12 =	vsel vm5, $0x3F800000, v1;
	v47 =	vmul.f32 v44, v44;
	(erf) = vpow2.f32 v57  }
0x1bc: {  	v3 =	vsub.f32 v49, v35;
	v0 =	vsub.f32 v51, v35;
	(erf) = vpow2.f32 v8  }
0x1bd: {  	[tilespmem:s25+$0x0] =	vst.add.f32.msk $0xffff, v12;
	v41 =	vpop (erf);
	v8 =	vsel vm15, $0x3F800000, v1;
	(erf) = vpow2.f32 v60;
	v13 =	vmul.f32 v47, v13  }
.Ltmp1:
0x1be: {  	v3 =	vmul.f32 $1.442695020e+00, v3;
	v42 =	vpop (erf);
	[tilespmem:s26+$0x0] =	vst.add.f32.msk $0xffff, v8;
	v8 =	vsel vm13, $0x3F800000, v1;
	(erf) = vpow2.f32 v54;
	(pc) =	sbr.rel @p0 .LBB2_4-.Ltmp1, $4  }
0x1bf: {  	[tilespmem:s28+$0x0] =	vst.add.f32.msk $0xffff, v8;
	v8 =	vimm.s32 $0x0;
	v12 =	vadd.f32 $1.428571490e-01, v13;
	v13 =	vmul.f32 $1.442695020e+00, v14  }
0x1c0: {  	v8 =	vsel vm0, $0x1, v8;
	v40 =	vpop (erf);
	(erf) = vpow2.f32 v3;
	v3 =	vmul.f32 v6, v38  }
0x1c1: {  	v43 =	vmul.f32 $1.442695020e+00, v0;
	v55 =	vadd.s32 v8, v53;
	v38 =	vmovc v19;
	(erf) = vpow2.f32 v13  }
0x1c2: {  	s0 =	sadd.s32 $0x10, s0;
	s13 =	smov.u32 s11;
	v54 =	vpop (erf);
	v39 =	vadd.f32 v3, v39;
	v56 =	vmul.f32 v12, v47;
	(erf) = vpow2.f32 v2  }
0x1c3: {  	(erf) = vpow2.f32 v46;
	v53 =	vpop (erf)  }
0x1c4: {  	v0 =	vpop (erf);
	(erf) = vpow2.f32 v43  }
0x1c5: {  	v48 =	vpop (erf)  }
0x1c6: {  	v2 =	vpop (erf)  }
0x1c7: {  	v46 =	vpop (erf)  }
0x1c8: {  	v50 =	vpop (erf)  }
0x1c9: {  	v45 =	vpop (erf)  }
0x1ca: {  	v43 =	vpop (erf)  }
0x1cb: {  	v8 =	vadd.f32 v53, v41;
	v3 =	vadd.f32 v42, v0;
	v52 =	vpop (erf)  }
0x1cc: {  	v19 =	vadd.f32 v2, v54;
	v12 =	vadd.f32 v46, v48;
	v14 =	vpop (erf)  }
0x1cd: {  	v13 =	vadd.f32 v43, v45;
	v25 =	vadd.f32 v52, v40;
	v51 =	vpop (erf)  }
0x1ce: {  	v49 =	vadd.f32 v14, v38;
	v57 =	vadd.f32 v50, v51  }
0x1cf: {  	v3 =	vadd.f32 v8, v3;
	v12 =	vadd.f32 v13, v12  }
0x1d0: {  	v49 =	vadd.f32 v19, v49;
	v57 =	vadd.f32 v57, v25;
	_ =	sdelay $0x1  }
0x1d1: {  	v3 =	vadd.f32 v3, v49;
	v58 =	vadd.f32 v12, v57;
	_ =	sdelay $0x1  }
0x1d2: {  	v3 =	vadd.f32 v58, v3;
	_ =	sdelay $0x1  }
0x1d3: {  	v8 =	vand.u32 $0x7FFFFF, v3  }
0x1d4: {  	v8 =	vor.u32 $0x3F800000, v8  }
0x1d5: {  	v59 =	vmul.f32 $5.000000000e-01, v8  }
0x1d6: {  	vm0 =	vge.f32 v8, $1.414213540e+00  }
0x1d7: {  	v8 =	vsel vm0, v59, v8  }
0x1d8: {  	v12 =	vadd.f32 $1.000000000e+00, v8  }
0x1d9: {  	(erf) = vrcp.f32 v3  }
0x1da: {  	(erf) = vrcp.f32 v12;
	_ =	sdelay $0x7  }
0x1db: {  	v8 =	vadd.f32 $-1.000000000e+00, v8;
	v49 =	vpop (erf)  }
0x1dc: {  	v60 =	vld [tilespmem:$0x1FFE0];
	v12 =	vpop (erf)  }
0x1dd: {  	v8 =	vmul.f32 v12, v8;
	_ =	sdelay $0x1  }
0x1de: {  	v12 =	vmul.f32 v8, v8;
	_ =	sdelay $0x1  }
0x1df: {  	v13 =	vmul.f32 v12, v60;
	_ =	sdelay $0x1  }
0x1e0: {  	v13 =	vadd.f32 $1.428571490e-01, v13  }
0x1e1: {  	v63 =	vadd.f32 $2.000000030e-01, v56  }
0x1e2: {  	v13 =	vmul.f32 v13, v12  }
0x1e3: {  	v19 =	vmul.f32 v63, v47  }
0x1e4: {  	v13 =	vadd.f32 $2.000000030e-01, v13  }
0x1e5: {  	v19 =	vadd.f32 $3.333333430e-01, v19  }
0x1e6: {  	v4 =	vadd.s32 $0xFFFFFF81, v55;
	v13 =	vmul.f32 v13, v12  }
0x1e7: {  	v44 =	vadd.f32 v44, v44;
	v5 =	vimm.s32 $0x0;
	v19 =	vmul.f32 v19, v47  }
0x1e8: {  	v30 =	vmul.f32 v6, v30;
	v25 =	vcvt.s32.f32 v4;
	v13 =	vadd.f32 $3.333333430e-01, v13  }
0x1e9: {  	v19 =	vadd.f32 $1.000000000e+00, v19;
	v3 =	vshra.s32 v3, $0x17;
	v47 =	vsel vm0, $0x1, v5  }
0x1ea: {  	v21 =	vadd.f32 v30, v21;
	v30 =	vld [tilespmem:$0x8340];
	v3 =	vadd.s32 v47, v3;
	v12 =	vmul.f32 v13, v12  }
0x1eb: {  	v63 =	vld [tilespmem:$0x8210];
	v56 =	vmul.f32 $6.931471820e-01, v25;
	v55 =	vmul.f32 v19, v44;
	v3 =	vadd.s32 $0xFFFFFF81, v3  }
0x1ec: {  	v4 =	vld [tilespmem:$0x1FF60];
	v3 =	vcvt.s32.f32 v3;
	v8 =	vadd.f32 v8, v8;
	v12 =	vadd.f32 $1.000000000e+00, v12  }
0x1ed: {  	v25 =	vld [tilespmem:$0x1FF80];
	v2 =	vmul.f32 v49, v2  }
0x1ee: {  	v44 =	vld [tilespmem:$0x8220];
	v3 =	vmul.f32 $6.931471820e-01, v3;
	v13 =	vadd.f32 v55, v56;
	v8 =	vmul.f32 v12, v8  }
0x1ef: {  	v59 =	vld [tilespmem:$0x8200];
	v2 =	vadd.f32 v2, v21  }
0x1f0: {  	v21 =	vld [tilespmem:$0x82B0];
	v57 =	vadd.f32 v13, v61;
	v3 =	vadd.f32 v8, v3  }
0x1f1: {  	[tilespmem:$0x8030] =	vst v2;
	v2 =	vld [tilespmem:$0x8360]  }
0x1f2: {  	v60 =	vld [tilespmem:$0x8300];
	v58 =	vmul.f32 v57, v57;
	v3 =	vadd.f32 v3, v35  }
0x1f3: {  	v56 =	vld [tilespmem:$0x8320];
	v61 =	vmul.f32 v6, v36  }
0x1f4: {  	v36 =	vmul.f32 v49, v38;
	v38 =	vld [tilespmem:$0x8310];
	v8 =	vadd.f32 v58, v34;
	v3 =	vmul.f32 v3, v3  }
0x1f5: {  	v47 =	vmul.f32 v6, v26;
	v57 =	vld [tilespmem:$0x8230]  }
0x1f6: {  	v7 =	vadd.f32 v61, v7;
	v61 =	vmul.f32 v6, v32;
	v32 =	vld [tilespmem:$0x8250];
	v3 =	vadd.f32 v3, v8  }
0x1f7: {  	v14 =	vmul.f32 v49, v14;
	v55 =	vadd.f32 v36, v39;
	v39 =	vld [tilespmem:$0x8270]  }
0x1f8: {  	v58 =	vadd.f32 v47, v31;
	v31 =	vmul.f32 v6, v33;
	v33 =	vld [tilespmem:$0x8350];
	[tilespmem:$0x8400] =	vst v3;
	v3 =	vadd.f32 v60, v59  }
0x1f9: {  	v0 =	vmul.f32 v49, v0;
	v7 =	vadd.f32 v14, v7;
	[tilespmem:$0x8000] =	vst v55;
	v18 =	vadd.f32 v61, v18;
	v60 =	vld [tilespmem:$0x8330]  }
0x1fa: {  	v36 =	vmul.f32 v49, v42;
	v61 =	vld [tilespmem:$0x83A0];
	[tilespmem:$0x8200] =	vst v3;
	v3 =	vadd.f32 v38, v63  }
0x1fb: {  	v34 =	vmul.f32 v6, v28;
	[tilespmem:$0x8010] =	vst v7;
	v14 =	vadd.f32 v31, v23;
	v0 =	vadd.f32 v0, v18;
	v63 =	vld [tilespmem:$0x8240]  }
0x1fc: {  	v26 =	vmul.f32 v6, v25;
	v28 =	vld [tilespmem:$0x83C0];
	[tilespmem:$0x8210] =	vst v3;
	v3 =	vadd.f32 v56, v44  }
0x1fd: {  	v41 =	vmul.f32 v49, v41;
	v35 =	vld [tilespmem:$0x8260];
	v17 =	vadd.f32 v34, v17;
	v14 =	vadd.f32 v36, v14;
	[tilespmem:$0x8040] =	vst v0  }
0x1fe: {  	v34 =	vld [tilespmem:$0x82E0];
	[tilespmem:$0x8220] =	vst v3;
	v3 =	vadd.f32 v60, v57  }
0x1ff: {  	v11 =	vadd.f32 v26, v11;
	v31 =	vmul.f32 v49, v48;
	v0 =	vld [tilespmem:$0x8370];
	v17 =	vadd.f32 v41, v17;
	[tilespmem:$0x8050] =	vst v14  }
0x200: {  	v41 =	vld [tilespmem:$0x1FF50];
	[tilespmem:$0x8230] =	vst v3;
	v3 =	vadd.f32 v30, v63  }
0x201: {  	v11 =	vadd.f32 v31, v11;
	[tilespmem:$0x8060] =	vst v17;
	v59 =	vmul.f32 v49, v54;
	v54 =	vld [tilespmem:$0x8380]  }
0x202: {  	v38 =	vmul.f32 v6, v62;
	v44 =	vld [tilespmem:$0x8280];
	[tilespmem:$0x8240] =	vst v3;
	v3 =	vadd.f32 v33, v32  }
0x203: {  	v55 =	vmul.f32 v6, v22;
	[tilespmem:$0x80C0] =	vst v11;
	v2 =	vadd.f32 v2, v35;
	v13 =	vadd.f32 v59, v58;
	v58 =	vld [tilespmem:$0x8390]  }
0x204: {  	v53 =	vmul.f32 v49, v53;
	v59 =	vmul.f32 v6, v24;
	v47 =	vadd.f32 v38, v29;
	[tilespmem:$0x8250] =	vst v3;
	v3 =	vld [tilespmem:$0x8290]  }
0x205: {  	v42 =	vmul.f32 v6, v27;
	v5 =	vadd.f32 v55, v4;
	[tilespmem:$0x8260] =	vst v2;
	v0 =	vadd.f32 v0, v39;
	v2 =	vld [tilespmem:$0x82A0]  }
0x206: {  	v23 =	vmul.f32 v49, v51;
	v39 =	vld [tilespmem:$0x1FF90];
	[tilespmem:$0x8020] =	vst v13;
	v22 =	vadd.f32 v59, v16;
	v13 =	vadd.f32 v53, v47  }
0x207: {  	v4 =	vadd.f32 v37, v41;
	v62 =	vld [tilespmem:$0x1FFA0];
	[tilespmem:$0x8270] =	vst v0;
	v0 =	vadd.f32 v54, v44  }
0x208: {  	v24 =	vld [tilespmem:$0x83B0];
	v56 =	vadd.f32 v42, v15;
	v42 =	vmul.f32 v49, v45;
	v14 =	vadd.f32 v23, v22;
	[tilespmem:$0x8070] =	vst v13  }
0x209: {  	v29 =	vld [tilespmem:$0x1FF70];
	[tilespmem:$0x8280] =	vst v0;
	v0 =	vadd.f32 v58, v3  }
0x20a: {  	v57 =	vmul.f32 v49, v40;
	v4 =	vadd.f32 v42, v4;
	[tilespmem:$0x80A0] =	vst v14;
	v3 =	vld [tilespmem:$0x82C0]  }
0x20b: {  	v33 =	vld [tilespmem:$0x83D0];
	[tilespmem:$0x8290] =	vst v0;
	v0 =	vadd.f32 v61, v2  }
0x20c: {  	v60 =	vmul.f32 v49, v52;
	v12 =	vadd.f32 v57, v56;
	v63 =	vmul.f32 v6, v62;
	[tilespmem:$0x80E0] =	vst v4;
	v2 =	vld [tilespmem:$0x82D0]  }
0x20d: {  	v27 =	vmul.f32 v49, v50;
	v36 =	vmul.f32 v49, v46;
	v46 =	vld [tilespmem:$0x1FFF0];
	[tilespmem:$0x82A0] =	vst v0;
	v0 =	vadd.f32 v24, v21  }
0x20e: {  	v38 =	vld [tilespmem:$0x83E0];
	v5 =	vadd.f32 v60, v5;
	v30 =	vmul.f32 v6, v29;
	[tilespmem:$0x8080] =	vst v12;
	v15 =	vadd.f32 v63, v20  }
0x20f: {  	v44 =	vld [tilespmem:$0x83F0];
	[tilespmem:$0x82B0] =	vst v0;
	v0 =	vadd.f32 v28, v3  }
0x210: {  	v40 =	vmul.f32 v6, v39;
	[tilespmem:$0x8090] =	vst v5;
	v35 =	vadd.f32 v30, v10;
	v32 =	vadd.f32 v27, v15;
	v3 =	vld [tilespmem:$0x82F0]  }
0x211: {  	[tilespmem:$0x82C0] =	vst v0;
	v0 =	vadd.f32 v33, v2  }
0x212: {  	v45 =	vmul.f32 v49, v43;
	v8 =	vadd.f32 v36, v35;
	[tilespmem:$0x80B0] =	vst v32;
	v2 =	vadd.f32 v40, v9  }
0x213: {  	[tilespmem:$0x82D0] =	vst v0;
	v0 =	vadd.f32 v38, v34  }
0x214: {  	v47 =	vor.u32 $0x1, v46;
	[tilespmem:$0x80D0] =	vst v8;
	v2 =	vadd.f32 v45, v2  }
0x215: {  	v49 =	vor.u32 $0x5, v46;
	[tilespmem:$0x82E0] =	vst v0;
	v0 =	vadd.f32 v44, v3  }
0x216: {  	v51 =	vor.u32 $0x6, v46;
	[tilespmem:$0x80F0] =	vst v2  }
0x217: {  	v53 =	vor.u32 $0x7, v46;
	[tilespmem:$0x82F0] =	vst v0  }
0x218: {  	v54 =	vor.u32 $0x8, v46;
	v48 =	vld.idx.msk [tilespmem:v46+s29+$0x0], $0xffff  }
0x219: {  	v55 =	vor.u32 $0x9, v46;
	v50 =	vld.idx.msk [tilespmem:v47+s29+$0x0], $0xffff  }
0x21a: {  	v57 =	vor.u32 $0xA, v46;
	v56 =	vld.idx.msk [tilespmem:v49+s29+$0x0], $0xffff  }
0x21b: {  	v59 =	vor.u32 $0xB, v46;
	v58 =	vld.idx.msk [tilespmem:v51+s29+$0x0], $0xffff  }
0x21c: {  	v61 =	vor.u32 $0xC, v46;
	v60 =	vld.idx.msk [tilespmem:v53+s29+$0x0], $0xffff  }
0x21d: {  	v63 =	vor.u32 $0xD, v46;
	v62 =	vld.idx.msk [tilespmem:v54+s29+$0x0], $0xffff  }
0x21e: {  	v37 =	vor.u32 $0xE, v46;
	v36 =	vld.idx.msk [tilespmem:v55+s29+$0x0], $0xffff  }
0x21f: {  	v39 =	vor.u32 $0xF, v46;
	v38 =	vld.idx.msk [tilespmem:v57+s29+$0x0], $0xffff  }
0x220: {  	v40 =	vld.idx.msk [tilespmem:v59+s29+$0x0], $0xffff  }
0x221: {  	v41 =	vld.idx.msk [tilespmem:v61+s29+$0x0], $0xffff  }
0x222: {  	v42 =	vld.idx.msk [tilespmem:v63+s29+$0x0], $0xffff  }
0x223: {  	v43 =	vld.idx.msk [tilespmem:v37+s29+$0x0], $0xffff  }
0x224: {  	v44 =	vld.idx.msk [tilespmem:v39+s29+$0x0], $0xffff  }
0x225: {  	v32 =	vld.idx.msk [tilespmem:v46+s15+$0x0], $0xffff  }
0x226: {  	v4 =	vld.idx.msk [tilespmem:v47+s15+$0x0], $0xffff  }
0x227: {  	v6 =	vld.idx.msk [tilespmem:v49+s15+$0x0], $0xffff  }
0x228: {  	v8 =	vld.idx.msk [tilespmem:v51+s15+$0x0], $0xffff  }
0x229: {  	v10 =	vld.idx.msk [tilespmem:v53+s15+$0x0], $0xffff  }
0x22a: {  	v12 =	vld.idx.msk [tilespmem:v54+s15+$0x0], $0xffff  }
0x22b: {  	v14 =	vld.idx.msk [tilespmem:v55+s15+$0x0], $0xffff  }
0x22c: {  	v3 =	vor.u32 $0x2, v46;
	v16 =	vld.idx.msk [tilespmem:v57+s15+$0x0], $0xffff  }
0x22d: {  	v2 =	vor.u32 $0x3, v46;
	v18 =	vld.idx.msk [tilespmem:v59+s15+$0x0], $0xffff  }
0x22e: {  	v0 =	vor.u32 $0x4, v46;
	v46 =	vld.idx.msk [tilespmem:v61+s15+$0x0], $0xffff  }
0x22f: {  	v49 =	vld.idx.msk [tilespmem:v63+s15+$0x0], $0xffff  }
0x230: {  	v55 =	vld.idx.msk [tilespmem:v39+s15+$0x0], $0xffff  }
0x231: {  	v52 =	vld.idx.msk [tilespmem:v3+s29+$0x0], $0xffff  }
0x232: {  	v11 =	vld.idx.msk [tilespmem:v2+s29+$0x0], $0xffff  }
0x233: {  	v3 =	vld.idx.msk [tilespmem:v3+s15+$0x0], $0xffff;
	v5 =	vadd.f32 v50, v48;
	v48 =	vadd.f32 v60, v58  }
0x234: {  	v2 =	vld.idx.msk [tilespmem:v2+s15+$0x0], $0xffff;
	v50 =	vadd.f32 v36, v62;
	v51 =	vadd.f32 v40, v38  }
0x235: {  	v13 =	vld.idx.msk [tilespmem:v0+s29+$0x0], $0xffff;
	v53 =	vadd.f32 v42, v41;
	v54 =	vadd.f32 v44, v43  }
0x236: {  	v0 =	vld.idx.msk [tilespmem:v0+s15+$0x0], $0xffff;
	v4 =	vadd.f32 v4, v32;
	v59 =	vadd.f32 v14, v12  }
0x237: {  	v60 =	vadd.f32 v18, v16;
	v45 =	vadd.f32 v11, v52;
	v52 =	vld.idx.msk [tilespmem:v37+s15+$0x0], $0xffff  }
0x238: {  	v9 =	vadd.f32 v49, v46;
	v57 =	vadd.f32 v51, v50  }
0x239: {  	v58 =	vadd.f32 v54, v53;
	v2 =	vadd.f32 v2, v3  }
0x23a: {  	v3 =	vadd.f32 v10, v8;
	v47 =	vadd.f32 v56, v13  }
0x23b: {  	v5 =	vadd.f32 v45, v5;
	v0 =	vadd.f32 v6, v0  }
0x23c: {  	v2 =	vadd.f32 v2, v4;
	v61 =	vadd.f32 v55, v52  }
0x23d: {  	v56 =	vadd.f32 v48, v47;
	v0 =	vadd.f32 v3, v0  }
0x23e: {  	v3 =	vadd.f32 v60, v59;
	v62 =	vadd.f32 v61, v9  }
0x23f: {  	v63 =	vadd.f32 v58, v57;
	v5 =	vadd.f32 v56, v5  }
0x240: {  	v0 =	vadd.f32 v0, v2;
	v2 =	vadd.f32 v62, v3  }
0x241: {  	v3 =	vadd.f32 v63, v5  }
0x242: {  	v0 =	vadd.f32 v2, v0  }
0x243: {  	[tilespmem:$0x8000] =	vst v3  }
0x244: {  	[tilespmem:$0x8200] =	vst v0  }
0x245: {  	[hbm4b:s7+s2] =	stream.linear.scatter [tilespmem:s29], [sflag:$0x3], $0x10, $0x38;
	[tilespmem:$0x8480] =	vst v63  }
0x246: {  	_ =	swait.ge [sflag:s30], $0x10  }
0x247: {  	[sflag:s30] =	ssyncset.done $0x0  }
0x248: {  	[sflag:s30] =	ssyncadd.s32 $0xFFFFFFF0  }
0x249: {  	[hbm4b:s8+s2] =	stream.linear.scatter [tilespmem:s15], [sflag:$0x3], $0x10, $0x38;
	[tilespmem:$0x8480] =	vst v63  }
0x24a: {  	s1 =	sadd.s32 $0x1, s1;
	_ =	swait.ge [sflag:s30], $0x10  }
0x24b: {  	p0 =	sne.s32 s1, s10;
	[sflag:s30] =	ssyncset.done $0x0  }
.Ltmp2:
0x24c: {  	s0 =	simm.s32 $0x8400;
	[sflag:s30] =	ssyncadd.s32 $0xFFFFFFF0;
	(pc) =	sbr.rel @p0 .LBB2_1-.Ltmp2, $4  }
0x24d: {  	[hbm4b:s9+s2] =	stream.linear.scatter [tilespmem:s0], [sflag:$0x3], $0x10, $0x38;
	[tilespmem:$0x8480] =	vst v63  }
0x24e: {  	_ =	swait.ge [sflag:s30], $0x10  }
0x24f: {  	[sflag:s30] =	ssyncset.done $0x0  }
0x250: {  	[sflag:s30] =	ssyncadd.s32 $0xFFFFFFF0  }
0x251: {  	_ =	sfence.sel $0x180000  }
0x252: {  	[bflag:$0x0] =	sbarrier.arrive $0xFFFF  }
0x253: {  	_ =	strace $0x90000047  }
0x254: {  	s0 =	stileid.u32;
	[bflag:$0x2] =	sbarrier.arrive $0xFFFF  }
0x255: {  	p0 =	sne.s32 s0, $0x0;
	s0 =	rddreg [dreg:$0x2]  }
0x256: {  	s0 =	sadd.s32 @!p0 $0x100000, s0  }
0x257: {  	[sflag:s0] =	ssyncadd.tile.s32 @!p0 $0x1;
	_ =	shalt  }
.Lfunc_end2:
_tile_overlayer_lowered:
.L_overlay_start_2:
0x258: {  	(tag) =	ssettag $0x2  }
0x259: {  	s0 =	rddreg [dreg:$0x0];
	s2 =	stileid.u32  }
0x25a: {  	s1 =	rddreg [dreg:$0x1];
	p0 =	sne.s32 s2, $0x0  }
0x25b: {  	s3 =	rddreg [dreg:$0x2];
	[bflag:$0x3] =	sbarrier.arrive $0xFFFF;
	s2 =	simm.s32 @!p0 $0x1C03  }
0x25c: {  	[timem:s3], [sflag:s2] =	dma.local @!p0 [hbm:s0], s1  }
0x25d: {  	s0 =	simm.s32 @!p0 $0x3  }
0x25e: {  	_ =	swait.ge @!p0 [sflag:s0], s1  }
0x25f: {  	s1 =	ssub.s32 @!p0 $0x0, s1;
	[sflag:s0] =	ssyncset.done @!p0 $0x0  }
0x260: {  	[sflag:s0] =	ssyncadd.s32 @!p0 s1  }
0x261: {  	[bflag:$0x3] =	sbarrier.arrive $0xFFFF  }
0x262: {  	_ =	shalt  }

</sc_bundles>
